<compile_context>
chip_gen: v7x
topology: tpu7x:2x2x1
jax: 0.10.2.dev20260603
libtpu: 0.0.44.dev20260713+nightly
codegen_flags: <defaults>
</compile_context>

<pallas_src>
import functools

import jax
import jax.numpy as jnp
from jax import lax
from jax.experimental import pallas as pl
from jax.experimental.pallas import tpu as pltpu
from jax.experimental.pallas import tpu_sc as plsc

NUM_ACTIONS = 100000
D_MODEL = 128
HALF = D_MODEL // 2
B = 4096
L = 200
TOKENS = B * L

CHUNK_TOKENS = [204800, 204800, 204800, 204800]
assert sum(CHUNK_TOKENS) == TOKENS

NW = 32
CHUNK = 128

VPAD = NUM_ACTIONS + 1


def _fuse_table(tableT, Wo_top):
    RBLK = 4096
    grid = (pl.cdiv(VPAD, RBLK),)

    def body(t_ref, w_ref, o_ref):
        o_ref[...] = lax.dot_general(
            t_ref[...],
            w_ref[...],
            (((0,), (0,)), ((), ())),
            preferred_element_type=jnp.float32,
        )

    return pl.pallas_call(
        body,
        grid=grid,
        in_specs=[
            pl.BlockSpec((HALF, RBLK), lambda i: (0, i)),
            pl.BlockSpec((HALF, D_MODEL), lambda i: (0, 0)),
        ],
        out_specs=pl.BlockSpec((RBLK, D_MODEL), lambda i: (i, 0)),
        out_shape=jax.ShapeDtypeStruct((VPAD, D_MODEL), jnp.float32),
    )(tableT, Wo_top)


NBUF = 4
LOOK = 2


def _sc_gather(types32, table2, chtok):
    rows_per_w = chtok // NW
    CHUNKS = rows_per_w // CHUNK
    mesh = plsc.VectorSubcoreMesh(core_axis_name="c", subcore_axis_name="s")

    @functools.partial(
        pl.kernel,
        out_type=jax.ShapeDtypeStruct((chtok, D_MODEL), jnp.float32),
        mesh=mesh,
        scratch_types=[
            pltpu.VMEM((CHUNKS, CHUNK), jnp.int32),
            [pltpu.VMEM((CHUNK, D_MODEL), jnp.float32) for _ in range(NBUF)],
            [pltpu.SemaphoreType.DMA for _ in range(NBUF)],
            [pltpu.SemaphoreType.DMA for _ in range(NBUF)],
        ],
    )
    def gather_kernel(idx_hbm, table_hbm, out_hbm, idx_v, bufs, gsem, osem):
        wid = lax.axis_index("s") * 2 + lax.axis_index("c")
        base = wid * rows_per_w
        pltpu.sync_copy(idx_hbm.at[wid], idx_v)

        def gath(j, s):
            pltpu.async_copy(table_hbm.at[idx_v.at[j]], bufs[s], gsem[s])

        def gath_wait(j, s):
            pltpu.make_async_copy(
                table_hbm.at[idx_v.at[j]], bufs[s], gsem[s]
            ).wait()

        def outc(j, s):
            pltpu.async_copy(
                bufs[s], out_hbm.at[pl.ds(base + j * CHUNK, CHUNK)], osem[s]
            )

        def outc_wait(j, s):
            pltpu.make_async_copy(
                bufs[s], out_hbm.at[pl.ds(base + j * CHUNK, CHUNK)], osem[s]
            ).wait()

        def prefetch(x, s):
            if isinstance(x, int) and x < NBUF:
                pass
            else:
                outc_wait(x - NBUF, s)
            gath(x, s)

        def process(j, s):
            gath_wait(j, s)
            outc(j, s)

        for j in range(LOOK):
            prefetch(j, j % NBUF)
        for j in range(LOOK):
            prefetch(j + LOOK, (j + LOOK) % NBUF)
            process(j, j % NBUF)

        G = (CHUNKS - 2 * LOOK) // NBUF
        def body(o, _):
            for k in range(NBUF):
                j = LOOK + o * NBUF + k
                prefetch(j + LOOK, k)
                process(j, (LOOK + k) % NBUF)
            return 0

        lax.fori_loop(0, G, body, 0)

        for j in range(LOOK + G * NBUF, CHUNKS):
            if j + LOOK < CHUNKS:
                prefetch(j + LOOK, (j + LOOK) % NBUF)
            process(j, j % NBUF)
        for j in range(CHUNKS - NBUF, CHUNKS):
            outc_wait(j, j % NBUF)

    return gather_kernel(types32, table2)


def _tc_tail(e2, cont3, Wc, bc2, Wo, bo2, gamma2, beta2, start, prev):
    TBLK = 8192
    nblk = e2.shape[0] // TBLK
    off = start // TBLK
    grid = (nblk,)

    def body(e_ref, c_ref, wc_ref, bc_ref, wo_ref, bo_ref, g_ref, b_ref,
             *rest):
        o_ref = rest[-1]
        wo_bot = wo_ref[...][HALF:, :]
        w2 = jnp.dot(wc_ref[...], wo_bot, preferred_element_type=jnp.float32)
        b2 = (
            jnp.dot(bc_ref[...], wo_bot, preferred_element_type=jnp.float32)
            + bo_ref[...]
        )
        o = (
            e_ref[...]
            + lax.dot_general(
                c_ref[...],
                w2,
                (((0,), (0,)), ((), ())),
                preferred_element_type=jnp.float32,
            )
            + b2
        )
        mu = jnp.mean(o, axis=-1, keepdims=True)
        d = o - mu
        var = jnp.mean(d * d, axis=-1, keepdims=True)
        y = d * lax.rsqrt(var + 1e-5)
        o_ref[...] = y * g_ref[...] + b_ref[...]

    def wspec(shape):
        return pl.BlockSpec(shape, lambda i: (0, 0))

    in_specs = [
        pl.BlockSpec((TBLK, D_MODEL), lambda i: (i, 0)),
        pl.BlockSpec((3, TBLK), lambda i, c=off: (0, i + c)),
        wspec((3, HALF)),
        wspec((1, HALF)),
        wspec((D_MODEL, D_MODEL)),
        wspec((1, D_MODEL)),
        wspec((1, D_MODEL)),
        wspec((1, D_MODEL)),
    ]
    args = [e2, cont3, Wc, bc2, Wo, bo2, gamma2, beta2]
    io_aliases = {}
    if prev is not None:
        in_specs.append(pl.BlockSpec(memory_space=pl.ANY))
        args.append(prev)
        io_aliases = {8: 0}

    return pl.pallas_call(
        body,
        grid=grid,
        in_specs=in_specs,
        out_specs=pl.BlockSpec(
            (TBLK, D_MODEL), lambda i, c=off: (i + c, 0)
        ),
        out_shape=jax.ShapeDtypeStruct((TOKENS, D_MODEL), jnp.float32),
        input_output_aliases=io_aliases,
    )(*args)


def kernel(types, cont, table, Wc, bc, Wo, bo, gamma, beta):
    types_flat = types.astype(jnp.int32).reshape(TOKENS)
    table2 = _fuse_table(table.T, Wo[:HALF, :])
    cont3 = jnp.transpose(cont, (2, 0, 1)).reshape(3, TOKENS)
    bc2 = bc.reshape(1, HALF)
    bo2 = bo.reshape(1, D_MODEL)
    gamma2 = gamma.reshape(1, D_MODEL)
    beta2 = beta.reshape(1, D_MODEL)

    starts = [sum(CHUNK_TOKENS[:c]) for c in range(len(CHUNK_TOKENS))]
    e2s = []
    for c, chtok in enumerate(CHUNK_TOKENS):
        idx = types_flat[starts[c] : starts[c] + chtok].reshape(
            NW, chtok // NW // CHUNK, CHUNK
        )
        e2s.append(_sc_gather(idx, table2, chtok))
    out = None
    for c, chtok in enumerate(CHUNK_TOKENS):
        out = _tc_tail(
            e2s[c], cont3, Wc, bc2, Wo, bo2, gamma2, beta2, starts[c], out
        )
    return out.reshape(B, L, D_MODEL)

# --- scband reference (transcript-rebuilt; emitter-appended) ---
"""Pipeline reference for scband-action-encoder-47021301957187 (READ-ONLY COPY).

The authoritative reference and input builder live on the scoring server;
editing this copy changes nothing except your own understanding.
"""

import jax, jax.numpy as jnp
import numpy as np

NUM_ACTIONS = 100000
D_MODEL = 128
HALF = D_MODEL // 2
B = 4096
L = 200


def setup_inputs(seed: int = 0) -> dict:
    key = jax.random.key(seed)
    ks = jax.random.split(key, 9)
    types = jax.random.randint(ks[0], (B, L), 0, NUM_ACTIONS + 1)
    cont = jax.random.normal(ks[1], (B, L, 3), dtype=jnp.float32)
    # nn.Embedding(num_actions+1, half, padding_idx=num_actions): padding row is zero
    table = jax.random.normal(ks[2], (NUM_ACTIONS + 1, HALF), dtype=jnp.float32)
    table = table.at[NUM_ACTIONS].set(0.0)
    # nn.Linear(3, d_model-half)
    Wc = jax.random.normal(ks[3], (3, D_MODEL - HALF), dtype=jnp.float32) * (1.0 / np.sqrt(3.0))
    bc = jax.random.normal(ks[4], (D_MODEL - HALF,), dtype=jnp.float32) * (1.0 / np.sqrt(3.0))
    # nn.Linear(d_model, d_model)
    Wo = jax.random.normal(ks[5], (D_MODEL, D_MODEL), dtype=jnp.float32) * (1.0 / np.sqrt(D_MODEL))
    bo = jax.random.normal(ks[6], (D_MODEL,), dtype=jnp.float32) * (1.0 / np.sqrt(D_MODEL))
    # LayerNorm affine params
    gamma = jnp.ones((D_MODEL,), dtype=jnp.float32)
    beta = jnp.zeros((D_MODEL,), dtype=jnp.float32)
    return {"types": types, "cont": cont, "table": table, "Wc": Wc, "bc": bc,
            "Wo": Wo, "bo": bo, "gamma": gamma, "beta": beta}


def reference(types, cont, table, Wc, bc, Wo, bo, gamma, beta):
    # embedding lookup (SparseCore gather)
    e = jnp.take(table, types, axis=0)                 # [B, L, HALF]
    c = cont @ Wc + bc                                 # [B, L, D_MODEL-HALF]
    h = jnp.concatenate([e, c], axis=-1)               # [B, L, D_MODEL]
    o = h @ Wo + bo                                    # [B, L, D_MODEL]
    mu = jnp.mean(o, axis=-1, keepdims=True)
    var = jnp.mean((o - mu) ** 2, axis=-1, keepdims=True)
    y = (o - mu) / jnp.sqrt(var + 1e-5)
    return y * gamma + beta

if __name__ == "__main__":
    import jax
    _d = setup_inputs()
    print(jax.jit(kernel)(*tuple(_d.values())))

</pallas_src>

<mosaic_0001>
#map = affine_map<(d0, d1) -> (0, 0, 0)>
#map1 = affine_map<(d0, d1) -> (0, 0)>
module attributes {stable_mosaic.version = 14 : i64} {
  func.func @gather_kernel(%arg0: i32, %arg1: i32, %arg2: memref<32x50x128xi32, #tpu.memory_space<hbm>>, %arg3: memref<100001x128xf32, #tpu.memory_space<hbm>>, %arg4: memref<204800x128xf32, #tpu.memory_space<hbm>>, %arg5: memref<50x128xi32, #tpu.memory_space<vmem>>, %arg6: memref<128x128xf32, #tpu.memory_space<vmem>>, %arg7: memref<128x128xf32, #tpu.memory_space<vmem>>, %arg8: memref<128x128xf32, #tpu.memory_space<vmem>>, %arg9: memref<128x128xf32, #tpu.memory_space<vmem>>, %arg10: memref<!tpu.dma_semaphore, #tpu.memory_space<semaphore_mem>>, %arg11: memref<!tpu.dma_semaphore, #tpu.memory_space<semaphore_mem>>, %arg12: memref<!tpu.dma_semaphore, #tpu.memory_space<semaphore_mem>>, %arg13: memref<!tpu.dma_semaphore, #tpu.memory_space<semaphore_mem>>, %arg14: memref<!tpu.dma_semaphore, #tpu.memory_space<semaphore_mem>>, %arg15: memref<!tpu.dma_semaphore, #tpu.memory_space<semaphore_mem>>, %arg16: memref<!tpu.dma_semaphore, #tpu.memory_space<semaphore_mem>>, %arg17: memref<!tpu.dma_semaphore, #tpu.memory_space<semaphore_mem>>) attributes {dimension_semantics = [#tpu.dimension_semantics<core_parallel>, #tpu.dimension_semantics<subcore_parallel>], iteration_bounds = array<i64: 2, 16>, scalar_prefetch = 0 : i64, scratch_operands = 13 : i64, tpu.core_type = #tpu.core_type<sc_vector_subcore>, window_params = [{transform_indices = #map}, {transform_indices = #map1}, {transform_indices = #map1}]} {
    %mul3A = arith.constant 2 : i32
    %mul3A_0 = arith.muli %arg1, %mul3A : i32
    %add3A = arith.addi %mul3A_0, %arg0 : i32
    %mul3A_1 = arith.constant 6400 : i32
    %mul3A_2 = arith.muli %add3A, %mul3A_1 : i32
    "tpu.region"() ({
      %run_scoped3A = tpu.sem_alloc : memref<!tpu.dma_semaphore, #tpu.memory_space<semaphore_mem>>
      %dma_start3A_163 = arith.constant 0 : i32
      %dma_start3A_164 = arith.constant 0 : i32
      %dma_start3A_165 = tpu.memref_slice %arg2[%add3A, %dma_start3A_163, %dma_start3A_164] : memref<32x50x128xi32, #tpu.memory_space<hbm>> -> memref<1x50x128xi32, #tpu.memory_space<hbm>>
      %dma_start3A_166 = tpu.memref_squeeze %dma_start3A_165 : memref<1x50x128xi32, #tpu.memory_space<hbm>> -> memref<50x128xi32, #tpu.memory_space<hbm>>
      %dma_start3A_167 = arith.constant 0 : i32
      %dma_start3A_168 = arith.constant 0 : i32
      %dma_start3A_169 = tpu.memref_slice %arg2[%add3A, %dma_start3A_167, %dma_start3A_168] : memref<32x50x128xi32, #tpu.memory_space<hbm>> -> memref<1x50x128xi32, #tpu.memory_space<hbm>>
      %dma_start3A_170 = tpu.memref_squeeze %dma_start3A_169 : memref<1x50x128xi32, #tpu.memory_space<hbm>> -> memref<50x128xi32, #tpu.memory_space<hbm>>
      tpu.enqueue_dma source(%dma_start3A_170 : memref<50x128xi32, #tpu.memory_space<hbm>>) target(%arg5 : memref<50x128xi32, #tpu.memory_space<vmem>>) target_semaphore(%run_scoped3A : memref<!tpu.dma_semaphore, #tpu.memory_space<semaphore_mem>>)
      %dma_wait3A_171 = arith.constant 0 : i32
      %dma_wait3A_172 = arith.constant 0 : i32
      %dma_wait3A_173 = tpu.memref_slice %arg2[%add3A, %dma_wait3A_171, %dma_wait3A_172] : memref<32x50x128xi32, #tpu.memory_space<hbm>> -> memref<1x50x128xi32, #tpu.memory_space<hbm>>
      %dma_wait3A_174 = tpu.memref_squeeze %dma_wait3A_173 : memref<1x50x128xi32, #tpu.memory_space<hbm>> -> memref<50x128xi32, #tpu.memory_space<hbm>>
      %dma_wait3A_175 = arith.constant 0 : i32
      %dma_wait3A_176 = arith.constant 0 : i32
      %dma_wait3A_177 = tpu.memref_slice %arg2[%add3A, %dma_wait3A_175, %dma_wait3A_176] : memref<32x50x128xi32, #tpu.memory_space<hbm>> -> memref<1x50x128xi32, #tpu.memory_space<hbm>>
      %dma_wait3A_178 = tpu.memref_squeeze %dma_wait3A_177 : memref<1x50x128xi32, #tpu.memory_space<hbm>> -> memref<50x128xi32, #tpu.memory_space<hbm>>
      tpu.wait_dma2 semaphore(%run_scoped3A : memref<!tpu.dma_semaphore, #tpu.memory_space<semaphore_mem>>) src(%dma_wait3A_178 : memref<50x128xi32, #tpu.memory_space<hbm>>) dst(%arg5 : memref<50x128xi32, #tpu.memory_space<vmem>>)
      tpu.yield
    }) : () -> ()
    %dma_start3A = arith.constant 0 : i32
    %dma_start3A_3 = arith.constant 0 : i32
    %dma_start3A_4 = tpu.memref_slice %arg5[%dma_start3A, %dma_start3A_3] : memref<50x128xi32, #tpu.memory_space<vmem>> -> memref<1x128xi32, #tpu.memory_space<vmem>>
    %dma_start3A_5 = tpu.memref_squeeze %dma_start3A_4 : memref<1x128xi32, #tpu.memory_space<vmem>> -> memref<128xi32, #tpu.memory_space<vmem>>
    %dma_start3A_6 = arith.constant 0 : i32
    %dma_start3A_7 = arith.constant 0 : i32
    %dma_start3A_8 = tpu.memref_slice %arg3[%dma_start3A_6, %dma_start3A_7] : memref<100001x128xf32, #tpu.memory_space<hbm>> -> memref<100001x128xf32, #tpu.memory_space<hbm>>
    tpu.enqueue_indirect_dma source(%dma_start3A_8 : memref<100001x128xf32, #tpu.memory_space<hbm>>) target(%arg6 : memref<128x128xf32, #tpu.memory_space<vmem>>) offsets(%dma_start3A_5 : memref<128xi32, #tpu.memory_space<vmem>>) semaphore(%arg10 : memref<!tpu.dma_semaphore, #tpu.memory_space<semaphore_mem>>)
    %dma_start3A_9 = arith.constant 1 : i32
    %dma_start3A_10 = arith.constant 0 : i32
    %dma_start3A_11 = tpu.memref_slice %arg5[%dma_start3A_9, %dma_start3A_10] : memref<50x128xi32, #tpu.memory_space<vmem>> -> memref<1x128xi32, #tpu.memory_space<vmem>>
    %dma_start3A_12 = tpu.memref_squeeze %dma_start3A_11 : memref<1x128xi32, #tpu.memory_space<vmem>> -> memref<128xi32, #tpu.memory_space<vmem>>
    %dma_start3A_13 = arith.constant 0 : i32
    %dma_start3A_14 = arith.constant 0 : i32
    %dma_start3A_15 = tpu.memref_slice %arg3[%dma_start3A_13, %dma_start3A_14] : memref<100001x128xf32, #tpu.memory_space<hbm>> -> memref<100001x128xf32, #tpu.memory_space<hbm>>
    tpu.enqueue_indirect_dma source(%dma_start3A_15 : memref<100001x128xf32, #tpu.memory_space<hbm>>) target(%arg7 : memref<128x128xf32, #tpu.memory_space<vmem>>) offsets(%dma_start3A_12 : memref<128xi32, #tpu.memory_space<vmem>>) semaphore(%arg11 : memref<!tpu.dma_semaphore, #tpu.memory_space<semaphore_mem>>)
    %dma_start3A_16 = arith.constant 2 : i32
    %dma_start3A_17 = arith.constant 0 : i32
    %dma_start3A_18 = tpu.memref_slice %arg5[%dma_start3A_16, %dma_start3A_17] : memref<50x128xi32, #tpu.memory_space<vmem>> -> memref<1x128xi32, #tpu.memory_space<vmem>>
    %dma_start3A_19 = tpu.memref_squeeze %dma_start3A_18 : memref<1x128xi32, #tpu.memory_space<vmem>> -> memref<128xi32, #tpu.memory_space<vmem>>
    %dma_start3A_20 = arith.constant 0 : i32
    %dma_start3A_21 = arith.constant 0 : i32
    %dma_start3A_22 = tpu.memref_slice %arg3[%dma_start3A_20, %dma_start3A_21] : memref<100001x128xf32, #tpu.memory_space<hbm>> -> memref<100001x128xf32, #tpu.memory_space<hbm>>
    tpu.enqueue_indirect_dma source(%dma_start3A_22 : memref<100001x128xf32, #tpu.memory_space<hbm>>) target(%arg8 : memref<128x128xf32, #tpu.memory_space<vmem>>) offsets(%dma_start3A_19 : memref<128xi32, #tpu.memory_space<vmem>>) semaphore(%arg12 : memref<!tpu.dma_semaphore, #tpu.memory_space<semaphore_mem>>)
    %dma_wait3A = arith.constant 0 : i32
    %dma_wait3A_23 = arith.constant 0 : i32
    %dma_wait3A_24 = tpu.memref_slice %arg5[%dma_wait3A, %dma_wait3A_23] : memref<50x128xi32, #tpu.memory_space<vmem>> -> memref<1x128xi32, #tpu.memory_space<vmem>>
    %dma_wait3A_25 = tpu.memref_squeeze %dma_wait3A_24 : memref<1x128xi32, #tpu.memory_space<vmem>> -> memref<128xi32, #tpu.memory_space<vmem>>
    %dma_wait3A_26 = arith.constant 0 : i32
    %dma_wait3A_27 = arith.constant 0 : i32
    %dma_wait3A_28 = tpu.memref_slice %arg3[%dma_wait3A_26, %dma_wait3A_27] : memref<100001x128xf32, #tpu.memory_space<hbm>> -> memref<100001x128xf32, #tpu.memory_space<hbm>>
    tpu.wait_indirect_dma semaphore(%arg10 : memref<!tpu.dma_semaphore, #tpu.memory_space<semaphore_mem>>) src(%dma_wait3A_28 : memref<100001x128xf32, #tpu.memory_space<hbm>>) dst(%arg6 : memref<128x128xf32, #tpu.memory_space<vmem>>)
    %add3A_29 = arith.constant 0 : i32
    %add3A_30 = arith.addi %mul3A_2, %add3A_29 : i32
    %dma_start3A_31 = arith.constant 0 : i32
    %dma_start3A_32 = tpu.memref_slice %arg4[%add3A_30, %dma_start3A_31] : memref<204800x128xf32, #tpu.memory_space<hbm>> -> memref<128x128xf32, #tpu.memory_space<hbm>>
    %dma_start3A_33 = arith.constant 0 : i32
    %dma_start3A_34 = tpu.memref_slice %arg4[%add3A_30, %dma_start3A_33] : memref<204800x128xf32, #tpu.memory_space<hbm>> -> memref<128x128xf32, #tpu.memory_space<hbm>>
    tpu.enqueue_dma source(%arg6 : memref<128x128xf32, #tpu.memory_space<vmem>>) target(%dma_start3A_34 : memref<128x128xf32, #tpu.memory_space<hbm>>) target_semaphore(%arg14 : memref<!tpu.dma_semaphore, #tpu.memory_space<semaphore_mem>>)
    %dma_start3A_35 = arith.constant 3 : i32
    %dma_start3A_36 = arith.constant 0 : i32
    %dma_start3A_37 = tpu.memref_slice %arg5[%dma_start3A_35, %dma_start3A_36] : memref<50x128xi32, #tpu.memory_space<vmem>> -> memref<1x128xi32, #tpu.memory_space<vmem>>
    %dma_start3A_38 = tpu.memref_squeeze %dma_start3A_37 : memref<1x128xi32, #tpu.memory_space<vmem>> -> memref<128xi32, #tpu.memory_space<vmem>>
    %dma_start3A_39 = arith.constant 0 : i32
    %dma_start3A_40 = arith.constant 0 : i32
    %dma_start3A_41 = tpu.memref_slice %arg3[%dma_start3A_39, %dma_start3A_40] : memref<100001x128xf32, #tpu.memory_space<hbm>> -> memref<100001x128xf32, #tpu.memory_space<hbm>>
    tpu.enqueue_indirect_dma source(%dma_start3A_41 : memref<100001x128xf32, #tpu.memory_space<hbm>>) target(%arg9 : memref<128x128xf32, #tpu.memory_space<vmem>>) offsets(%dma_start3A_38 : memref<128xi32, #tpu.memory_space<vmem>>) semaphore(%arg13 : memref<!tpu.dma_semaphore, #tpu.memory_space<semaphore_mem>>)
    %dma_wait3A_42 = arith.constant 1 : i32
    %dma_wait3A_43 = arith.constant 0 : i32
    %dma_wait3A_44 = tpu.memref_slice %arg5[%dma_wait3A_42, %dma_wait3A_43] : memref<50x128xi32, #tpu.memory_space<vmem>> -> memref<1x128xi32, #tpu.memory_space<vmem>>
    %dma_wait3A_45 = tpu.memref_squeeze %dma_wait3A_44 : memref<1x128xi32, #tpu.memory_space<vmem>> -> memref<128xi32, #tpu.memory_space<vmem>>
    %dma_wait3A_46 = arith.constant 0 : i32
    %dma_wait3A_47 = arith.constant 0 : i32
    %dma_wait3A_48 = tpu.memref_slice %arg3[%dma_wait3A_46, %dma_wait3A_47] : memref<100001x128xf32, #tpu.memory_space<hbm>> -> memref<100001x128xf32, #tpu.memory_space<hbm>>
    tpu.wait_indirect_dma semaphore(%arg11 : memref<!tpu.dma_semaphore, #tpu.memory_space<semaphore_mem>>) src(%dma_wait3A_48 : memref<100001x128xf32, #tpu.memory_space<hbm>>) dst(%arg7 : memref<128x128xf32, #tpu.memory_space<vmem>>)
    %add3A_49 = arith.constant 128 : i32
    %add3A_50 = arith.addi %mul3A_2, %add3A_49 : i32
    %dma_start3A_51 = arith.constant 0 : i32
    %dma_start3A_52 = tpu.memref_slice %arg4[%add3A_50, %dma_start3A_51] : memref<204800x128xf32, #tpu.memory_space<hbm>> -> memref<128x128xf32, #tpu.memory_space<hbm>>
    %dma_start3A_53 = arith.constant 0 : i32
    %dma_start3A_54 = tpu.memref_slice %arg4[%add3A_50, %dma_start3A_53] : memref<204800x128xf32, #tpu.memory_space<hbm>> -> memref<128x128xf32, #tpu.memory_space<hbm>>
    tpu.enqueue_dma source(%arg7 : memref<128x128xf32, #tpu.memory_space<vmem>>) target(%dma_start3A_54 : memref<128x128xf32, #tpu.memory_space<hbm>>) target_semaphore(%arg15 : memref<!tpu.dma_semaphore, #tpu.memory_space<semaphore_mem>>)
    %scan3A = arith.constant 0 : i32
    %scan3A_55 = arith.constant 0 : i32
    %scan3A_56 = arith.constant 11 : i32
    %scan3A_57 = arith.addi %scan3A_55, %scan3A_56 : i32
    %scan3A_58 = arith.constant 1 : i32
    %scan3A_59 = scf.for %scan3A_163 = %scan3A_55 to %scan3A_57 step %scan3A_58 iter_args(%scan3A_164 = %scan3A) -> (i32)  : i32 {
      %mul3A_165 = arith.constant 4 : i32
      %mul3A_166 = arith.muli %scan3A_163, %mul3A_165 : i32
      %add3A_167 = arith.constant 2 : i32
      %add3A_168 = arith.addi %add3A_167, %mul3A_166 : i32
      %add3A_169 = arith.constant 0 : i32
      %add3A_170 = arith.addi %add3A_168, %add3A_169 : i32
      %add3A_171 = arith.constant 2 : i32
      %add3A_172 = arith.addi %add3A_170, %add3A_171 : i32
      %sub3A = arith.constant 4 : i32
      %sub3A_173 = arith.subi %add3A_172, %sub3A : i32
      %mul3A_174 = arith.constant 128 : i32
      %mul3A_175 = arith.muli %sub3A_173, %mul3A_174 : i32
      %add3A_176 = arith.addi %mul3A_2, %mul3A_175 : i32
      %dma_wait3A_177 = arith.constant 0 : i32
      %dma_wait3A_178 = tpu.memref_slice %arg4[%add3A_176, %dma_wait3A_177] : memref<204800x128xf32, #tpu.memory_space<hbm>> -> memref<128x128xf32, #tpu.memory_space<hbm>>
      %dma_wait3A_179 = arith.constant 0 : i32
      %dma_wait3A_180 = tpu.memref_slice %arg4[%add3A_176, %dma_wait3A_179] : memref<204800x128xf32, #tpu.memory_space<hbm>> -> memref<128x128xf32, #tpu.memory_space<hbm>>
      tpu.wait_dma2 semaphore(%arg14 : memref<!tpu.dma_semaphore, #tpu.memory_space<semaphore_mem>>) src(%arg6 : memref<128x128xf32, #tpu.memory_space<vmem>>) dst(%dma_wait3A_180 : memref<128x128xf32, #tpu.memory_space<hbm>>)
      %dma_start3A_181 = arith.constant 0 : i32
      %dma_start3A_182 = tpu.memref_slice %arg5[%add3A_172, %dma_start3A_181] : memref<50x128xi32, #tpu.memory_space<vmem>> -> memref<1x128xi32, #tpu.memory_space<vmem>>
      %dma_start3A_183 = tpu.memref_squeeze %dma_start3A_182 : memref<1x128xi32, #tpu.memory_space<vmem>> -> memref<128xi32, #tpu.memory_space<vmem>>
      %dma_start3A_184 = arith.constant 0 : i32
      %dma_start3A_185 = arith.constant 0 : i32
      %dma_start3A_186 = tpu.memref_slice %arg3[%dma_start3A_184, %dma_start3A_185] : memref<100001x128xf32, #tpu.memory_space<hbm>> -> memref<100001x128xf32, #tpu.memory_space<hbm>>
      tpu.enqueue_indirect_dma source(%dma_start3A_186 : memref<100001x128xf32, #tpu.memory_space<hbm>>) target(%arg6 : memref<128x128xf32, #tpu.memory_space<vmem>>) offsets(%dma_start3A_183 : memref<128xi32, #tpu.memory_space<vmem>>) semaphore(%arg10 : memref<!tpu.dma_semaphore, #tpu.memory_space<semaphore_mem>>)
      %dma_wait3A_187 = arith.constant 0 : i32
      %dma_wait3A_188 = tpu.memref_slice %arg5[%add3A_170, %dma_wait3A_187] : memref<50x128xi32, #tpu.memory_space<vmem>> -> memref<1x128xi32, #tpu.memory_space<vmem>>
      %dma_wait3A_189 = tpu.memref_squeeze %dma_wait3A_188 : memref<1x128xi32, #tpu.memory_space<vmem>> -> memref<128xi32, #tpu.memory_space<vmem>>
      %dma_wait3A_190 = arith.constant 0 : i32
      %dma_wait3A_191 = arith.constant 0 : i32
      %dma_wait3A_192 = tpu.memref_slice %arg3[%dma_wait3A_190, %dma_wait3A_191] : memref<100001x128xf32, #tpu.memory_space<hbm>> -> memref<100001x128xf32, #tpu.memory_space<hbm>>
      tpu.wait_indirect_dma semaphore(%arg12 : memref<!tpu.dma_semaphore, #tpu.memory_space<semaphore_mem>>) src(%dma_wait3A_192 : memref<100001x128xf32, #tpu.memory_space<hbm>>) dst(%arg8 : memref<128x128xf32, #tpu.memory_space<vmem>>)
      %mul3A_193 = arith.constant 128 : i32
      %mul3A_194 = arith.muli %add3A_170, %mul3A_193 : i32
      %add3A_195 = arith.addi %mul3A_2, %mul3A_194 : i32
      %dma_start3A_196 = arith.constant 0 : i32
      %dma_start3A_197 = tpu.memref_slice %arg4[%add3A_195, %dma_start3A_196] : memref<204800x128xf32, #tpu.memory_space<hbm>> -> memref<128x128xf32, #tpu.memory_space<hbm>>
      %dma_start3A_198 = arith.constant 0 : i32
      %dma_start3A_199 = tpu.memref_slice %arg4[%add3A_195, %dma_start3A_198] : memref<204800x128xf32, #tpu.memory_space<hbm>> -> memref<128x128xf32, #tpu.memory_space<hbm>>
      tpu.enqueue_dma source(%arg8 : memref<128x128xf32, #tpu.memory_space<vmem>>) target(%dma_start3A_199 : memref<128x128xf32, #tpu.memory_space<hbm>>) target_semaphore(%arg16 : memref<!tpu.dma_semaphore, #tpu.memory_space<semaphore_mem>>)
      %mul3A_200 = arith.constant 4 : i32
      %mul3A_201 = arith.muli %scan3A_163, %mul3A_200 : i32
      %add3A_202 = arith.constant 2 : i32
      %add3A_203 = arith.addi %add3A_202, %mul3A_201 : i32
      %add3A_204 = arith.constant 1 : i32
      %add3A_205 = arith.addi %add3A_203, %add3A_204 : i32
      %add3A_206 = arith.constant 2 : i32
      %add3A_207 = arith.addi %add3A_205, %add3A_206 : i32
      %sub3A_208 = arith.constant 4 : i32
      %sub3A_209 = arith.subi %add3A_207, %sub3A_208 : i32
      %mul3A_210 = arith.constant 128 : i32
      %mul3A_211 = arith.muli %sub3A_209, %mul3A_210 : i32
      %add3A_212 = arith.addi %mul3A_2, %mul3A_211 : i32
      %dma_wait3A_213 = arith.constant 0 : i32
      %dma_wait3A_214 = tpu.memref_slice %arg4[%add3A_212, %dma_wait3A_213] : memref<204800x128xf32, #tpu.memory_space<hbm>> -> memref<128x128xf32, #tpu.memory_space<hbm>>
      %dma_wait3A_215 = arith.constant 0 : i32
      %dma_wait3A_216 = tpu.memref_slice %arg4[%add3A_212, %dma_wait3A_215] : memref<204800x128xf32, #tpu.memory_space<hbm>> -> memref<128x128xf32, #tpu.memory_space<hbm>>
      tpu.wait_dma2 semaphore(%arg15 : memref<!tpu.dma_semaphore, #tpu.memory_space<semaphore_mem>>) src(%arg7 : memref<128x128xf32, #tpu.memory_space<vmem>>) dst(%dma_wait3A_216 : memref<128x128xf32, #tpu.memory_space<hbm>>)
      %dma_start3A_217 = arith.constant 0 : i32
      %dma_start3A_218 = tpu.memref_slice %arg5[%add3A_207, %dma_start3A_217] : memref<50x128xi32, #tpu.memory_space<vmem>> -> memref<1x128xi32, #tpu.memory_space<vmem>>
      %dma_start3A_219 = tpu.memref_squeeze %dma_start3A_218 : memref<1x128xi32, #tpu.memory_space<vmem>> -> memref<128xi32, #tpu.memory_space<vmem>>
      %dma_start3A_220 = arith.constant 0 : i32
      %dma_start3A_221 = arith.constant 0 : i32
      %dma_start3A_222 = tpu.memref_slice %arg3[%dma_start3A_220, %dma_start3A_221] : memref<100001x128xf32, #tpu.memory_space<hbm>> -> memref<100001x128xf32, #tpu.memory_space<hbm>>
      tpu.enqueue_indirect_dma source(%dma_start3A_222 : memref<100001x128xf32, #tpu.memory_space<hbm>>) target(%arg7 : memref<128x128xf32, #tpu.memory_space<vmem>>) offsets(%dma_start3A_219 : memref<128xi32, #tpu.memory_space<vmem>>) semaphore(%arg11 : memref<!tpu.dma_semaphore, #tpu.memory_space<semaphore_mem>>)
      %dma_wait3A_223 = arith.constant 0 : i32
      %dma_wait3A_224 = tpu.memref_slice %arg5[%add3A_205, %dma_wait3A_223] : memref<50x128xi32, #tpu.memory_space<vmem>> -> memref<1x128xi32, #tpu.memory_space<vmem>>
      %dma_wait3A_225 = tpu.memref_squeeze %dma_wait3A_224 : memref<1x128xi32, #tpu.memory_space<vmem>> -> memref<128xi32, #tpu.memory_space<vmem>>
      %dma_wait3A_226 = arith.constant 0 : i32
      %dma_wait3A_227 = arith.constant 0 : i32
      %dma_wait3A_228 = tpu.memref_slice %arg3[%dma_wait3A_226, %dma_wait3A_227] : memref<100001x128xf32, #tpu.memory_space<hbm>> -> memref<100001x128xf32, #tpu.memory_space<hbm>>
      tpu.wait_indirect_dma semaphore(%arg13 : memref<!tpu.dma_semaphore, #tpu.memory_space<semaphore_mem>>) src(%dma_wait3A_228 : memref<100001x128xf32, #tpu.memory_space<hbm>>) dst(%arg9 : memref<128x128xf32, #tpu.memory_space<vmem>>)
      %mul3A_229 = arith.constant 128 : i32
      %mul3A_230 = arith.muli %add3A_205, %mul3A_229 : i32
      %add3A_231 = arith.addi %mul3A_2, %mul3A_230 : i32
      %dma_start3A_232 = arith.constant 0 : i32
      %dma_start3A_233 = tpu.memref_slice %arg4[%add3A_231, %dma_start3A_232] : memref<204800x128xf32, #tpu.memory_space<hbm>> -> memref<128x128xf32, #tpu.memory_space<hbm>>
      %dma_start3A_234 = arith.constant 0 : i32
      %dma_start3A_235 = tpu.memref_slice %arg4[%add3A_231, %dma_start3A_234] : memref<204800x128xf32, #tpu.memory_space<hbm>> -> memref<128x128xf32, #tpu.memory_space<hbm>>
      tpu.enqueue_dma source(%arg9 : memref<128x128xf32, #tpu.memory_space<vmem>>) target(%dma_start3A_235 : memref<128x128xf32, #tpu.memory_space<hbm>>) target_semaphore(%arg17 : memref<!tpu.dma_semaphore, #tpu.memory_space<semaphore_mem>>)
      %mul3A_236 = arith.constant 4 : i32
      %mul3A_237 = arith.muli %scan3A_163, %mul3A_236 : i32
      %add3A_238 = arith.constant 2 : i32
      %add3A_239 = arith.addi %add3A_238, %mul3A_237 : i32
      %add3A_240 = arith.constant 2 : i32
      %add3A_241 = arith.addi %add3A_239, %add3A_240 : i32
      %add3A_242 = arith.constant 2 : i32
      %add3A_243 = arith.addi %add3A_241, %add3A_242 : i32
      %sub3A_244 = arith.constant 4 : i32
      %sub3A_245 = arith.subi %add3A_243, %sub3A_244 : i32
      %mul3A_246 = arith.constant 128 : i32
      %mul3A_247 = arith.muli %sub3A_245, %mul3A_246 : i32
      %add3A_248 = arith.addi %mul3A_2, %mul3A_247 : i32
      %dma_wait3A_249 = arith.constant 0 : i32
      %dma_wait3A_250 = tpu.memref_slice %arg4[%add3A_248, %dma_wait3A_249] : memref<204800x128xf32, #tpu.memory_space<hbm>> -> memref<128x128xf32, #tpu.memory_space<hbm>>
      %dma_wait3A_251 = arith.constant 0 : i32
      %dma_wait3A_252 = tpu.memref_slice %arg4[%add3A_248, %dma_wait3A_251] : memref<204800x128xf32, #tpu.memory_space<hbm>> -> memref<128x128xf32, #tpu.memory_space<hbm>>
      tpu.wait_dma2 semaphore(%arg16 : memref<!tpu.dma_semaphore, #tpu.memory_space<semaphore_mem>>) src(%arg8 : memref<128x128xf32, #tpu.memory_space<vmem>>) dst(%dma_wait3A_252 : memref<128x128xf32, #tpu.memory_space<hbm>>)
      %dma_start3A_253 = arith.constant 0 : i32
      %dma_start3A_254 = tpu.memref_slice %arg5[%add3A_243, %dma_start3A_253] : memref<50x128xi32, #tpu.memory_space<vmem>> -> memref<1x128xi32, #tpu.memory_space<vmem>>
      %dma_start3A_255 = tpu.memref_squeeze %dma_start3A_254 : memref<1x128xi32, #tpu.memory_space<vmem>> -> memref<128xi32, #tpu.memory_space<vmem>>
      %dma_start3A_256 = arith.constant 0 : i32
      %dma_start3A_257 = arith.constant 0 : i32
      %dma_start3A_258 = tpu.memref_slice %arg3[%dma_start3A_256, %dma_start3A_257] : memref<100001x128xf32, #tpu.memory_space<hbm>> -> memref<100001x128xf32, #tpu.memory_space<hbm>>
      tpu.enqueue_indirect_dma source(%dma_start3A_258 : memref<100001x128xf32, #tpu.memory_space<hbm>>) target(%arg8 : memref<128x128xf32, #tpu.memory_space<vmem>>) offsets(%dma_start3A_255 : memref<128xi32, #tpu.memory_space<vmem>>) semaphore(%arg12 : memref<!tpu.dma_semaphore, #tpu.memory_space<semaphore_mem>>)
      %dma_wait3A_259 = arith.constant 0 : i32
      %dma_wait3A_260 = tpu.memref_slice %arg5[%add3A_241, %dma_wait3A_259] : memref<50x128xi32, #tpu.memory_space<vmem>> -> memref<1x128xi32, #tpu.memory_space<vmem>>
      %dma_wait3A_261 = tpu.memref_squeeze %dma_wait3A_260 : memref<1x128xi32, #tpu.memory_space<vmem>> -> memref<128xi32, #tpu.memory_space<vmem>>
      %dma_wait3A_262 = arith.constant 0 : i32
      %dma_wait3A_263 = arith.constant 0 : i32
      %dma_wait3A_264 = tpu.memref_slice %arg3[%dma_wait3A_262, %dma_wait3A_263] : memref<100001x128xf32, #tpu.memory_space<hbm>> -> memref<100001x128xf32, #tpu.memory_space<hbm>>
      tpu.wait_indirect_dma semaphore(%arg10 : memref<!tpu.dma_semaphore, #tpu.memory_space<semaphore_mem>>) src(%dma_wait3A_264 : memref<100001x128xf32, #tpu.memory_space<hbm>>) dst(%arg6 : memref<128x128xf32, #tpu.memory_space<vmem>>)
      %mul3A_265 = arith.constant 128 : i32
      %mul3A_266 = arith.muli %add3A_241, %mul3A_265 : i32
      %add3A_267 = arith.addi %mul3A_2, %mul3A_266 : i32
      %dma_start3A_268 = arith.constant 0 : i32
      %dma_start3A_269 = tpu.memref_slice %arg4[%add3A_267, %dma_start3A_268] : memref<204800x128xf32, #tpu.memory_space<hbm>> -> memref<128x128xf32, #tpu.memory_space<hbm>>
      %dma_start3A_270 = arith.constant 0 : i32
      %dma_start3A_271 = tpu.memref_slice %arg4[%add3A_267, %dma_start3A_270] : memref<204800x128xf32, #tpu.memory_space<hbm>> -> memref<128x128xf32, #tpu.memory_space<hbm>>
      tpu.enqueue_dma source(%arg6 : memref<128x128xf32, #tpu.memory_space<vmem>>) target(%dma_start3A_271 : memref<128x128xf32, #tpu.memory_space<hbm>>) target_semaphore(%arg14 : memref<!tpu.dma_semaphore, #tpu.memory_space<semaphore_mem>>)
      %mul3A_272 = arith.constant 4 : i32
      %mul3A_273 = arith.muli %scan3A_163, %mul3A_272 : i32
      %add3A_274 = arith.constant 2 : i32
      %add3A_275 = arith.addi %add3A_274, %mul3A_273 : i32
      %add3A_276 = arith.constant 3 : i32
      %add3A_277 = arith.addi %add3A_275, %add3A_276 : i32
      %add3A_278 = arith.constant 2 : i32
      %add3A_279 = arith.addi %add3A_277, %add3A_278 : i32
      %sub3A_280 = arith.constant 4 : i32
      %sub3A_281 = arith.subi %add3A_279, %sub3A_280 : i32
      %mul3A_282 = arith.constant 128 : i32
      %mul3A_283 = arith.muli %sub3A_281, %mul3A_282 : i32
      %add3A_284 = arith.addi %mul3A_2, %mul3A_283 : i32
      %dma_wait3A_285 = arith.constant 0 : i32
      %dma_wait3A_286 = tpu.memref_slice %arg4[%add3A_284, %dma_wait3A_285] : memref<204800x128xf32, #tpu.memory_space<hbm>> -> memref<128x128xf32, #tpu.memory_space<hbm>>
      %dma_wait3A_287 = arith.constant 0 : i32
      %dma_wait3A_288 = tpu.memref_slice %arg4[%add3A_284, %dma_wait3A_287] : memref<204800x128xf32, #tpu.memory_space<hbm>> -> memref<128x128xf32, #tpu.memory_space<hbm>>
      tpu.wait_dma2 semaphore(%arg17 : memref<!tpu.dma_semaphore, #tpu.memory_space<semaphore_mem>>) src(%arg9 : memref<128x128xf32, #tpu.memory_space<vmem>>) dst(%dma_wait3A_288 : memref<128x128xf32, #tpu.memory_space<hbm>>)
      %dma_start3A_289 = arith.constant 0 : i32
      %dma_start3A_290 = tpu.memref_slice %arg5[%add3A_279, %dma_start3A_289] : memref<50x128xi32, #tpu.memory_space<vmem>> -> memref<1x128xi32, #tpu.memory_space<vmem>>
      %dma_start3A_291 = tpu.memref_squeeze %dma_start3A_290 : memref<1x128xi32, #tpu.memory_space<vmem>> -> memref<128xi32, #tpu.memory_space<vmem>>
      %dma_start3A_292 = arith.constant 0 : i32
      %dma_start3A_293 = arith.constant 0 : i32
      %dma_start3A_294 = tpu.memref_slice %arg3[%dma_start3A_292, %dma_start3A_293] : memref<100001x128xf32, #tpu.memory_space<hbm>> -> memref<100001x128xf32, #tpu.memory_space<hbm>>
      tpu.enqueue_indirect_dma source(%dma_start3A_294 : memref<100001x128xf32, #tpu.memory_space<hbm>>) target(%arg9 : memref<128x128xf32, #tpu.memory_space<vmem>>) offsets(%dma_start3A_291 : memref<128xi32, #tpu.memory_space<vmem>>) semaphore(%arg13 : memref<!tpu.dma_semaphore, #tpu.memory_space<semaphore_mem>>)
      %dma_wait3A_295 = arith.constant 0 : i32
      %dma_wait3A_296 = tpu.memref_slice %arg5[%add3A_277, %dma_wait3A_295] : memref<50x128xi32, #tpu.memory_space<vmem>> -> memref<1x128xi32, #tpu.memory_space<vmem>>
      %dma_wait3A_297 = tpu.memref_squeeze %dma_wait3A_296 : memref<1x128xi32, #tpu.memory_space<vmem>> -> memref<128xi32, #tpu.memory_space<vmem>>
      %dma_wait3A_298 = arith.constant 0 : i32
      %dma_wait3A_299 = arith.constant 0 : i32
      %dma_wait3A_300 = tpu.memref_slice %arg3[%dma_wait3A_298, %dma_wait3A_299] : memref<100001x128xf32, #tpu.memory_space<hbm>> -> memref<100001x128xf32, #tpu.memory_space<hbm>>
      tpu.wait_indirect_dma semaphore(%arg11 : memref<!tpu.dma_semaphore, #tpu.memory_space<semaphore_mem>>) src(%dma_wait3A_300 : memref<100001x128xf32, #tpu.memory_space<hbm>>) dst(%arg7 : memref<128x128xf32, #tpu.memory_space<vmem>>)
      %mul3A_301 = arith.constant 128 : i32
      %mul3A_302 = arith.muli %add3A_277, %mul3A_301 : i32
      %add3A_303 = arith.addi %mul3A_2, %mul3A_302 : i32
      %dma_start3A_304 = arith.constant 0 : i32
      %dma_start3A_305 = tpu.memref_slice %arg4[%add3A_303, %dma_start3A_304] : memref<204800x128xf32, #tpu.memory_space<hbm>> -> memref<128x128xf32, #tpu.memory_space<hbm>>
      %dma_start3A_306 = arith.constant 0 : i32
      %dma_start3A_307 = tpu.memref_slice %arg4[%add3A_303, %dma_start3A_306] : memref<204800x128xf32, #tpu.memory_space<hbm>> -> memref<128x128xf32, #tpu.memory_space<hbm>>
      tpu.enqueue_dma source(%arg7 : memref<128x128xf32, #tpu.memory_space<vmem>>) target(%dma_start3A_307 : memref<128x128xf32, #tpu.memory_space<hbm>>) target_semaphore(%arg15 : memref<!tpu.dma_semaphore, #tpu.memory_space<semaphore_mem>>)
      %scan3A_308 = arith.constant 0 : i32
      scf.yield %scan3A_308 : i32
    }
    %scan3A_60 = arith.constant 11 : i32
    %add3A_61 = arith.constant 5632 : i32
    %add3A_62 = arith.addi %mul3A_2, %add3A_61 : i32
    %dma_wait3A_63 = arith.constant 0 : i32
    %dma_wait3A_64 = tpu.memref_slice %arg4[%add3A_62, %dma_wait3A_63] : memref<204800x128xf32, #tpu.memory_space<hbm>> -> memref<128x128xf32, #tpu.memory_space<hbm>>
    %dma_wait3A_65 = arith.constant 0 : i32
    %dma_wait3A_66 = tpu.memref_slice %arg4[%add3A_62, %dma_wait3A_65] : memref<204800x128xf32, #tpu.memory_space<hbm>> -> memref<128x128xf32, #tpu.memory_space<hbm>>
    tpu.wait_dma2 semaphore(%arg14 : memref<!tpu.dma_semaphore, #tpu.memory_space<semaphore_mem>>) src(%arg6 : memref<128x128xf32, #tpu.memory_space<vmem>>) dst(%dma_wait3A_66 : memref<128x128xf32, #tpu.memory_space<hbm>>)
    %dma_start3A_67 = arith.constant 48 : i32
    %dma_start3A_68 = arith.constant 0 : i32
    %dma_start3A_69 = tpu.memref_slice %arg5[%dma_start3A_67, %dma_start3A_68] : memref<50x128xi32, #tpu.memory_space<vmem>> -> memref<1x128xi32, #tpu.memory_space<vmem>>
    %dma_start3A_70 = tpu.memref_squeeze %dma_start3A_69 : memref<1x128xi32, #tpu.memory_space<vmem>> -> memref<128xi32, #tpu.memory_space<vmem>>
    %dma_start3A_71 = arith.constant 0 : i32
    %dma_start3A_72 = arith.constant 0 : i32
    %dma_start3A_73 = tpu.memref_slice %arg3[%dma_start3A_71, %dma_start3A_72] : memref<100001x128xf32, #tpu.memory_space<hbm>> -> memref<100001x128xf32, #tpu.memory_space<hbm>>
    tpu.enqueue_indirect_dma source(%dma_start3A_73 : memref<100001x128xf32, #tpu.memory_space<hbm>>) target(%arg6 : memref<128x128xf32, #tpu.memory_space<vmem>>) offsets(%dma_start3A_70 : memref<128xi32, #tpu.memory_space<vmem>>) semaphore(%arg10 : memref<!tpu.dma_semaphore, #tpu.memory_space<semaphore_mem>>)
    %dma_wait3A_74 = arith.constant 46 : i32
    %dma_wait3A_75 = arith.constant 0 : i32
    %dma_wait3A_76 = tpu.memref_slice %arg5[%dma_wait3A_74, %dma_wait3A_75] : memref<50x128xi32, #tpu.memory_space<vmem>> -> memref<1x128xi32, #tpu.memory_space<vmem>>
    %dma_wait3A_77 = tpu.memref_squeeze %dma_wait3A_76 : memref<1x128xi32, #tpu.memory_space<vmem>> -> memref<128xi32, #tpu.memory_space<vmem>>
    %dma_wait3A_78 = arith.constant 0 : i32
    %dma_wait3A_79 = arith.constant 0 : i32
    %dma_wait3A_80 = tpu.memref_slice %arg3[%dma_wait3A_78, %dma_wait3A_79] : memref<100001x128xf32, #tpu.memory_space<hbm>> -> memref<100001x128xf32, #tpu.memory_space<hbm>>
    tpu.wait_indirect_dma semaphore(%arg12 : memref<!tpu.dma_semaphore, #tpu.memory_space<semaphore_mem>>) src(%dma_wait3A_80 : memref<100001x128xf32, #tpu.memory_space<hbm>>) dst(%arg8 : memref<128x128xf32, #tpu.memory_space<vmem>>)
    %add3A_81 = arith.constant 5888 : i32
    %add3A_82 = arith.addi %mul3A_2, %add3A_81 : i32
    %dma_start3A_83 = arith.constant 0 : i32
    %dma_start3A_84 = tpu.memref_slice %arg4[%add3A_82, %dma_start3A_83] : memref<204800x128xf32, #tpu.memory_space<hbm>> -> memref<128x128xf32, #tpu.memory_space<hbm>>
    %dma_start3A_85 = arith.constant 0 : i32
    %dma_start3A_86 = tpu.memref_slice %arg4[%add3A_82, %dma_start3A_85] : memref<204800x128xf32, #tpu.memory_space<hbm>> -> memref<128x128xf32, #tpu.memory_space<hbm>>
    tpu.enqueue_dma source(%arg8 : memref<128x128xf32, #tpu.memory_space<vmem>>) target(%dma_start3A_86 : memref<128x128xf32, #tpu.memory_space<hbm>>) target_semaphore(%arg16 : memref<!tpu.dma_semaphore, #tpu.memory_space<semaphore_mem>>)
    %add3A_87 = arith.constant 5760 : i32
    %add3A_88 = arith.addi %mul3A_2, %add3A_87 : i32
    %dma_wait3A_89 = arith.constant 0 : i32
    %dma_wait3A_90 = tpu.memref_slice %arg4[%add3A_88, %dma_wait3A_89] : memref<204800x128xf32, #tpu.memory_space<hbm>> -> memref<128x128xf32, #tpu.memory_space<hbm>>
    %dma_wait3A_91 = arith.constant 0 : i32
    %dma_wait3A_92 = tpu.memref_slice %arg4[%add3A_88, %dma_wait3A_91] : memref<204800x128xf32, #tpu.memory_space<hbm>> -> memref<128x128xf32, #tpu.memory_space<hbm>>
    tpu.wait_dma2 semaphore(%arg15 : memref<!tpu.dma_semaphore, #tpu.memory_space<semaphore_mem>>) src(%arg7 : memref<128x128xf32, #tpu.memory_space<vmem>>) dst(%dma_wait3A_92 : memref<128x128xf32, #tpu.memory_space<hbm>>)
    %dma_start3A_93 = arith.constant 49 : i32
    %dma_start3A_94 = arith.constant 0 : i32
    %dma_start3A_95 = tpu.memref_slice %arg5[%dma_start3A_93, %dma_start3A_94] : memref<50x128xi32, #tpu.memory_space<vmem>> -> memref<1x128xi32, #tpu.memory_space<vmem>>
    %dma_start3A_96 = tpu.memref_squeeze %dma_start3A_95 : memref<1x128xi32, #tpu.memory_space<vmem>> -> memref<128xi32, #tpu.memory_space<vmem>>
    %dma_start3A_97 = arith.constant 0 : i32
    %dma_start3A_98 = arith.constant 0 : i32
    %dma_start3A_99 = tpu.memref_slice %arg3[%dma_start3A_97, %dma_start3A_98] : memref<100001x128xf32, #tpu.memory_space<hbm>> -> memref<100001x128xf32, #tpu.memory_space<hbm>>
    tpu.enqueue_indirect_dma source(%dma_start3A_99 : memref<100001x128xf32, #tpu.memory_space<hbm>>) target(%arg7 : memref<128x128xf32, #tpu.memory_space<vmem>>) offsets(%dma_start3A_96 : memref<128xi32, #tpu.memory_space<vmem>>) semaphore(%arg11 : memref<!tpu.dma_semaphore, #tpu.memory_space<semaphore_mem>>)
    %dma_wait3A_100 = arith.constant 47 : i32
    %dma_wait3A_101 = arith.constant 0 : i32
    %dma_wait3A_102 = tpu.memref_slice %arg5[%dma_wait3A_100, %dma_wait3A_101] : memref<50x128xi32, #tpu.memory_space<vmem>> -> memref<1x128xi32, #tpu.memory_space<vmem>>
    %dma_wait3A_103 = tpu.memref_squeeze %dma_wait3A_102 : memref<1x128xi32, #tpu.memory_space<vmem>> -> memref<128xi32, #tpu.memory_space<vmem>>
    %dma_wait3A_104 = arith.constant 0 : i32
    %dma_wait3A_105 = arith.constant 0 : i32
    %dma_wait3A_106 = tpu.memref_slice %arg3[%dma_wait3A_104, %dma_wait3A_105] : memref<100001x128xf32, #tpu.memory_space<hbm>> -> memref<100001x128xf32, #tpu.memory_space<hbm>>
    tpu.wait_indirect_dma semaphore(%arg13 : memref<!tpu.dma_semaphore, #tpu.memory_space<semaphore_mem>>) src(%dma_wait3A_106 : memref<100001x128xf32, #tpu.memory_space<hbm>>) dst(%arg9 : memref<128x128xf32, #tpu.memory_space<vmem>>)
    %add3A_107 = arith.constant 6016 : i32
    %add3A_108 = arith.addi %mul3A_2, %add3A_107 : i32
    %dma_start3A_109 = arith.constant 0 : i32
    %dma_start3A_110 = tpu.memref_slice %arg4[%add3A_108, %dma_start3A_109] : memref<204800x128xf32, #tpu.memory_space<hbm>> -> memref<128x128xf32, #tpu.memory_space<hbm>>
    %dma_start3A_111 = arith.constant 0 : i32
    %dma_start3A_112 = tpu.memref_slice %arg4[%add3A_108, %dma_start3A_111] : memref<204800x128xf32, #tpu.memory_space<hbm>> -> memref<128x128xf32, #tpu.memory_space<hbm>>
    tpu.enqueue_dma source(%arg9 : memref<128x128xf32, #tpu.memory_space<vmem>>) target(%dma_start3A_112 : memref<128x128xf32, #tpu.memory_space<hbm>>) target_semaphore(%arg17 : memref<!tpu.dma_semaphore, #tpu.memory_space<semaphore_mem>>)
    %dma_wait3A_113 = arith.constant 48 : i32
    %dma_wait3A_114 = arith.constant 0 : i32
    %dma_wait3A_115 = tpu.memref_slice %arg5[%dma_wait3A_113, %dma_wait3A_114] : memref<50x128xi32, #tpu.memory_space<vmem>> -> memref<1x128xi32, #tpu.memory_space<vmem>>
    %dma_wait3A_116 = tpu.memref_squeeze %dma_wait3A_115 : memref<1x128xi32, #tpu.memory_space<vmem>> -> memref<128xi32, #tpu.memory_space<vmem>>
    %dma_wait3A_117 = arith.constant 0 : i32
    %dma_wait3A_118 = arith.constant 0 : i32
    %dma_wait3A_119 = tpu.memref_slice %arg3[%dma_wait3A_117, %dma_wait3A_118] : memref<100001x128xf32, #tpu.memory_space<hbm>> -> memref<100001x128xf32, #tpu.memory_space<hbm>>
    tpu.wait_indirect_dma semaphore(%arg10 : memref<!tpu.dma_semaphore, #tpu.memory_space<semaphore_mem>>) src(%dma_wait3A_119 : memref<100001x128xf32, #tpu.memory_space<hbm>>) dst(%arg6 : memref<128x128xf32, #tpu.memory_space<vmem>>)
    %add3A_120 = arith.constant 6144 : i32
    %add3A_121 = arith.addi %mul3A_2, %add3A_120 : i32
    %dma_start3A_122 = arith.constant 0 : i32
    %dma_start3A_123 = tpu.memref_slice %arg4[%add3A_121, %dma_start3A_122] : memref<204800x128xf32, #tpu.memory_space<hbm>> -> memref<128x128xf32, #tpu.memory_space<hbm>>
    %dma_start3A_124 = arith.constant 0 : i32
    %dma_start3A_125 = tpu.memref_slice %arg4[%add3A_121, %dma_start3A_124] : memref<204800x128xf32, #tpu.memory_space<hbm>> -> memref<128x128xf32, #tpu.memory_space<hbm>>
    tpu.enqueue_dma source(%arg6 : memref<128x128xf32, #tpu.memory_space<vmem>>) target(%dma_start3A_125 : memref<128x128xf32, #tpu.memory_space<hbm>>) target_semaphore(%arg14 : memref<!tpu.dma_semaphore, #tpu.memory_space<semaphore_mem>>)
    %dma_wait3A_126 = arith.constant 49 : i32
    %dma_wait3A_127 = arith.constant 0 : i32
    %dma_wait3A_128 = tpu.memref_slice %arg5[%dma_wait3A_126, %dma_wait3A_127] : memref<50x128xi32, #tpu.memory_space<vmem>> -> memref<1x128xi32, #tpu.memory_space<vmem>>
    %dma_wait3A_129 = tpu.memref_squeeze %dma_wait3A_128 : memref<1x128xi32, #tpu.memory_space<vmem>> -> memref<128xi32, #tpu.memory_space<vmem>>
    %dma_wait3A_130 = arith.constant 0 : i32
    %dma_wait3A_131 = arith.constant 0 : i32
    %dma_wait3A_132 = tpu.memref_slice %arg3[%dma_wait3A_130, %dma_wait3A_131] : memref<100001x128xf32, #tpu.memory_space<hbm>> -> memref<100001x128xf32, #tpu.memory_space<hbm>>
    tpu.wait_indirect_dma semaphore(%arg11 : memref<!tpu.dma_semaphore, #tpu.memory_space<semaphore_mem>>) src(%dma_wait3A_132 : memref<100001x128xf32, #tpu.memory_space<hbm>>) dst(%arg7 : memref<128x128xf32, #tpu.memory_space<vmem>>)
    %add3A_133 = arith.constant 6272 : i32
    %add3A_134 = arith.addi %mul3A_2, %add3A_133 : i32
    %dma_start3A_135 = arith.constant 0 : i32
    %dma_start3A_136 = tpu.memref_slice %arg4[%add3A_134, %dma_start3A_135] : memref<204800x128xf32, #tpu.memory_space<hbm>> -> memref<128x128xf32, #tpu.memory_space<hbm>>
    %dma_start3A_137 = arith.constant 0 : i32
    %dma_start3A_138 = tpu.memref_slice %arg4[%add3A_134, %dma_start3A_137] : memref<204800x128xf32, #tpu.memory_space<hbm>> -> memref<128x128xf32, #tpu.memory_space<hbm>>
    tpu.enqueue_dma source(%arg7 : memref<128x128xf32, #tpu.memory_space<vmem>>) target(%dma_start3A_138 : memref<128x128xf32, #tpu.memory_space<hbm>>) target_semaphore(%arg15 : memref<!tpu.dma_semaphore, #tpu.memory_space<semaphore_mem>>)
    %add3A_139 = arith.constant 5888 : i32
    %add3A_140 = arith.addi %mul3A_2, %add3A_139 : i32
    %dma_wait3A_141 = arith.constant 0 : i32
    %dma_wait3A_142 = tpu.memref_slice %arg4[%add3A_140, %dma_wait3A_141] : memref<204800x128xf32, #tpu.memory_space<hbm>> -> memref<128x128xf32, #tpu.memory_space<hbm>>
    %dma_wait3A_143 = arith.constant 0 : i32
    %dma_wait3A_144 = tpu.memref_slice %arg4[%add3A_140, %dma_wait3A_143] : memref<204800x128xf32, #tpu.memory_space<hbm>> -> memref<128x128xf32, #tpu.memory_space<hbm>>
    tpu.wait_dma2 semaphore(%arg16 : memref<!tpu.dma_semaphore, #tpu.memory_space<semaphore_mem>>) src(%arg8 : memref<128x128xf32, #tpu.memory_space<vmem>>) dst(%dma_wait3A_144 : memref<128x128xf32, #tpu.memory_space<hbm>>)
    %add3A_145 = arith.constant 6016 : i32
    %add3A_146 = arith.addi %mul3A_2, %add3A_145 : i32
    %dma_wait3A_147 = arith.constant 0 : i32
    %dma_wait3A_148 = tpu.memref_slice %arg4[%add3A_146, %dma_wait3A_147] : memref<204800x128xf32, #tpu.memory_space<hbm>> -> memref<128x128xf32, #tpu.memory_space<hbm>>
    %dma_wait3A_149 = arith.constant 0 : i32
    %dma_wait3A_150 = tpu.memref_slice %arg4[%add3A_146, %dma_wait3A_149] : memref<204800x128xf32, #tpu.memory_space<hbm>> -> memref<128x128xf32, #tpu.memory_space<hbm>>
    tpu.wait_dma2 semaphore(%arg17 : memref<!tpu.dma_semaphore, #tpu.memory_space<semaphore_mem>>) src(%arg9 : memref<128x128xf32, #tpu.memory_space<vmem>>) dst(%dma_wait3A_150 : memref<128x128xf32, #tpu.memory_space<hbm>>)
    %add3A_151 = arith.constant 6144 : i32
    %add3A_152 = arith.addi %mul3A_2, %add3A_151 : i32
    %dma_wait3A_153 = arith.constant 0 : i32
    %dma_wait3A_154 = tpu.memref_slice %arg4[%add3A_152, %dma_wait3A_153] : memref<204800x128xf32, #tpu.memory_space<hbm>> -> memref<128x128xf32, #tpu.memory_space<hbm>>
    %dma_wait3A_155 = arith.constant 0 : i32
    %dma_wait3A_156 = tpu.memref_slice %arg4[%add3A_152, %dma_wait3A_155] : memref<204800x128xf32, #tpu.memory_space<hbm>> -> memref<128x128xf32, #tpu.memory_space<hbm>>
    tpu.wait_dma2 semaphore(%arg14 : memref<!tpu.dma_semaphore, #tpu.memory_space<semaphore_mem>>) src(%arg6 : memref<128x128xf32, #tpu.memory_space<vmem>>) dst(%dma_wait3A_156 : memref<128x128xf32, #tpu.memory_space<hbm>>)
    %add3A_157 = arith.constant 6272 : i32
    %add3A_158 = arith.addi %mul3A_2, %add3A_157 : i32
    %dma_wait3A_159 = arith.constant 0 : i32
    %dma_wait3A_160 = tpu.memref_slice %arg4[%add3A_158, %dma_wait3A_159] : memref<204800x128xf32, #tpu.memory_space<hbm>> -> memref<128x128xf32, #tpu.memory_space<hbm>>
    %dma_wait3A_161 = arith.constant 0 : i32
    %dma_wait3A_162 = tpu.memref_slice %arg4[%add3A_158, %dma_wait3A_161] : memref<204800x128xf32, #tpu.memory_space<hbm>> -> memref<128x128xf32, #tpu.memory_space<hbm>>
    tpu.wait_dma2 semaphore(%arg15 : memref<!tpu.dma_semaphore, #tpu.memory_space<semaphore_mem>>) src(%arg7 : memref<128x128xf32, #tpu.memory_space<vmem>>) dst(%dma_wait3A_162 : memref<128x128xf32, #tpu.memory_space<hbm>>)
    return
  }
}

#map = affine_map<(d0, d1) -> (0, 0, 0)>
#map1 = affine_map<(d0, d1) -> (0, 0)>
module attributes {stable_mosaic.version = 14 : i64} {
  func.func @gather_kernel(%arg0: i32, %arg1: i32, %arg2: memref<32x50x128xi32, #tpu.memory_space<hbm>>, %arg3: memref<100001x128xf32, #tpu.memory_space<hbm>>, %arg4: memref<204800x128xf32, #tpu.memory_space<hbm>>, %arg5: memref<50x128xi32, #tpu.memory_space<vmem>>, %arg6: memref<128x128xf32, #tpu.memory_space<vmem>>, %arg7: memref<128x128xf32, #tpu.memory_space<vmem>>, %arg8: memref<128x128xf32, #tpu.memory_space<vmem>>, %arg9: memref<128x128xf32, #tpu.memory_space<vmem>>, %arg10: memref<!tpu.dma_semaphore, #tpu.memory_space<semaphore_mem>>, %arg11: memref<!tpu.dma_semaphore, #tpu.memory_space<semaphore_mem>>, %arg12: memref<!tpu.dma_semaphore, #tpu.memory_space<semaphore_mem>>, %arg13: memref<!tpu.dma_semaphore, #tpu.memory_space<semaphore_mem>>, %arg14: memref<!tpu.dma_semaphore, #tpu.memory_space<semaphore_mem>>, %arg15: memref<!tpu.dma_semaphore, #tpu.memory_space<semaphore_mem>>, %arg16: memref<!tpu.dma_semaphore, #tpu.memory_space<semaphore_mem>>, %arg17: memref<!tpu.dma_semaphore, #tpu.memory_space<semaphore_mem>>) attributes {dimension_semantics = [#tpu.dimension_semantics<core_parallel>, #tpu.dimension_semantics<subcore_parallel>], iteration_bounds = array<i64: 2, 16>, scalar_prefetch = 0 : i64, scratch_operands = 13 : i64, tpu.core_type = #tpu.core_type<sc_vector_subcore>, window_params = [{transform_indices = #map}, {transform_indices = #map1}, {transform_indices = #map1}]} {
    %mul3A = arith.constant 2 : i32
    %mul3A_0 = arith.muli %arg1, %mul3A : i32
    %add3A = arith.addi %mul3A_0, %arg0 : i32
    %mul3A_1 = arith.constant 6400 : i32
    %mul3A_2 = arith.muli %add3A, %mul3A_1 : i32
    "tpu.region"() ({
      %run_scoped3A = tpu.sem_alloc : memref<!tpu.dma_semaphore, #tpu.memory_space<semaphore_mem>>
      %dma_start3A_163 = arith.constant 0 : i32
      %dma_start3A_164 = arith.constant 0 : i32
      %dma_start3A_165 = tpu.memref_slice %arg2[%add3A, %dma_start3A_163, %dma_start3A_164] : memref<32x50x128xi32, #tpu.memory_space<hbm>> -> memref<1x50x128xi32, #tpu.memory_space<hbm>>
      %dma_start3A_166 = tpu.memref_squeeze %dma_start3A_165 : memref<1x50x128xi32, #tpu.memory_space<hbm>> -> memref<50x128xi32, #tpu.memory_space<hbm>>
      %dma_start3A_167 = arith.constant 0 : i32
      %dma_start3A_168 = arith.constant 0 : i32
      %dma_start3A_169 = tpu.memref_slice %arg2[%add3A, %dma_start3A_167, %dma_start3A_168] : memref<32x50x128xi32, #tpu.memory_space<hbm>> -> memref<1x50x128xi32, #tpu.memory_space<hbm>>
      %dma_start3A_170 = tpu.memref_squeeze %dma_start3A_169 : memref<1x50x128xi32, #tpu.memory_space<hbm>> -> memref<50x128xi32, #tpu.memory_space<hbm>>
      tpu.enqueue_dma source(%dma_start3A_170 : memref<50x128xi32, #tpu.memory_space<hbm>>) target(%arg5 : memref<50x128xi32, #tpu.memory_space<vmem>>) target_semaphore(%run_scoped3A : memref<!tpu.dma_semaphore, #tpu.memory_space<semaphore_mem>>)
      %dma_wait3A_171 = arith.constant 0 : i32
      %dma_wait3A_172 = arith.constant 0 : i32
      %dma_wait3A_173 = tpu.memref_slice %arg2[%add3A, %dma_wait3A_171, %dma_wait3A_172] : memref<32x50x128xi32, #tpu.memory_space<hbm>> -> memref<1x50x128xi32, #tpu.memory_space<hbm>>
      %dma_wait3A_174 = tpu.memref_squeeze %dma_wait3A_173 : memref<1x50x128xi32, #tpu.memory_space<hbm>> -> memref<50x128xi32, #tpu.memory_space<hbm>>
      %dma_wait3A_175 = arith.constant 0 : i32
      %dma_wait3A_176 = arith.constant 0 : i32
      %dma_wait3A_177 = tpu.memref_slice %arg2[%add3A, %dma_wait3A_175, %dma_wait3A_176] : memref<32x50x128xi32, #tpu.memory_space<hbm>> -> memref<1x50x128xi32, #tpu.memory_space<hbm>>
      %dma_wait3A_178 = tpu.memref_squeeze %dma_wait3A_177 : memref<1x50x128xi32, #tpu.memory_space<hbm>> -> memref<50x128xi32, #tpu.memory_space<hbm>>
      tpu.wait_dma2 semaphore(%run_scoped3A : memref<!tpu.dma_semaphore, #tpu.memory_space<semaphore_mem>>) src(%dma_wait3A_178 : memref<50x128xi32, #tpu.memory_space<hbm>>) dst(%arg5 : memref<50x128xi32, #tpu.memory_space<vmem>>)
      tpu.yield
    }) : () -> ()
    %dma_start3A = arith.constant 0 : i32
    %dma_start3A_3 = arith.constant 0 : i32
    %dma_start3A_4 = tpu.memref_slice %arg5[%dma_start3A, %dma_start3A_3] : memref<50x128xi32, #tpu.memory_space<vmem>> -> memref<1x128xi32, #tpu.memory_space<vmem>>
    %dma_start3A_5 = tpu.memref_squeeze %dma_start3A_4 : memref<1x128xi32, #tpu.memory_space<vmem>> -> memref<128xi32, #tpu.memory_space<vmem>>
    %dma_start3A_6 = arith.constant 0 : i32
    %dma_start3A_7 = arith.constant 0 : i32
    %dma_start3A_8 = tpu.memref_slice %arg3[%dma_start3A_6, %dma_start3A_7] : memref<100001x128xf32, #tpu.memory_space<hbm>> -> memref<100001x128xf32, #tpu.memory_space<hbm>>
    tpu.enqueue_indirect_dma source(%dma_start3A_8 : memref<100001x128xf32, #tpu.memory_space<hbm>>) target(%arg6 : memref<128x128xf32, #tpu.memory_space<vmem>>) offsets(%dma_start3A_5 : memref<128xi32, #tpu.memory_space<vmem>>) semaphore(%arg10 : memref<!tpu.dma_semaphore, #tpu.memory_space<semaphore_mem>>)
    %dma_start3A_9 = arith.constant 1 : i32
    %dma_start3A_10 = arith.constant 0 : i32
    %dma_start3A_11 = tpu.memref_slice %arg5[%dma_start3A_9, %dma_start3A_10] : memref<50x128xi32, #tpu.memory_space<vmem>> -> memref<1x128xi32, #tpu.memory_space<vmem>>
    %dma_start3A_12 = tpu.memref_squeeze %dma_start3A_11 : memref<1x128xi32, #tpu.memory_space<vmem>> -> memref<128xi32, #tpu.memory_space<vmem>>
    %dma_start3A_13 = arith.constant 0 : i32
    %dma_start3A_14 = arith.constant 0 : i32
    %dma_start3A_15 = tpu.memref_slice %arg3[%dma_start3A_13, %dma_start3A_14] : memref<100001x128xf32, #tpu.memory_space<hbm>> -> memref<100001x128xf32, #tpu.memory_space<hbm>>
    tpu.enqueue_indirect_dma source(%dma_start3A_15 : memref<100001x128xf32, #tpu.memory_space<hbm>>) target(%arg7 : memref<128x128xf32, #tpu.memory_space<vmem>>) offsets(%dma_start3A_12 : memref<128xi32, #tpu.memory_space<vmem>>) semaphore(%arg11 : memref<!tpu.dma_semaphore, #tpu.memory_space<semaphore_mem>>)
    %dma_start3A_16 = arith.constant 2 : i32
    %dma_start3A_17 = arith.constant 0 : i32
    %dma_start3A_18 = tpu.memref_slice %arg5[%dma_start3A_16, %dma_start3A_17] : memref<50x128xi32, #tpu.memory_space<vmem>> -> memref<1x128xi32, #tpu.memory_space<vmem>>
    %dma_start3A_19 = tpu.memref_squeeze %dma_start3A_18 : memref<1x128xi32, #tpu.memory_space<vmem>> -> memref<128xi32, #tpu.memory_space<vmem>>
    %dma_start3A_20 = arith.constant 0 : i32
    %dma_start3A_21 = arith.constant 0 : i32
    %dma_start3A_22 = tpu.memref_slice %arg3[%dma_start3A_20, %dma_start3A_21] : memref<100001x128xf32, #tpu.memory_space<hbm>> -> memref<100001x128xf32, #tpu.memory_space<hbm>>
    tpu.enqueue_indirect_dma source(%dma_start3A_22 : memref<100001x128xf32, #tpu.memory_space<hbm>>) target(%arg8 : memref<128x128xf32, #tpu.memory_space<vmem>>) offsets(%dma_start3A_19 : memref<128xi32, #tpu.memory_space<vmem>>) semaphore(%arg12 : memref<!tpu.dma_semaphore, #tpu.memory_space<semaphore_mem>>)
    %dma_wait3A = arith.constant 0 : i32
    %dma_wait3A_23 = arith.constant 0 : i32
    %dma_wait3A_24 = tpu.memref_slice %arg5[%dma_wait3A, %dma_wait3A_23] : memref<50x128xi32, #tpu.memory_space<vmem>> -> memref<1x128xi32, #tpu.memory_space<vmem>>
    %dma_wait3A_25 = tpu.memref_squeeze %dma_wait3A_24 : memref<1x128xi32, #tpu.memory_space<vmem>> -> memref<128xi32, #tpu.memory_space<vmem>>
    %dma_wait3A_26 = arith.constant 0 : i32
    %dma_wait3A_27 = arith.constant 0 : i32
    %dma_wait3A_28 = tpu.memref_slice %arg3[%dma_wait3A_26, %dma_wait3A_27] : memref<100001x128xf32, #tpu.memory_space<hbm>> -> memref<100001x128xf32, #tpu.memory_space<hbm>>
    tpu.wait_indirect_dma semaphore(%arg10 : memref<!tpu.dma_semaphore, #tpu.memory_space<semaphore_mem>>) src(%dma_wait3A_28 : memref<100001x128xf32, #tpu.memory_space<hbm>>) dst(%arg6 : memref<128x128xf32, #tpu.memory_space<vmem>>)
    %add3A_29 = arith.constant 0 : i32
    %add3A_30 = arith.addi %mul3A_2, %add3A_29 : i32
    %dma_start3A_31 = arith.constant 0 : i32
    %dma_start3A_32 = tpu.memref_slice %arg4[%add3A_30, %dma_start3A_31] : memref<204800x128xf32, #tpu.memory_space<hbm>> -> memref<128x128xf32, #tpu.memory_space<hbm>>
    %dma_start3A_33 = arith.constant 0 : i32
    %dma_start3A_34 = tpu.memref_slice %arg4[%add3A_30, %dma_start3A_33] : memref<204800x128xf32, #tpu.memory_space<hbm>> -> memref<128x128xf32, #tpu.memory_space<hbm>>
    tpu.enqueue_dma source(%arg6 : memref<128x128xf32, #tpu.memory_space<vmem>>) target(%dma_start3A_34 : memref<128x128xf32, #tpu.memory_space<hbm>>) target_semaphore(%arg14 : memref<!tpu.dma_semaphore, #tpu.memory_space<semaphore_mem>>)
    %dma_start3A_35 = arith.constant 3 : i32
    %dma_start3A_36 = arith.constant 0 : i32
    %dma_start3A_37 = tpu.memref_slice %arg5[%dma_start3A_35, %dma_start3A_36] : memref<50x128xi32, #tpu.memory_space<vmem>> -> memref<1x128xi32, #tpu.memory_space<vmem>>
    %dma_start3A_38 = tpu.memref_squeeze %dma_start3A_37 : memref<1x128xi32, #tpu.memory_space<vmem>> -> memref<128xi32, #tpu.memory_space<vmem>>
    %dma_start3A_39 = arith.constant 0 : i32
    %dma_start3A_40 = arith.constant 0 : i32
    %dma_start3A_41 = tpu.memref_slice %arg3[%dma_start3A_39, %dma_start3A_40] : memref<100001x128xf32, #tpu.memory_space<hbm>> -> memref<100001x128xf32, #tpu.memory_space<hbm>>
    tpu.enqueue_indirect_dma source(%dma_start3A_41 : memref<100001x128xf32, #tpu.memory_space<hbm>>) target(%arg9 : memref<128x128xf32, #tpu.memory_space<vmem>>) offsets(%dma_start3A_38 : memref<128xi32, #tpu.memory_space<vmem>>) semaphore(%arg13 : memref<!tpu.dma_semaphore, #tpu.memory_space<semaphore_mem>>)
    %dma_wait3A_42 = arith.constant 1 : i32
    %dma_wait3A_43 = arith.constant 0 : i32
    %dma_wait3A_44 = tpu.memref_slice %arg5[%dma_wait3A_42, %dma_wait3A_43] : memref<50x128xi32, #tpu.memory_space<vmem>> -> memref<1x128xi32, #tpu.memory_space<vmem>>
    %dma_wait3A_45 = tpu.memref_squeeze %dma_wait3A_44 : memref<1x128xi32, #tpu.memory_space<vmem>> -> memref<128xi32, #tpu.memory_space<vmem>>
    %dma_wait3A_46 = arith.constant 0 : i32
    %dma_wait3A_47 = arith.constant 0 : i32
    %dma_wait3A_48 = tpu.memref_slice %arg3[%dma_wait3A_46, %dma_wait3A_47] : memref<100001x128xf32, #tpu.memory_space<hbm>> -> memref<100001x128xf32, #tpu.memory_space<hbm>>
    tpu.wait_indirect_dma semaphore(%arg11 : memref<!tpu.dma_semaphore, #tpu.memory_space<semaphore_mem>>) src(%dma_wait3A_48 : memref<100001x128xf32, #tpu.memory_space<hbm>>) dst(%arg7 : memref<128x128xf32, #tpu.memory_space<vmem>>)
    %add3A_49 = arith.constant 128 : i32
    %add3A_50 = arith.addi %mul3A_2, %add3A_49 : i32
    %dma_start3A_51 = arith.constant 0 : i32
    %dma_start3A_52 = tpu.memref_slice %arg4[%add3A_50, %dma_start3A_51] : memref<204800x128xf32, #tpu.memory_space<hbm>> -> memref<128x128xf32, #tpu.memory_space<hbm>>
    %dma_start3A_53 = arith.constant 0 : i32
    %dma_start3A_54 = tpu.memref_slice %arg4[%add3A_50, %dma_start3A_53] : memref<204800x128xf32, #tpu.memory_space<hbm>> -> memref<128x128xf32, #tpu.memory_space<hbm>>
    tpu.enqueue_dma source(%arg7 : memref<128x128xf32, #tpu.memory_space<vmem>>) target(%dma_start3A_54 : memref<128x128xf32, #tpu.memory_space<hbm>>) target_semaphore(%arg15 : memref<!tpu.dma_semaphore, #tpu.memory_space<semaphore_mem>>)
    %scan3A = arith.constant 0 : i32
    %scan3A_55 = arith.constant 0 : i32
    %scan3A_56 = arith.constant 11 : i32
    %scan3A_57 = arith.addi %scan3A_55, %scan3A_56 : i32
    %scan3A_58 = arith.constant 1 : i32
    %scan3A_59 = scf.for %scan3A_163 = %scan3A_55 to %scan3A_57 step %scan3A_58 iter_args(%scan3A_164 = %scan3A) -> (i32)  : i32 {
      %mul3A_165 = arith.constant 4 : i32
      %mul3A_166 = arith.muli %scan3A_163, %mul3A_165 : i32
      %add3A_167 = arith.constant 2 : i32
      %add3A_168 = arith.addi %add3A_167, %mul3A_166 : i32
      %add3A_169 = arith.constant 0 : i32
      %add3A_170 = arith.addi %add3A_168, %add3A_169 : i32
      %add3A_171 = arith.constant 2 : i32
      %add3A_172 = arith.addi %add3A_170, %add3A_171 : i32
      %sub3A = arith.constant 4 : i32
      %sub3A_173 = arith.subi %add3A_172, %sub3A : i32
      %mul3A_174 = arith.constant 128 : i32
      %mul3A_175 = arith.muli %sub3A_173, %mul3A_174 : i32
      %add3A_176 = arith.addi %mul3A_2, %mul3A_175 : i32
      %dma_wait3A_177 = arith.constant 0 : i32
      %dma_wait3A_178 = tpu.memref_slice %arg4[%add3A_176, %dma_wait3A_177] : memref<204800x128xf32, #tpu.memory_space<hbm>> -> memref<128x128xf32, #tpu.memory_space<hbm>>
      %dma_wait3A_179 = arith.constant 0 : i32
      %dma_wait3A_180 = tpu.memref_slice %arg4[%add3A_176, %dma_wait3A_179] : memref<204800x128xf32, #tpu.memory_space<hbm>> -> memref<128x128xf32, #tpu.memory_space<hbm>>
      tpu.wait_dma2 semaphore(%arg14 : memref<!tpu.dma_semaphore, #tpu.memory_space<semaphore_mem>>) src(%arg6 : memref<128x128xf32, #tpu.memory_space<vmem>>) dst(%dma_wait3A_180 : memref<128x128xf32, #tpu.memory_space<hbm>>)
      %dma_start3A_181 = arith.constant 0 : i32
      %dma_start3A_182 = tpu.memref_slice %arg5[%add3A_172, %dma_start3A_181] : memref<50x128xi32, #tpu.memory_space<vmem>> -> memref<1x128xi32, #tpu.memory_space<vmem>>
      %dma_start3A_183 = tpu.memref_squeeze %dma_start3A_182 : memref<1x128xi32, #tpu.memory_space<vmem>> -> memref<128xi32, #tpu.memory_space<vmem>>
      %dma_start3A_184 = arith.constant 0 : i32
      %dma_start3A_185 = arith.constant 0 : i32
      %dma_start3A_186 = tpu.memref_slice %arg3[%dma_start3A_184, %dma_start3A_185] : memref<100001x128xf32, #tpu.memory_space<hbm>> -> memref<100001x128xf32, #tpu.memory_space<hbm>>
      tpu.enqueue_indirect_dma source(%dma_start3A_186 : memref<100001x128xf32, #tpu.memory_space<hbm>>) target(%arg6 : memref<128x128xf32, #tpu.memory_space<vmem>>) offsets(%dma_start3A_183 : memref<128xi32, #tpu.memory_space<vmem>>) semaphore(%arg10 : memref<!tpu.dma_semaphore, #tpu.memory_space<semaphore_mem>>)
      %dma_wait3A_187 = arith.constant 0 : i32
      %dma_wait3A_188 = tpu.memref_slice %arg5[%add3A_170, %dma_wait3A_187] : memref<50x128xi32, #tpu.memory_space<vmem>> -> memref<1x128xi32, #tpu.memory_space<vmem>>
      %dma_wait3A_189 = tpu.memref_squeeze %dma_wait3A_188 : memref<1x128xi32, #tpu.memory_space<vmem>> -> memref<128xi32, #tpu.memory_space<vmem>>
      %dma_wait3A_190 = arith.constant 0 : i32
      %dma_wait3A_191 = arith.constant 0 : i32
      %dma_wait3A_192 = tpu.memref_slice %arg3[%dma_wait3A_190, %dma_wait3A_191] : memref<100001x128xf32, #tpu.memory_space<hbm>> -> memref<100001x128xf32, #tpu.memory_space<hbm>>
      tpu.wait_indirect_dma semaphore(%arg12 : memref<!tpu.dma_semaphore, #tpu.memory_space<semaphore_mem>>) src(%dma_wait3A_192 : memref<100001x128xf32, #tpu.memory_space<hbm>>) dst(%arg8 : memref<128x128xf32, #tpu.memory_space<vmem>>)
      %mul3A_193 = arith.constant 128 : i32
      %mul3A_194 = arith.muli %add3A_170, %mul3A_193 : i32
      %add3A_195 = arith.addi %mul3A_2, %mul3A_194 : i32
      %dma_start3A_196 = arith.constant 0 : i32
      %dma_start3A_197 = tpu.memref_slice %arg4[%add3A_195, %dma_start3A_196] : memref<204800x128xf32, #tpu.memory_space<hbm>> -> memref<128x128xf32, #tpu.memory_space<hbm>>
      %dma_start3A_198 = arith.constant 0 : i32
      %dma_start3A_199 = tpu.memref_slice %arg4[%add3A_195, %dma_start3A_198] : memref<204800x128xf32, #tpu.memory_space<hbm>> -> memref<128x128xf32, #tpu.memory_space<hbm>>
      tpu.enqueue_dma source(%arg8 : memref<128x128xf32, #tpu.memory_space<vmem>>) target(%dma_start3A_199 : memref<128x128xf32, #tpu.memory_space<hbm>>) target_semaphore(%arg16 : memref<!tpu.dma_semaphore, #tpu.memory_space<semaphore_mem>>)
      %mul3A_200 = arith.constant 4 : i32
      %mul3A_201 = arith.muli %scan3A_163, %mul3A_200 : i32
      %add3A_202 = arith.constant 2 : i32
      %add3A_203 = arith.addi %add3A_202, %mul3A_201 : i32
      %add3A_204 = arith.constant 1 : i32
      %add3A_205 = arith.addi %add3A_203, %add3A_204 : i32
      %add3A_206 = arith.constant 2 : i32
      %add3A_207 = arith.addi %add3A_205, %add3A_206 : i32
      %sub3A_208 = arith.constant 4 : i32
      %sub3A_209 = arith.subi %add3A_207, %sub3A_208 : i32
      %mul3A_210 = arith.constant 128 : i32
      %mul3A_211 = arith.muli %sub3A_209, %mul3A_210 : i32
      %add3A_212 = arith.addi %mul3A_2, %mul3A_211 : i32
      %dma_wait3A_213 = arith.constant 0 : i32
      %dma_wait3A_214 = tpu.memref_slice %arg4[%add3A_212, %dma_wait3A_213] : memref<204800x128xf32, #tpu.memory_space<hbm>> -> memref<128x128xf32, #tpu.memory_space<hbm>>
      %dma_wait3A_215 = arith.constant 0 : i32
      %dma_wait3A_216 = tpu.memref_slice %arg4[%add3A_212, %dma_wait3A_215] : memref<204800x128xf32, #tpu.memory_space<hbm>> -> memref<128x128xf32, #tpu.memory_space<hbm>>
      tpu.wait_dma2 semaphore(%arg15 : memref<!tpu.dma_semaphore, #tpu.memory_space<semaphore_mem>>) src(%arg7 : memref<128x128xf32, #tpu.memory_space<vmem>>) dst(%dma_wait3A_216 : memref<128x128xf32, #tpu.memory_space<hbm>>)
      %dma_start3A_217 = arith.constant 0 : i32
      %dma_start3A_218 = tpu.memref_slice %arg5[%add3A_207, %dma_start3A_217] : memref<50x128xi32, #tpu.memory_space<vmem>> -> memref<1x128xi32, #tpu.memory_space<vmem>>
      %dma_start3A_219 = tpu.memref_squeeze %dma_start3A_218 : memref<1x128xi32, #tpu.memory_space<vmem>> -> memref<128xi32, #tpu.memory_space<vmem>>
      %dma_start3A_220 = arith.constant 0 : i32
      %dma_start3A_221 = arith.constant 0 : i32
      %dma_start3A_222 = tpu.memref_slice %arg3[%dma_start3A_220, %dma_start3A_221] : memref<100001x128xf32, #tpu.memory_space<hbm>> -> memref<100001x128xf32, #tpu.memory_space<hbm>>
      tpu.enqueue_indirect_dma source(%dma_start3A_222 : memref<100001x128xf32, #tpu.memory_space<hbm>>) target(%arg7 : memref<128x128xf32, #tpu.memory_space<vmem>>) offsets(%dma_start3A_219 : memref<128xi32, #tpu.memory_space<vmem>>) semaphore(%arg11 : memref<!tpu.dma_semaphore, #tpu.memory_space<semaphore_mem>>)
      %dma_wait3A_223 = arith.constant 0 : i32
      %dma_wait3A_224 = tpu.memref_slice %arg5[%add3A_205, %dma_wait3A_223] : memref<50x128xi32, #tpu.memory_space<vmem>> -> memref<1x128xi32, #tpu.memory_space<vmem>>
      %dma_wait3A_225 = tpu.memref_squeeze %dma_wait3A_224 : memref<1x128xi32, #tpu.memory_space<vmem>> -> memref<128xi32, #tpu.memory_space<vmem>>
      %dma_wait3A_226 = arith.constant 0 : i32
      %dma_wait3A_227 = arith.constant 0 : i32
      %dma_wait3A_228 = tpu.memref_slice %arg3[%dma_wait3A_226, %dma_wait3A_227] : memref<100001x128xf32, #tpu.memory_space<hbm>> -> memref<100001x128xf32, #tpu.memory_space<hbm>>
      tpu.wait_indirect_dma semaphore(%arg13 : memref<!tpu.dma_semaphore, #tpu.memory_space<semaphore_mem>>) src(%dma_wait3A_228 : memref<100001x128xf32, #tpu.memory_space<hbm>>) dst(%arg9 : memref<128x128xf32, #tpu.memory_space<vmem>>)
      %mul3A_229 = arith.constant 128 : i32
      %mul3A_230 = arith.muli %add3A_205, %mul3A_229 : i32
      %add3A_231 = arith.addi %mul3A_2, %mul3A_230 : i32
      %dma_start3A_232 = arith.constant 0 : i32
      %dma_start3A_233 = tpu.memref_slice %arg4[%add3A_231, %dma_start3A_232] : memref<204800x128xf32, #tpu.memory_space<hbm>> -> memref<128x128xf32, #tpu.memory_space<hbm>>
      %dma_start3A_234 = arith.constant 0 : i32
      %dma_start3A_235 = tpu.memref_slice %arg4[%add3A_231, %dma_start3A_234] : memref<204800x128xf32, #tpu.memory_space<hbm>> -> memref<128x128xf32, #tpu.memory_space<hbm>>
      tpu.enqueue_dma source(%arg9 : memref<128x128xf32, #tpu.memory_space<vmem>>) target(%dma_start3A_235 : memref<128x128xf32, #tpu.memory_space<hbm>>) target_semaphore(%arg17 : memref<!tpu.dma_semaphore, #tpu.memory_space<semaphore_mem>>)
      %mul3A_236 = arith.constant 4 : i32
      %mul3A_237 = arith.muli %scan3A_163, %mul3A_236 : i32
      %add3A_238 = arith.constant 2 : i32
      %add3A_239 = arith.addi %add3A_238, %mul3A_237 : i32
      %add3A_240 = arith.constant 2 : i32
      %add3A_241 = arith.addi %add3A_239, %add3A_240 : i32
      %add3A_242 = arith.constant 2 : i32
      %add3A_243 = arith.addi %add3A_241, %add3A_242 : i32
      %sub3A_244 = arith.constant 4 : i32
      %sub3A_245 = arith.subi %add3A_243, %sub3A_244 : i32
      %mul3A_246 = arith.constant 128 : i32
      %mul3A_247 = arith.muli %sub3A_245, %mul3A_246 : i32
      %add3A_248 = arith.addi %mul3A_2, %mul3A_247 : i32
      %dma_wait3A_249 = arith.constant 0 : i32
      %dma_wait3A_250 = tpu.memref_slice %arg4[%add3A_248, %dma_wait3A_249] : memref<204800x128xf32, #tpu.memory_space<hbm>> -> memref<128x128xf32, #tpu.memory_space<hbm>>
      %dma_wait3A_251 = arith.constant 0 : i32
      %dma_wait3A_252 = tpu.memref_slice %arg4[%add3A_248, %dma_wait3A_251] : memref<204800x128xf32, #tpu.memory_space<hbm>> -> memref<128x128xf32, #tpu.memory_space<hbm>>
      tpu.wait_dma2 semaphore(%arg16 : memref<!tpu.dma_semaphore, #tpu.memory_space<semaphore_mem>>) src(%arg8 : memref<128x128xf32, #tpu.memory_space<vmem>>) dst(%dma_wait3A_252 : memref<128x128xf32, #tpu.memory_space<hbm>>)
      %dma_start3A_253 = arith.constant 0 : i32
      %dma_start3A_254 = tpu.memref_slice %arg5[%add3A_243, %dma_start3A_253] : memref<50x128xi32, #tpu.memory_space<vmem>> -> memref<1x128xi32, #tpu.memory_space<vmem>>
      %dma_start3A_255 = tpu.memref_squeeze %dma_start3A_254 : memref<1x128xi32, #tpu.memory_space<vmem>> -> memref<128xi32, #tpu.memory_space<vmem>>
      %dma_start3A_256 = arith.constant 0 : i32
      %dma_start3A_257 = arith.constant 0 : i32
      %dma_start3A_258 = tpu.memref_slice %arg3[%dma_start3A_256, %dma_start3A_257] : memref<100001x128xf32, #tpu.memory_space<hbm>> -> memref<100001x128xf32, #tpu.memory_space<hbm>>
      tpu.enqueue_indirect_dma source(%dma_start3A_258 : memref<100001x128xf32, #tpu.memory_space<hbm>>) target(%arg8 : memref<128x128xf32, #tpu.memory_space<vmem>>) offsets(%dma_start3A_255 : memref<128xi32, #tpu.memory_space<vmem>>) semaphore(%arg12 : memref<!tpu.dma_semaphore, #tpu.memory_space<semaphore_mem>>)
      %dma_wait3A_259 = arith.constant 0 : i32
      %dma_wait3A_260 = tpu.memref_slice %arg5[%add3A_241, %dma_wait3A_259] : memref<50x128xi32, #tpu.memory_space<vmem>> -> memref<1x128xi32, #tpu.memory_space<vmem>>
      %dma_wait3A_261 = tpu.memref_squeeze %dma_wait3A_260 : memref<1x128xi32, #tpu.memory_space<vmem>> -> memref<128xi32, #tpu.memory_space<vmem>>
      %dma_wait3A_262 = arith.constant 0 : i32
      %dma_wait3A_263 = arith.constant 0 : i32
      %dma_wait3A_264 = tpu.memref_slice %arg3[%dma_wait3A_262, %dma_wait3A_263] : memref<100001x128xf32, #tpu.memory_space<hbm>> -> memref<100001x128xf32, #tpu.memory_space<hbm>>
      tpu.wait_indirect_dma semaphore(%arg10 : memref<!tpu.dma_semaphore, #tpu.memory_space<semaphore_mem>>) src(%dma_wait3A_264 : memref<100001x128xf32, #tpu.memory_space<hbm>>) dst(%arg6 : memref<128x128xf32, #tpu.memory_space<vmem>>)
      %mul3A_265 = arith.constant 128 : i32
      %mul3A_266 = arith.muli %add3A_241, %mul3A_265 : i32
      %add3A_267 = arith.addi %mul3A_2, %mul3A_266 : i32
      %dma_start3A_268 = arith.constant 0 : i32
      %dma_start3A_269 = tpu.memref_slice %arg4[%add3A_267, %dma_start3A_268] : memref<204800x128xf32, #tpu.memory_space<hbm>> -> memref<128x128xf32, #tpu.memory_space<hbm>>
      %dma_start3A_270 = arith.constant 0 : i32
      %dma_start3A_271 = tpu.memref_slice %arg4[%add3A_267, %dma_start3A_270] : memref<204800x128xf32, #tpu.memory_space<hbm>> -> memref<128x128xf32, #tpu.memory_space<hbm>>
      tpu.enqueue_dma source(%arg6 : memref<128x128xf32, #tpu.memory_space<vmem>>) target(%dma_start3A_271 : memref<128x128xf32, #tpu.memory_space<hbm>>) target_semaphore(%arg14 : memref<!tpu.dma_semaphore, #tpu.memory_space<semaphore_mem>>)
      %mul3A_272 = arith.constant 4 : i32
      %mul3A_273 = arith.muli %scan3A_163, %mul3A_272 : i32
      %add3A_274 = arith.constant 2 : i32
      %add3A_275 = arith.addi %add3A_274, %mul3A_273 : i32
      %add3A_276 = arith.constant 3 : i32
      %add3A_277 = arith.addi %add3A_275, %add3A_276 : i32
      %add3A_278 = arith.constant 2 : i32
      %add3A_279 = arith.addi %add3A_277, %add3A_278 : i32
      %sub3A_280 = arith.constant 4 : i32
      %sub3A_281 = arith.subi %add3A_279, %sub3A_280 : i32
      %mul3A_282 = arith.constant 128 : i32
      %mul3A_283 = arith.muli %sub3A_281, %mul3A_282 : i32
      %add3A_284 = arith.addi %mul3A_2, %mul3A_283 : i32
      %dma_wait3A_285 = arith.constant 0 : i32
      %dma_wait3A_286 = tpu.memref_slice %arg4[%add3A_284, %dma_wait3A_285] : memref<204800x128xf32, #tpu.memory_space<hbm>> -> memref<128x128xf32, #tpu.memory_space<hbm>>
      %dma_wait3A_287 = arith.constant 0 : i32
      %dma_wait3A_288 = tpu.memref_slice %arg4[%add3A_284, %dma_wait3A_287] : memref<204800x128xf32, #tpu.memory_space<hbm>> -> memref<128x128xf32, #tpu.memory_space<hbm>>
      tpu.wait_dma2 semaphore(%arg17 : memref<!tpu.dma_semaphore, #tpu.memory_space<semaphore_mem>>) src(%arg9 : memref<128x128xf32, #tpu.memory_space<vmem>>) dst(%dma_wait3A_288 : memref<128x128xf32, #tpu.memory_space<hbm>>)
      %dma_start3A_289 = arith.constant 0 : i32
      %dma_start3A_290 = tpu.memref_slice %arg5[%add3A_279, %dma_start3A_289] : memref<50x128xi32, #tpu.memory_space<vmem>> -> memref<1x128xi32, #tpu.memory_space<vmem>>
      %dma_start3A_291 = tpu.memref_squeeze %dma_start3A_290 : memref<1x128xi32, #tpu.memory_space<vmem>> -> memref<128xi32, #tpu.memory_space<vmem>>
      %dma_start3A_292 = arith.constant 0 : i32
      %dma_start3A_293 = arith.constant 0 : i32
      %dma_start3A_294 = tpu.memref_slice %arg3[%dma_start3A_292, %dma_start3A_293] : memref<100001x128xf32, #tpu.memory_space<hbm>> -> memref<100001x128xf32, #tpu.memory_space<hbm>>
      tpu.enqueue_indirect_dma source(%dma_start3A_294 : memref<100001x128xf32, #tpu.memory_space<hbm>>) target(%arg9 : memref<128x128xf32, #tpu.memory_space<vmem>>) offsets(%dma_start3A_291 : memref<128xi32, #tpu.memory_space<vmem>>) semaphore(%arg13 : memref<!tpu.dma_semaphore, #tpu.memory_space<semaphore_mem>>)
      %dma_wait3A_295 = arith.constant 0 : i32
      %dma_wait3A_296 = tpu.memref_slice %arg5[%add3A_277, %dma_wait3A_295] : memref<50x128xi32, #tpu.memory_space<vmem>> -> memref<1x128xi32, #tpu.memory_space<vmem>>
      %dma_wait3A_297 = tpu.memref_squeeze %dma_wait3A_296 : memref<1x128xi32, #tpu.memory_space<vmem>> -> memref<128xi32, #tpu.memory_space<vmem>>
      %dma_wait3A_298 = arith.constant 0 : i32
      %dma_wait3A_299 = arith.constant 0 : i32
      %dma_wait3A_300 = tpu.memref_slice %arg3[%dma_wait3A_298, %dma_wait3A_299] : memref<100001x128xf32, #tpu.memory_space<hbm>> -> memref<100001x128xf32, #tpu.memory_space<hbm>>
      tpu.wait_indirect_dma semaphore(%arg11 : memref<!tpu.dma_semaphore, #tpu.memory_space<semaphore_mem>>) src(%dma_wait3A_300 : memref<100001x128xf32, #tpu.memory_space<hbm>>) dst(%arg7 : memref<128x128xf32, #tpu.memory_space<vmem>>)
      %mul3A_301 = arith.constant 128 : i32
      %mul3A_302 = arith.muli %add3A_277, %mul3A_301 : i32
      %add3A_303 = arith.addi %mul3A_2, %mul3A_302 : i32
      %dma_start3A_304 = arith.constant 0 : i32
      %dma_start3A_305 = tpu.memref_slice %arg4[%add3A_303, %dma_start3A_304] : memref<204800x128xf32, #tpu.memory_space<hbm>> -> memref<128x128xf32, #tpu.memory_space<hbm>>
      %dma_start3A_306 = arith.constant 0 : i32
      %dma_start3A_307 = tpu.memref_slice %arg4[%add3A_303, %dma_start3A_306] : memref<204800x128xf32, #tpu.memory_space<hbm>> -> memref<128x128xf32, #tpu.memory_space<hbm>>
      tpu.enqueue_dma source(%arg7 : memref<128x128xf32, #tpu.memory_space<vmem>>) target(%dma_start3A_307 : memref<128x128xf32, #tpu.memory_space<hbm>>) target_semaphore(%arg15 : memref<!tpu.dma_semaphore, #tpu.memory_space<semaphore_mem>>)
      %scan3A_308 = arith.constant 0 : i32
      scf.yield %scan3A_308 : i32
    }
    %scan3A_60 = arith.constant 11 : i32
    %add3A_61 = arith.constant 5632 : i32
    %add3A_62 = arith.addi %mul3A_2, %add3A_61 : i32
    %dma_wait3A_63 = arith.constant 0 : i32
    %dma_wait3A_64 = tpu.memref_slice %arg4[%add3A_62, %dma_wait3A_63] : memref<204800x128xf32, #tpu.memory_space<hbm>> -> memref<128x128xf32, #tpu.memory_space<hbm>>
    %dma_wait3A_65 = arith.constant 0 : i32
    %dma_wait3A_66 = tpu.memref_slice %arg4[%add3A_62, %dma_wait3A_65] : memref<204800x128xf32, #tpu.memory_space<hbm>> -> memref<128x128xf32, #tpu.memory_space<hbm>>
    tpu.wait_dma2 semaphore(%arg14 : memref<!tpu.dma_semaphore, #tpu.memory_space<semaphore_mem>>) src(%arg6 : memref<128x128xf32, #tpu.memory_space<vmem>>) dst(%dma_wait3A_66 : memref<128x128xf32, #tpu.memory_space<hbm>>)
    %dma_start3A_67 = arith.constant 48 : i32
    %dma_start3A_68 = arith.constant 0 : i32
    %dma_start3A_69 = tpu.memref_slice %arg5[%dma_start3A_67, %dma_start3A_68] : memref<50x128xi32, #tpu.memory_space<vmem>> -> memref<1x128xi32, #tpu.memory_space<vmem>>
    %dma_start3A_70 = tpu.memref_squeeze %dma_start3A_69 : memref<1x128xi32, #tpu.memory_space<vmem>> -> memref<128xi32, #tpu.memory_space<vmem>>
    %dma_start3A_71 = arith.constant 0 : i32
    %dma_start3A_72 = arith.constant 0 : i32
    %dma_start3A_73 = tpu.memref_slice %arg3[%dma_start3A_71, %dma_start3A_72] : memref<100001x128xf32, #tpu.memory_space<hbm>> -> memref<100001x128xf32, #tpu.memory_space<hbm>>
    tpu.enqueue_indirect_dma source(%dma_start3A_73 : memref<100001x128xf32, #tpu.memory_space<hbm>>) target(%arg6 : memref<128x128xf32, #tpu.memory_space<vmem>>) offsets(%dma_start3A_70 : memref<128xi32, #tpu.memory_space<vmem>>) semaphore(%arg10 : memref<!tpu.dma_semaphore, #tpu.memory_space<semaphore_mem>>)
    %dma_wait3A_74 = arith.constant 46 : i32
    %dma_wait3A_75 = arith.constant 0 : i32
    %dma_wait3A_76 = tpu.memref_slice %arg5[%dma_wait3A_74, %dma_wait3A_75] : memref<50x128xi32, #tpu.memory_space<vmem>> -> memref<1x128xi32, #tpu.memory_space<vmem>>
    %dma_wait3A_77 = tpu.memref_squeeze %dma_wait3A_76 : memref<1x128xi32, #tpu.memory_space<vmem>> -> memref<128xi32, #tpu.memory_space<vmem>>
    %dma_wait3A_78 = arith.constant 0 : i32
    %dma_wait3A_79 = arith.constant 0 : i32
    %dma_wait3A_80 = tpu.memref_slice %arg3[%dma_wait3A_78, %dma_wait3A_79] : memref<100001x128xf32, #tpu.memory_space<hbm>> -> memref<100001x128xf32, #tpu.memory_space<hbm>>
    tpu.wait_indirect_dma semaphore(%arg12 : memref<!tpu.dma_semaphore, #tpu.memory_space<semaphore_mem>>) src(%dma_wait3A_80 : memref<100001x128xf32, #tpu.memory_space<hbm>>) dst(%arg8 : memref<128x128xf32, #tpu.memory_space<vmem>>)
    %add3A_81 = arith.constant 5888 : i32
    %add3A_82 = arith.addi %mul3A_2, %add3A_81 : i32
    %dma_start3A_83 = arith.constant 0 : i32
    %dma_start3A_84 = tpu.memref_slice %arg4[%add3A_82, %dma_start3A_83] : memref<204800x128xf32, #tpu.memory_space<hbm>> -> memref<128x128xf32, #tpu.memory_space<hbm>>
    %dma_start3A_85 = arith.constant 0 : i32
    %dma_start3A_86 = tpu.memref_slice %arg4[%add3A_82, %dma_start3A_85] : memref<204800x128xf32, #tpu.memory_space<hbm>> -> memref<128x128xf32, #tpu.memory_space<hbm>>
    tpu.enqueue_dma source(%arg8 : memref<128x128xf32, #tpu.memory_space<vmem>>) target(%dma_start3A_86 : memref<128x128xf32, #tpu.memory_space<hbm>>) target_semaphore(%arg16 : memref<!tpu.dma_semaphore, #tpu.memory_space<semaphore_mem>>)
    %add3A_87 = arith.constant 5760 : i32
    %add3A_88 = arith.addi %mul3A_2, %add3A_87 : i32
    %dma_wait3A_89 = arith.constant 0 : i32
    %dma_wait3A_90 = tpu.memref_slice %arg4[%add3A_88, %dma_wait3A_89] : memref<204800x128xf32, #tpu.memory_space<hbm>> -> memref<128x128xf32, #tpu.memory_space<hbm>>
    %dma_wait3A_91 = arith.constant 0 : i32
    %dma_wait3A_92 = tpu.memref_slice %arg4[%add3A_88, %dma_wait3A_91] : memref<204800x128xf32, #tpu.memory_space<hbm>> -> memref<128x128xf32, #tpu.memory_space<hbm>>
    tpu.wait_dma2 semaphore(%arg15 : memref<!tpu.dma_semaphore, #tpu.memory_space<semaphore_mem>>) src(%arg7 : memref<128x128xf32, #tpu.memory_space<vmem>>) dst(%dma_wait3A_92 : memref<128x128xf32, #tpu.memory_space<hbm>>)
    %dma_start3A_93 = arith.constant 49 : i32
    %dma_start3A_94 = arith.constant 0 : i32
    %dma_start3A_95 = tpu.memref_slice %arg5[%dma_start3A_93, %dma_start3A_94] : memref<50x128xi32, #tpu.memory_space<vmem>> -> memref<1x128xi32, #tpu.memory_space<vmem>>
    %dma_start3A_96 = tpu.memref_squeeze %dma_start3A_95 : memref<1x128xi32, #tpu.memory_space<vmem>> -> memref<128xi32, #tpu.memory_space<vmem>>
    %dma_start3A_97 = arith.constant 0 : i32
    %dma_start3A_98 = arith.constant 0 : i32
    %dma_start3A_99 = tpu.memref_slice %arg3[%dma_start3A_97, %dma_start3A_98] : memref<100001x128xf32, #tpu.memory_space<hbm>> -> memref<100001x128xf32, #tpu.memory_space<hbm>>
    tpu.enqueue_indirect_dma source(%dma_start3A_99 : memref<100001x128xf32, #tpu.memory_space<hbm>>) target(%arg7 : memref<128x128xf32, #tpu.memory_space<vmem>>) offsets(%dma_start3A_96 : memref<128xi32, #tpu.memory_space<vmem>>) semaphore(%arg11 : memref<!tpu.dma_semaphore, #tpu.memory_space<semaphore_mem>>)
    %dma_wait3A_100 = arith.constant 47 : i32
    %dma_wait3A_101 = arith.constant 0 : i32
    %dma_wait3A_102 = tpu.memref_slice %arg5[%dma_wait3A_100, %dma_wait3A_101] : memref<50x128xi32, #tpu.memory_space<vmem>> -> memref<1x128xi32, #tpu.memory_space<vmem>>
    %dma_wait3A_103 = tpu.memref_squeeze %dma_wait3A_102 : memref<1x128xi32, #tpu.memory_space<vmem>> -> memref<128xi32, #tpu.memory_space<vmem>>
    %dma_wait3A_104 = arith.constant 0 : i32
    %dma_wait3A_105 = arith.constant 0 : i32
    %dma_wait3A_106 = tpu.memref_slice %arg3[%dma_wait3A_104, %dma_wait3A_105] : memref<100001x128xf32, #tpu.memory_space<hbm>> -> memref<100001x128xf32, #tpu.memory_space<hbm>>
    tpu.wait_indirect_dma semaphore(%arg13 : memref<!tpu.dma_semaphore, #tpu.memory_space<semaphore_mem>>) src(%dma_wait3A_106 : memref<100001x128xf32, #tpu.memory_space<hbm>>) dst(%arg9 : memref<128x128xf32, #tpu.memory_space<vmem>>)
    %add3A_107 = arith.constant 6016 : i32
    %add3A_108 = arith.addi %mul3A_2, %add3A_107 : i32
    %dma_start3A_109 = arith.constant 0 : i32
    %dma_start3A_110 = tpu.memref_slice %arg4[%add3A_108, %dma_start3A_109] : memref<204800x128xf32, #tpu.memory_space<hbm>> -> memref<128x128xf32, #tpu.memory_space<hbm>>
    %dma_start3A_111 = arith.constant 0 : i32
    %dma_start3A_112 = tpu.memref_slice %arg4[%add3A_108, %dma_start3A_111] : memref<204800x128xf32, #tpu.memory_space<hbm>> -> memref<128x128xf32, #tpu.memory_space<hbm>>
    tpu.enqueue_dma source(%arg9 : memref<128x128xf32, #tpu.memory_space<vmem>>) target(%dma_start3A_112 : memref<128x128xf32, #tpu.memory_space<hbm>>) target_semaphore(%arg17 : memref<!tpu.dma_semaphore, #tpu.memory_space<semaphore_mem>>)
    %dma_wait3A_113 = arith.constant 48 : i32
    %dma_wait3A_114 = arith.constant 0 : i32
    %dma_wait3A_115 = tpu.memref_slice %arg5[%dma_wait3A_113, %dma_wait3A_114] : memref<50x128xi32, #tpu.memory_space<vmem>> -> memref<1x128xi32, #tpu.memory_space<vmem>>
    %dma_wait3A_116 = tpu.memref_squeeze %dma_wait3A_115 : memref<1x128xi32, #tpu.memory_space<vmem>> -> memref<128xi32, #tpu.memory_space<vmem>>
    %dma_wait3A_117 = arith.constant 0 : i32
    %dma_wait3A_118 = arith.constant 0 : i32
    %dma_wait3A_119 = tpu.memref_slice %arg3[%dma_wait3A_117, %dma_wait3A_118] : memref<100001x128xf32, #tpu.memory_space<hbm>> -> memref<100001x128xf32, #tpu.memory_space<hbm>>
    tpu.wait_indirect_dma semaphore(%arg10 : memref<!tpu.dma_semaphore, #tpu.memory_space<semaphore_mem>>) src(%dma_wait3A_119 : memref<100001x128xf32, #tpu.memory_space<hbm>>) dst(%arg6 : memref<128x128xf32, #tpu.memory_space<vmem>>)
    %add3A_120 = arith.constant 6144 : i32
    %add3A_121 = arith.addi %mul3A_2, %add3A_120 : i32
    %dma_start3A_122 = arith.constant 0 : i32
    %dma_start3A_123 = tpu.memref_slice %arg4[%add3A_121, %dma_start3A_122] : memref<204800x128xf32, #tpu.memory_space<hbm>> -> memref<128x128xf32, #tpu.memory_space<hbm>>
    %dma_start3A_124 = arith.constant 0 : i32
    %dma_start3A_125 = tpu.memref_slice %arg4[%add3A_121, %dma_start3A_124] : memref<204800x128xf32, #tpu.memory_space<hbm>> -> memref<128x128xf32, #tpu.memory_space<hbm>>
    tpu.enqueue_dma source(%arg6 : memref<128x128xf32, #tpu.memory_space<vmem>>) target(%dma_start3A_125 : memref<128x128xf32, #tpu.memory_space<hbm>>) target_semaphore(%arg14 : memref<!tpu.dma_semaphore, #tpu.memory_space<semaphore_mem>>)
    %dma_wait3A_126 = arith.constant 49 : i32
    %dma_wait3A_127 = arith.constant 0 : i32
    %dma_wait3A_128 = tpu.memref_slice %arg5[%dma_wait3A_126, %dma_wait3A_127] : memref<50x128xi32, #tpu.memory_space<vmem>> -> memref<1x128xi32, #tpu.memory_space<vmem>>
    %dma_wait3A_129 = tpu.memref_squeeze %dma_wait3A_128 : memref<1x128xi32, #tpu.memory_space<vmem>> -> memref<128xi32, #tpu.memory_space<vmem>>
    %dma_wait3A_130 = arith.constant 0 : i32
    %dma_wait3A_131 = arith.constant 0 : i32
    %dma_wait3A_132 = tpu.memref_slice %arg3[%dma_wait3A_130, %dma_wait3A_131] : memref<100001x128xf32, #tpu.memory_space<hbm>> -> memref<100001x128xf32, #tpu.memory_space<hbm>>
    tpu.wait_indirect_dma semaphore(%arg11 : memref<!tpu.dma_semaphore, #tpu.memory_space<semaphore_mem>>) src(%dma_wait3A_132 : memref<100001x128xf32, #tpu.memory_space<hbm>>) dst(%arg7 : memref<128x128xf32, #tpu.memory_space<vmem>>)
    %add3A_133 = arith.constant 6272 : i32
    %add3A_134 = arith.addi %mul3A_2, %add3A_133 : i32
    %dma_start3A_135 = arith.constant 0 : i32
    %dma_start3A_136 = tpu.memref_slice %arg4[%add3A_134, %dma_start3A_135] : memref<204800x128xf32, #tpu.memory_space<hbm>> -> memref<128x128xf32, #tpu.memory_space<hbm>>
    %dma_start3A_137 = arith.constant 0 : i32
    %dma_start3A_138 = tpu.memref_slice %arg4[%add3A_134, %dma_start3A_137] : memref<204800x128xf32, #tpu.memory_space<hbm>> -> memref<128x128xf32, #tpu.memory_space<hbm>>
    tpu.enqueue_dma source(%arg7 : memref<128x128xf32, #tpu.memory_space<vmem>>) target(%dma_start3A_138 : memref<128x128xf32, #tpu.memory_space<hbm>>) target_semaphore(%arg15 : memref<!tpu.dma_semaphore, #tpu.memory_space<semaphore_mem>>)
    %add3A_139 = arith.constant 5888 : i32
    %add3A_140 = arith.addi %mul3A_2, %add3A_139 : i32
    %dma_wait3A_141 = arith.constant 0 : i32
    %dma_wait3A_142 = tpu.memref_slice %arg4[%add3A_140, %dma_wait3A_141] : memref<204800x128xf32, #tpu.memory_space<hbm>> -> memref<128x128xf32, #tpu.memory_space<hbm>>
    %dma_wait3A_143 = arith.constant 0 : i32
    %dma_wait3A_144 = tpu.memref_slice %arg4[%add3A_140, %dma_wait3A_143] : memref<204800x128xf32, #tpu.memory_space<hbm>> -> memref<128x128xf32, #tpu.memory_space<hbm>>
    tpu.wait_dma2 semaphore(%arg16 : memref<!tpu.dma_semaphore, #tpu.memory_space<semaphore_mem>>) src(%arg8 : memref<128x128xf32, #tpu.memory_space<vmem>>) dst(%dma_wait3A_144 : memref<128x128xf32, #tpu.memory_space<hbm>>)
    %add3A_145 = arith.constant 6016 : i32
    %add3A_146 = arith.addi %mul3A_2, %add3A_145 : i32
    %dma_wait3A_147 = arith.constant 0 : i32
    %dma_wait3A_148 = tpu.memref_slice %arg4[%add3A_146, %dma_wait3A_147] : memref<204800x128xf32, #tpu.memory_space<hbm>> -> memref<128x128xf32, #tpu.memory_space<hbm>>
    %dma_wait3A_149 = arith.constant 0 : i32
    %dma_wait3A_150 = tpu.memref_slice %arg4[%add3A_146, %dma_wait3A_149] : memref<204800x128xf32, #tpu.memory_space<hbm>> -> memref<128x128xf32, #tpu.memory_space<hbm>>
    tpu.wait_dma2 semaphore(%arg17 : memref<!tpu.dma_semaphore, #tpu.memory_space<semaphore_mem>>) src(%arg9 : memref<128x128xf32, #tpu.memory_space<vmem>>) dst(%dma_wait3A_150 : memref<128x128xf32, #tpu.memory_space<hbm>>)
    %add3A_151 = arith.constant 6144 : i32
    %add3A_152 = arith.addi %mul3A_2, %add3A_151 : i32
    %dma_wait3A_153 = arith.constant 0 : i32
    %dma_wait3A_154 = tpu.memref_slice %arg4[%add3A_152, %dma_wait3A_153] : memref<204800x128xf32, #tpu.memory_space<hbm>> -> memref<128x128xf32, #tpu.memory_space<hbm>>
    %dma_wait3A_155 = arith.constant 0 : i32
    %dma_wait3A_156 = tpu.memref_slice %arg4[%add3A_152, %dma_wait3A_155] : memref<204800x128xf32, #tpu.memory_space<hbm>> -> memref<128x128xf32, #tpu.memory_space<hbm>>
    tpu.wait_dma2 semaphore(%arg14 : memref<!tpu.dma_semaphore, #tpu.memory_space<semaphore_mem>>) src(%arg6 : memref<128x128xf32, #tpu.memory_space<vmem>>) dst(%dma_wait3A_156 : memref<128x128xf32, #tpu.memory_space<hbm>>)
    %add3A_157 = arith.constant 6272 : i32
    %add3A_158 = arith.addi %mul3A_2, %add3A_157 : i32
    %dma_wait3A_159 = arith.constant 0 : i32
    %dma_wait3A_160 = tpu.memref_slice %arg4[%add3A_158, %dma_wait3A_159] : memref<204800x128xf32, #tpu.memory_space<hbm>> -> memref<128x128xf32, #tpu.memory_space<hbm>>
    %dma_wait3A_161 = arith.constant 0 : i32
    %dma_wait3A_162 = tpu.memref_slice %arg4[%add3A_158, %dma_wait3A_161] : memref<204800x128xf32, #tpu.memory_space<hbm>> -> memref<128x128xf32, #tpu.memory_space<hbm>>
    tpu.wait_dma2 semaphore(%arg15 : memref<!tpu.dma_semaphore, #tpu.memory_space<semaphore_mem>>) src(%arg7 : memref<128x128xf32, #tpu.memory_space<vmem>>) dst(%dma_wait3A_162 : memref<128x128xf32, #tpu.memory_space<hbm>>)
    return
  }
}

#map = affine_map<(d0, d1) -> (0, 0, 0)>
#map1 = affine_map<(d0, d1) -> (0, 0)>
module attributes {stable_mosaic.version = 14 : i64} {
  func.func @gather_kernel(%arg0: i32, %arg1: i32, %arg2: memref<32x50x128xi32, #tpu.memory_space<hbm>>, %arg3: memref<100001x128xf32, #tpu.memory_space<hbm>>, %arg4: memref<204800x128xf32, #tpu.memory_space<hbm>>, %arg5: memref<50x128xi32, #tpu.memory_space<vmem>>, %arg6: memref<128x128xf32, #tpu.memory_space<vmem>>, %arg7: memref<128x128xf32, #tpu.memory_space<vmem>>, %arg8: memref<128x128xf32, #tpu.memory_space<vmem>>, %arg9: memref<128x128xf32, #tpu.memory_space<vmem>>, %arg10: memref<!tpu.dma_semaphore, #tpu.memory_space<semaphore_mem>>, %arg11: memref<!tpu.dma_semaphore, #tpu.memory_space<semaphore_mem>>, %arg12: memref<!tpu.dma_semaphore, #tpu.memory_space<semaphore_mem>>, %arg13: memref<!tpu.dma_semaphore, #tpu.memory_space<semaphore_mem>>, %arg14: memref<!tpu.dma_semaphore, #tpu.memory_space<semaphore_mem>>, %arg15: memref<!tpu.dma_semaphore, #tpu.memory_space<semaphore_mem>>, %arg16: memref<!tpu.dma_semaphore, #tpu.memory_space<semaphore_mem>>, %arg17: memref<!tpu.dma_semaphore, #tpu.memory_space<semaphore_mem>>) attributes {dimension_semantics = [#tpu.dimension_semantics<core_parallel>, #tpu.dimension_semantics<subcore_parallel>], iteration_bounds = array<i64: 2, 16>, scalar_prefetch = 0 : i64, scratch_operands = 13 : i64, tpu.core_type = #tpu.core_type<sc_vector_subcore>, window_params = [{transform_indices = #map}, {transform_indices = #map1}, {transform_indices = #map1}]} {
    %mul3A = arith.constant 2 : i32
    %mul3A_0 = arith.muli %arg1, %mul3A : i32
    %add3A = arith.addi %mul3A_0, %arg0 : i32
    %mul3A_1 = arith.constant 6400 : i32
    %mul3A_2 = arith.muli %add3A, %mul3A_1 : i32
    "tpu.region"() ({
      %run_scoped3A = tpu.sem_alloc : memref<!tpu.dma_semaphore, #tpu.memory_space<semaphore_mem>>
      %dma_start3A_163 = arith.constant 0 : i32
      %dma_start3A_164 = arith.constant 0 : i32
      %dma_start3A_165 = tpu.memref_slice %arg2[%add3A, %dma_start3A_163, %dma_start3A_164] : memref<32x50x128xi32, #tpu.memory_space<hbm>> -> memref<1x50x128xi32, #tpu.memory_space<hbm>>
      %dma_start3A_166 = tpu.memref_squeeze %dma_start3A_165 : memref<1x50x128xi32, #tpu.memory_space<hbm>> -> memref<50x128xi32, #tpu.memory_space<hbm>>
      %dma_start3A_167 = arith.constant 0 : i32
      %dma_start3A_168 = arith.constant 0 : i32
      %dma_start3A_169 = tpu.memref_slice %arg2[%add3A, %dma_start3A_167, %dma_start3A_168] : memref<32x50x128xi32, #tpu.memory_space<hbm>> -> memref<1x50x128xi32, #tpu.memory_space<hbm>>
      %dma_start3A_170 = tpu.memref_squeeze %dma_start3A_169 : memref<1x50x128xi32, #tpu.memory_space<hbm>> -> memref<50x128xi32, #tpu.memory_space<hbm>>
      tpu.enqueue_dma source(%dma_start3A_170 : memref<50x128xi32, #tpu.memory_space<hbm>>) target(%arg5 : memref<50x128xi32, #tpu.memory_space<vmem>>) target_semaphore(%run_scoped3A : memref<!tpu.dma_semaphore, #tpu.memory_space<semaphore_mem>>)
      %dma_wait3A_171 = arith.constant 0 : i32
      %dma_wait3A_172 = arith.constant 0 : i32
      %dma_wait3A_173 = tpu.memref_slice %arg2[%add3A, %dma_wait3A_171, %dma_wait3A_172] : memref<32x50x128xi32, #tpu.memory_space<hbm>> -> memref<1x50x128xi32, #tpu.memory_space<hbm>>
      %dma_wait3A_174 = tpu.memref_squeeze %dma_wait3A_173 : memref<1x50x128xi32, #tpu.memory_space<hbm>> -> memref<50x128xi32, #tpu.memory_space<hbm>>
      %dma_wait3A_175 = arith.constant 0 : i32
      %dma_wait3A_176 = arith.constant 0 : i32
      %dma_wait3A_177 = tpu.memref_slice %arg2[%add3A, %dma_wait3A_175, %dma_wait3A_176] : memref<32x50x128xi32, #tpu.memory_space<hbm>> -> memref<1x50x128xi32, #tpu.memory_space<hbm>>
      %dma_wait3A_178 = tpu.memref_squeeze %dma_wait3A_177 : memref<1x50x128xi32, #tpu.memory_space<hbm>> -> memref<50x128xi32, #tpu.memory_space<hbm>>
      tpu.wait_dma2 semaphore(%run_scoped3A : memref<!tpu.dma_semaphore, #tpu.memory_space<semaphore_mem>>) src(%dma_wait3A_178 : memref<50x128xi32, #tpu.memory_space<hbm>>) dst(%arg5 : memref<50x128xi32, #tpu.memory_space<vmem>>)
      tpu.yield
    }) : () -> ()
    %dma_start3A = arith.constant 0 : i32
    %dma_start3A_3 = arith.constant 0 : i32
    %dma_start3A_4 = tpu.memref_slice %arg5[%dma_start3A, %dma_start3A_3] : memref<50x128xi32, #tpu.memory_space<vmem>> -> memref<1x128xi32, #tpu.memory_space<vmem>>
    %dma_start3A_5 = tpu.memref_squeeze %dma_start3A_4 : memref<1x128xi32, #tpu.memory_space<vmem>> -> memref<128xi32, #tpu.memory_space<vmem>>
    %dma_start3A_6 = arith.constant 0 : i32
    %dma_start3A_7 = arith.constant 0 : i32
    %dma_start3A_8 = tpu.memref_slice %arg3[%dma_start3A_6, %dma_start3A_7] : memref<100001x128xf32, #tpu.memory_space<hbm>> -> memref<100001x128xf32, #tpu.memory_space<hbm>>
    tpu.enqueue_indirect_dma source(%dma_start3A_8 : memref<100001x128xf32, #tpu.memory_space<hbm>>) target(%arg6 : memref<128x128xf32, #tpu.memory_space<vmem>>) offsets(%dma_start3A_5 : memref<128xi32, #tpu.memory_space<vmem>>) semaphore(%arg10 : memref<!tpu.dma_semaphore, #tpu.memory_space<semaphore_mem>>)
    %dma_start3A_9 = arith.constant 1 : i32
    %dma_start3A_10 = arith.constant 0 : i32
    %dma_start3A_11 = tpu.memref_slice %arg5[%dma_start3A_9, %dma_start3A_10] : memref<50x128xi32, #tpu.memory_space<vmem>> -> memref<1x128xi32, #tpu.memory_space<vmem>>
    %dma_start3A_12 = tpu.memref_squeeze %dma_start3A_11 : memref<1x128xi32, #tpu.memory_space<vmem>> -> memref<128xi32, #tpu.memory_space<vmem>>
    %dma_start3A_13 = arith.constant 0 : i32
    %dma_start3A_14 = arith.constant 0 : i32
    %dma_start3A_15 = tpu.memref_slice %arg3[%dma_start3A_13, %dma_start3A_14] : memref<100001x128xf32, #tpu.memory_space<hbm>> -> memref<100001x128xf32, #tpu.memory_space<hbm>>
    tpu.enqueue_indirect_dma source(%dma_start3A_15 : memref<100001x128xf32, #tpu.memory_space<hbm>>) target(%arg7 : memref<128x128xf32, #tpu.memory_space<vmem>>) offsets(%dma_start3A_12 : memref<128xi32, #tpu.memory_space<vmem>>) semaphore(%arg11 : memref<!tpu.dma_semaphore, #tpu.memory_space<semaphore_mem>>)
    %dma_start3A_16 = arith.constant 2 : i32
    %dma_start3A_17 = arith.constant 0 : i32
    %dma_start3A_18 = tpu.memref_slice %arg5[%dma_start3A_16, %dma_start3A_17] : memref<50x128xi32, #tpu.memory_space<vmem>> -> memref<1x128xi32, #tpu.memory_space<vmem>>
    %dma_start3A_19 = tpu.memref_squeeze %dma_start3A_18 : memref<1x128xi32, #tpu.memory_space<vmem>> -> memref<128xi32, #tpu.memory_space<vmem>>
    %dma_start3A_20 = arith.constant 0 : i32
    %dma_start3A_21 = arith.constant 0 : i32
    %dma_start3A_22 = tpu.memref_slice %arg3[%dma_start3A_20, %dma_start3A_21] : memref<100001x128xf32, #tpu.memory_space<hbm>> -> memref<100001x128xf32, #tpu.memory_space<hbm>>
    tpu.enqueue_indirect_dma source(%dma_start3A_22 : memref<100001x128xf32, #tpu.memory_space<hbm>>) target(%arg8 : memref<128x128xf32, #tpu.memory_space<vmem>>) offsets(%dma_start3A_19 : memref<128xi32, #tpu.memory_space<vmem>>) semaphore(%arg12 : memref<!tpu.dma_semaphore, #tpu.memory_space<semaphore_mem>>)
    %dma_wait3A = arith.constant 0 : i32
    %dma_wait3A_23 = arith.constant 0 : i32
    %dma_wait3A_24 = tpu.memref_slice %arg5[%dma_wait3A, %dma_wait3A_23] : memref<50x128xi32, #tpu.memory_space<vmem>> -> memref<1x128xi32, #tpu.memory_space<vmem>>
    %dma_wait3A_25 = tpu.memref_squeeze %dma_wait3A_24 : memref<1x128xi32, #tpu.memory_space<vmem>> -> memref<128xi32, #tpu.memory_space<vmem>>
    %dma_wait3A_26 = arith.constant 0 : i32
    %dma_wait3A_27 = arith.constant 0 : i32
    %dma_wait3A_28 = tpu.memref_slice %arg3[%dma_wait3A_26, %dma_wait3A_27] : memref<100001x128xf32, #tpu.memory_space<hbm>> -> memref<100001x128xf32, #tpu.memory_space<hbm>>
    tpu.wait_indirect_dma semaphore(%arg10 : memref<!tpu.dma_semaphore, #tpu.memory_space<semaphore_mem>>) src(%dma_wait3A_28 : memref<100001x128xf32, #tpu.memory_space<hbm>>) dst(%arg6 : memref<128x128xf32, #tpu.memory_space<vmem>>)
    %add3A_29 = arith.constant 0 : i32
    %add3A_30 = arith.addi %mul3A_2, %add3A_29 : i32
    %dma_start3A_31 = arith.constant 0 : i32
    %dma_start3A_32 = tpu.memref_slice %arg4[%add3A_30, %dma_start3A_31] : memref<204800x128xf32, #tpu.memory_space<hbm>> -> memref<128x128xf32, #tpu.memory_space<hbm>>
    %dma_start3A_33 = arith.constant 0 : i32
    %dma_start3A_34 = tpu.memref_slice %arg4[%add3A_30, %dma_start3A_33] : memref<204800x128xf32, #tpu.memory_space<hbm>> -> memref<128x128xf32, #tpu.memory_space<hbm>>
    tpu.enqueue_dma source(%arg6 : memref<128x128xf32, #tpu.memory_space<vmem>>) target(%dma_start3A_34 : memref<128x128xf32, #tpu.memory_space<hbm>>) target_semaphore(%arg14 : memref<!tpu.dma_semaphore, #tpu.memory_space<semaphore_mem>>)
    %dma_start3A_35 = arith.constant 3 : i32
    %dma_start3A_36 = arith.constant 0 : i32
    %dma_start3A_37 = tpu.memref_slice %arg5[%dma_start3A_35, %dma_start3A_36] : memref<50x128xi32, #tpu.memory_space<vmem>> -> memref<1x128xi32, #tpu.memory_space<vmem>>
    %dma_start3A_38 = tpu.memref_squeeze %dma_start3A_37 : memref<1x128xi32, #tpu.memory_space<vmem>> -> memref<128xi32, #tpu.memory_space<vmem>>
    %dma_start3A_39 = arith.constant 0 : i32
    %dma_start3A_40 = arith.constant 0 : i32
    %dma_start3A_41 = tpu.memref_slice %arg3[%dma_start3A_39, %dma_start3A_40] : memref<100001x128xf32, #tpu.memory_space<hbm>> -> memref<100001x128xf32, #tpu.memory_space<hbm>>
    tpu.enqueue_indirect_dma source(%dma_start3A_41 : memref<100001x128xf32, #tpu.memory_space<hbm>>) target(%arg9 : memref<128x128xf32, #tpu.memory_space<vmem>>) offsets(%dma_start3A_38 : memref<128xi32, #tpu.memory_space<vmem>>) semaphore(%arg13 : memref<!tpu.dma_semaphore, #tpu.memory_space<semaphore_mem>>)
    %dma_wait3A_42 = arith.constant 1 : i32
    %dma_wait3A_43 = arith.constant 0 : i32
    %dma_wait3A_44 = tpu.memref_slice %arg5[%dma_wait3A_42, %dma_wait3A_43] : memref<50x128xi32, #tpu.memory_space<vmem>> -> memref<1x128xi32, #tpu.memory_space<vmem>>
    %dma_wait3A_45 = tpu.memref_squeeze %dma_wait3A_44 : memref<1x128xi32, #tpu.memory_space<vmem>> -> memref<128xi32, #tpu.memory_space<vmem>>
    %dma_wait3A_46 = arith.constant 0 : i32
    %dma_wait3A_47 = arith.constant 0 : i32
    %dma_wait3A_48 = tpu.memref_slice %arg3[%dma_wait3A_46, %dma_wait3A_47] : memref<100001x128xf32, #tpu.memory_space<hbm>> -> memref<100001x128xf32, #tpu.memory_space<hbm>>
    tpu.wait_indirect_dma semaphore(%arg11 : memref<!tpu.dma_semaphore, #tpu.memory_space<semaphore_mem>>) src(%dma_wait3A_48 : memref<100001x128xf32, #tpu.memory_space<hbm>>) dst(%arg7 : memref<128x128xf32, #tpu.memory_space<vmem>>)
    %add3A_49 = arith.constant 128 : i32
    %add3A_50 = arith.addi %mul3A_2, %add3A_49 : i32
    %dma_start3A_51 = arith.constant 0 : i32
    %dma_start3A_52 = tpu.memref_slice %arg4[%add3A_50, %dma_start3A_51] : memref<204800x128xf32, #tpu.memory_space<hbm>> -> memref<128x128xf32, #tpu.memory_space<hbm>>
    %dma_start3A_53 = arith.constant 0 : i32
    %dma_start3A_54 = tpu.memref_slice %arg4[%add3A_50, %dma_start3A_53] : memref<204800x128xf32, #tpu.memory_space<hbm>> -> memref<128x128xf32, #tpu.memory_space<hbm>>
    tpu.enqueue_dma source(%arg7 : memref<128x128xf32, #tpu.memory_space<vmem>>) target(%dma_start3A_54 : memref<128x128xf32, #tpu.memory_space<hbm>>) target_semaphore(%arg15 : memref<!tpu.dma_semaphore, #tpu.memory_space<semaphore_mem>>)
    %scan3A = arith.constant 0 : i32
    %scan3A_55 = arith.constant 0 : i32
    %scan3A_56 = arith.constant 11 : i32
    %scan3A_57 = arith.addi %scan3A_55, %scan3A_56 : i32
    %scan3A_58 = arith.constant 1 : i32
    %scan3A_59 = scf.for %scan3A_163 = %scan3A_55 to %scan3A_57 step %scan3A_58 iter_args(%scan3A_164 = %scan3A) -> (i32)  : i32 {
      %mul3A_165 = arith.constant 4 : i32
      %mul3A_166 = arith.muli %scan3A_163, %mul3A_165 : i32
      %add3A_167 = arith.constant 2 : i32
      %add3A_168 = arith.addi %add3A_167, %mul3A_166 : i32
      %add3A_169 = arith.constant 0 : i32
      %add3A_170 = arith.addi %add3A_168, %add3A_169 : i32
      %add3A_171 = arith.constant 2 : i32
      %add3A_172 = arith.addi %add3A_170, %add3A_171 : i32
      %sub3A = arith.constant 4 : i32
      %sub3A_173 = arith.subi %add3A_172, %sub3A : i32
      %mul3A_174 = arith.constant 128 : i32
      %mul3A_175 = arith.muli %sub3A_173, %mul3A_174 : i32
      %add3A_176 = arith.addi %mul3A_2, %mul3A_175 : i32
      %dma_wait3A_177 = arith.constant 0 : i32
      %dma_wait3A_178 = tpu.memref_slice %arg4[%add3A_176, %dma_wait3A_177] : memref<204800x128xf32, #tpu.memory_space<hbm>> -> memref<128x128xf32, #tpu.memory_space<hbm>>
      %dma_wait3A_179 = arith.constant 0 : i32
      %dma_wait3A_180 = tpu.memref_slice %arg4[%add3A_176, %dma_wait3A_179] : memref<204800x128xf32, #tpu.memory_space<hbm>> -> memref<128x128xf32, #tpu.memory_space<hbm>>
      tpu.wait_dma2 semaphore(%arg14 : memref<!tpu.dma_semaphore, #tpu.memory_space<semaphore_mem>>) src(%arg6 : memref<128x128xf32, #tpu.memory_space<vmem>>) dst(%dma_wait3A_180 : memref<128x128xf32, #tpu.memory_space<hbm>>)
      %dma_start3A_181 = arith.constant 0 : i32
      %dma_start3A_182 = tpu.memref_slice %arg5[%add3A_172, %dma_start3A_181] : memref<50x128xi32, #tpu.memory_space<vmem>> -> memref<1x128xi32, #tpu.memory_space<vmem>>
      %dma_start3A_183 = tpu.memref_squeeze %dma_start3A_182 : memref<1x128xi32, #tpu.memory_space<vmem>> -> memref<128xi32, #tpu.memory_space<vmem>>
      %dma_start3A_184 = arith.constant 0 : i32
      %dma_start3A_185 = arith.constant 0 : i32
      %dma_start3A_186 = tpu.memref_slice %arg3[%dma_start3A_184, %dma_start3A_185] : memref<100001x128xf32, #tpu.memory_space<hbm>> -> memref<100001x128xf32, #tpu.memory_space<hbm>>
      tpu.enqueue_indirect_dma source(%dma_start3A_186 : memref<100001x128xf32, #tpu.memory_space<hbm>>) target(%arg6 : memref<128x128xf32, #tpu.memory_space<vmem>>) offsets(%dma_start3A_183 : memref<128xi32, #tpu.memory_space<vmem>>) semaphore(%arg10 : memref<!tpu.dma_semaphore, #tpu.memory_space<semaphore_mem>>)
      %dma_wait3A_187 = arith.constant 0 : i32
      %dma_wait3A_188 = tpu.memref_slice %arg5[%add3A_170, %dma_wait3A_187] : memref<50x128xi32, #tpu.memory_space<vmem>> -> memref<1x128xi32, #tpu.memory_space<vmem>>
      %dma_wait3A_189 = tpu.memref_squeeze %dma_wait3A_188 : memref<1x128xi32, #tpu.memory_space<vmem>> -> memref<128xi32, #tpu.memory_space<vmem>>
      %dma_wait3A_190 = arith.constant 0 : i32
      %dma_wait3A_191 = arith.constant 0 : i32
      %dma_wait3A_192 = tpu.memref_slice %arg3[%dma_wait3A_190, %dma_wait3A_191] : memref<100001x128xf32, #tpu.memory_space<hbm>> -> memref<100001x128xf32, #tpu.memory_space<hbm>>
      tpu.wait_indirect_dma semaphore(%arg12 : memref<!tpu.dma_semaphore, #tpu.memory_space<semaphore_mem>>) src(%dma_wait3A_192 : memref<100001x128xf32, #tpu.memory_space<hbm>>) dst(%arg8 : memref<128x128xf32, #tpu.memory_space<vmem>>)
      %mul3A_193 = arith.constant 128 : i32
      %mul3A_194 = arith.muli %add3A_170, %mul3A_193 : i32
      %add3A_195 = arith.addi %mul3A_2, %mul3A_194 : i32
      %dma_start3A_196 = arith.constant 0 : i32
      %dma_start3A_197 = tpu.memref_slice %arg4[%add3A_195, %dma_start3A_196] : memref<204800x128xf32, #tpu.memory_space<hbm>> -> memref<128x128xf32, #tpu.memory_space<hbm>>
      %dma_start3A_198 = arith.constant 0 : i32
      %dma_start3A_199 = tpu.memref_slice %arg4[%add3A_195, %dma_start3A_198] : memref<204800x128xf32, #tpu.memory_space<hbm>> -> memref<128x128xf32, #tpu.memory_space<hbm>>
      tpu.enqueue_dma source(%arg8 : memref<128x128xf32, #tpu.memory_space<vmem>>) target(%dma_start3A_199 : memref<128x128xf32, #tpu.memory_space<hbm>>) target_semaphore(%arg16 : memref<!tpu.dma_semaphore, #tpu.memory_space<semaphore_mem>>)
      %mul3A_200 = arith.constant 4 : i32
      %mul3A_201 = arith.muli %scan3A_163, %mul3A_200 : i32
      %add3A_202 = arith.constant 2 : i32
      %add3A_203 = arith.addi %add3A_202, %mul3A_201 : i32
      %add3A_204 = arith.constant 1 : i32
      %add3A_205 = arith.addi %add3A_203, %add3A_204 : i32
      %add3A_206 = arith.constant 2 : i32
      %add3A_207 = arith.addi %add3A_205, %add3A_206 : i32
      %sub3A_208 = arith.constant 4 : i32
      %sub3A_209 = arith.subi %add3A_207, %sub3A_208 : i32
      %mul3A_210 = arith.constant 128 : i32
      %mul3A_211 = arith.muli %sub3A_209, %mul3A_210 : i32
      %add3A_212 = arith.addi %mul3A_2, %mul3A_211 : i32
      %dma_wait3A_213 = arith.constant 0 : i32
      %dma_wait3A_214 = tpu.memref_slice %arg4[%add3A_212, %dma_wait3A_213] : memref<204800x128xf32, #tpu.memory_space<hbm>> -> memref<128x128xf32, #tpu.memory_space<hbm>>
      %dma_wait3A_215 = arith.constant 0 : i32
      %dma_wait3A_216 = tpu.memref_slice %arg4[%add3A_212, %dma_wait3A_215] : memref<204800x128xf32, #tpu.memory_space<hbm>> -> memref<128x128xf32, #tpu.memory_space<hbm>>
      tpu.wait_dma2 semaphore(%arg15 : memref<!tpu.dma_semaphore, #tpu.memory_space<semaphore_mem>>) src(%arg7 : memref<128x128xf32, #tpu.memory_space<vmem>>) dst(%dma_wait3A_216 : memref<128x128xf32, #tpu.memory_space<hbm>>)
      %dma_start3A_217 = arith.constant 0 : i32
      %dma_start3A_218 = tpu.memref_slice %arg5[%add3A_207, %dma_start3A_217] : memref<50x128xi32, #tpu.memory_space<vmem>> -> memref<1x128xi32, #tpu.memory_space<vmem>>
      %dma_start3A_219 = tpu.memref_squeeze %dma_start3A_218 : memref<1x128xi32, #tpu.memory_space<vmem>> -> memref<128xi32, #tpu.memory_space<vmem>>
      %dma_start3A_220 = arith.constant 0 : i32
      %dma_start3A_221 = arith.constant 0 : i32
      %dma_start3A_222 = tpu.memref_slice %arg3[%dma_start3A_220, %dma_start3A_221] : memref<100001x128xf32, #tpu.memory_space<hbm>> -> memref<100001x128xf32, #tpu.memory_space<hbm>>
      tpu.enqueue_indirect_dma source(%dma_start3A_222 : memref<100001x128xf32, #tpu.memory_space<hbm>>) target(%arg7 : memref<128x128xf32, #tpu.memory_space<vmem>>) offsets(%dma_start3A_219 : memref<128xi32, #tpu.memory_space<vmem>>) semaphore(%arg11 : memref<!tpu.dma_semaphore, #tpu.memory_space<semaphore_mem>>)
      %dma_wait3A_223 = arith.constant 0 : i32
      %dma_wait3A_224 = tpu.memref_slice %arg5[%add3A_205, %dma_wait3A_223] : memref<50x128xi32, #tpu.memory_space<vmem>> -> memref<1x128xi32, #tpu.memory_space<vmem>>
      %dma_wait3A_225 = tpu.memref_squeeze %dma_wait3A_224 : memref<1x128xi32, #tpu.memory_space<vmem>> -> memref<128xi32, #tpu.memory_space<vmem>>
      %dma_wait3A_226 = arith.constant 0 : i32
      %dma_wait3A_227 = arith.constant 0 : i32
      %dma_wait3A_228 = tpu.memref_slice %arg3[%dma_wait3A_226, %dma_wait3A_227] : memref<100001x128xf32, #tpu.memory_space<hbm>> -> memref<100001x128xf32, #tpu.memory_space<hbm>>
      tpu.wait_indirect_dma semaphore(%arg13 : memref<!tpu.dma_semaphore, #tpu.memory_space<semaphore_mem>>) src(%dma_wait3A_228 : memref<100001x128xf32, #tpu.memory_space<hbm>>) dst(%arg9 : memref<128x128xf32, #tpu.memory_space<vmem>>)
      %mul3A_229 = arith.constant 128 : i32
      %mul3A_230 = arith.muli %add3A_205, %mul3A_229 : i32
      %add3A_231 = arith.addi %mul3A_2, %mul3A_230 : i32
      %dma_start3A_232 = arith.constant 0 : i32
      %dma_start3A_233 = tpu.memref_slice %arg4[%add3A_231, %dma_start3A_232] : memref<204800x128xf32, #tpu.memory_space<hbm>> -> memref<128x128xf32, #tpu.memory_space<hbm>>
      %dma_start3A_234 = arith.constant 0 : i32
      %dma_start3A_235 = tpu.memref_slice %arg4[%add3A_231, %dma_start3A_234] : memref<204800x128xf32, #tpu.memory_space<hbm>> -> memref<128x128xf32, #tpu.memory_space<hbm>>
      tpu.enqueue_dma source(%arg9 : memref<128x128xf32, #tpu.memory_space<vmem>>) target(%dma_start3A_235 : memref<128x128xf32, #tpu.memory_space<hbm>>) target_semaphore(%arg17 : memref<!tpu.dma_semaphore, #tpu.memory_space<semaphore_mem>>)
      %mul3A_236 = arith.constant 4 : i32
      %mul3A_237 = arith.muli %scan3A_163, %mul3A_236 : i32
      %add3A_238 = arith.constant 2 : i32
      %add3A_239 = arith.addi %add3A_238, %mul3A_237 : i32
      %add3A_240 = arith.constant 2 : i32
      %add3A_241 = arith.addi %add3A_239, %add3A_240 : i32
      %add3A_242 = arith.constant 2 : i32
      %add3A_243 = arith.addi %add3A_241, %add3A_242 : i32
      %sub3A_244 = arith.constant 4 : i32
      %sub3A_245 = arith.subi %add3A_243, %sub3A_244 : i32
      %mul3A_246 = arith.constant 128 : i32
      %mul3A_247 = arith.muli %sub3A_245, %mul3A_246 : i32
      %add3A_248 = arith.addi %mul3A_2, %mul3A_247 : i32
      %dma_wait3A_249 = arith.constant 0 : i32
      %dma_wait3A_250 = tpu.memref_slice %arg4[%add3A_248, %dma_wait3A_249] : memref<204800x128xf32, #tpu.memory_space<hbm>> -> memref<128x128xf32, #tpu.memory_space<hbm>>
      %dma_wait3A_251 = arith.constant 0 : i32
      %dma_wait3A_252 = tpu.memref_slice %arg4[%add3A_248, %dma_wait3A_251] : memref<204800x128xf32, #tpu.memory_space<hbm>> -> memref<128x128xf32, #tpu.memory_space<hbm>>
      tpu.wait_dma2 semaphore(%arg16 : memref<!tpu.dma_semaphore, #tpu.memory_space<semaphore_mem>>) src(%arg8 : memref<128x128xf32, #tpu.memory_space<vmem>>) dst(%dma_wait3A_252 : memref<128x128xf32, #tpu.memory_space<hbm>>)
      %dma_start3A_253 = arith.constant 0 : i32
      %dma_start3A_254 = tpu.memref_slice %arg5[%add3A_243, %dma_start3A_253] : memref<50x128xi32, #tpu.memory_space<vmem>> -> memref<1x128xi32, #tpu.memory_space<vmem>>
      %dma_start3A_255 = tpu.memref_squeeze %dma_start3A_254 : memref<1x128xi32, #tpu.memory_space<vmem>> -> memref<128xi32, #tpu.memory_space<vmem>>
      %dma_start3A_256 = arith.constant 0 : i32
      %dma_start3A_257 = arith.constant 0 : i32
      %dma_start3A_258 = tpu.memref_slice %arg3[%dma_start3A_256, %dma_start3A_257] : memref<100001x128xf32, #tpu.memory_space<hbm>> -> memref<100001x128xf32, #tpu.memory_space<hbm>>
      tpu.enqueue_indirect_dma source(%dma_start3A_258 : memref<100001x128xf32, #tpu.memory_space<hbm>>) target(%arg8 : memref<128x128xf32, #tpu.memory_space<vmem>>) offsets(%dma_start3A_255 : memref<128xi32, #tpu.memory_space<vmem>>) semaphore(%arg12 : memref<!tpu.dma_semaphore, #tpu.memory_space<semaphore_mem>>)
      %dma_wait3A_259 = arith.constant 0 : i32
      %dma_wait3A_260 = tpu.memref_slice %arg5[%add3A_241, %dma_wait3A_259] : memref<50x128xi32, #tpu.memory_space<vmem>> -> memref<1x128xi32, #tpu.memory_space<vmem>>
      %dma_wait3A_261 = tpu.memref_squeeze %dma_wait3A_260 : memref<1x128xi32, #tpu.memory_space<vmem>> -> memref<128xi32, #tpu.memory_space<vmem>>
      %dma_wait3A_262 = arith.constant 0 : i32
      %dma_wait3A_263 = arith.constant 0 : i32
      %dma_wait3A_264 = tpu.memref_slice %arg3[%dma_wait3A_262, %dma_wait3A_263] : memref<100001x128xf32, #tpu.memory_space<hbm>> -> memref<100001x128xf32, #tpu.memory_space<hbm>>
      tpu.wait_indirect_dma semaphore(%arg10 : memref<!tpu.dma_semaphore, #tpu.memory_space<semaphore_mem>>) src(%dma_wait3A_264 : memref<100001x128xf32, #tpu.memory_space<hbm>>) dst(%arg6 : memref<128x128xf32, #tpu.memory_space<vmem>>)
      %mul3A_265 = arith.constant 128 : i32
      %mul3A_266 = arith.muli %add3A_241, %mul3A_265 : i32
      %add3A_267 = arith.addi %mul3A_2, %mul3A_266 : i32
      %dma_start3A_268 = arith.constant 0 : i32
      %dma_start3A_269 = tpu.memref_slice %arg4[%add3A_267, %dma_start3A_268] : memref<204800x128xf32, #tpu.memory_space<hbm>> -> memref<128x128xf32, #tpu.memory_space<hbm>>
      %dma_start3A_270 = arith.constant 0 : i32
      %dma_start3A_271 = tpu.memref_slice %arg4[%add3A_267, %dma_start3A_270] : memref<204800x128xf32, #tpu.memory_space<hbm>> -> memref<128x128xf32, #tpu.memory_space<hbm>>
      tpu.enqueue_dma source(%arg6 : memref<128x128xf32, #tpu.memory_space<vmem>>) target(%dma_start3A_271 : memref<128x128xf32, #tpu.memory_space<hbm>>) target_semaphore(%arg14 : memref<!tpu.dma_semaphore, #tpu.memory_space<semaphore_mem>>)
      %mul3A_272 = arith.constant 4 : i32
      %mul3A_273 = arith.muli %scan3A_163, %mul3A_272 : i32
      %add3A_274 = arith.constant 2 : i32
      %add3A_275 = arith.addi %add3A_274, %mul3A_273 : i32
      %add3A_276 = arith.constant 3 : i32
      %add3A_277 = arith.addi %add3A_275, %add3A_276 : i32
      %add3A_278 = arith.constant 2 : i32
      %add3A_279 = arith.addi %add3A_277, %add3A_278 : i32
      %sub3A_280 = arith.constant 4 : i32
      %sub3A_281 = arith.subi %add3A_279, %sub3A_280 : i32
      %mul3A_282 = arith.constant 128 : i32
      %mul3A_283 = arith.muli %sub3A_281, %mul3A_282 : i32
      %add3A_284 = arith.addi %mul3A_2, %mul3A_283 : i32
      %dma_wait3A_285 = arith.constant 0 : i32
      %dma_wait3A_286 = tpu.memref_slice %arg4[%add3A_284, %dma_wait3A_285] : memref<204800x128xf32, #tpu.memory_space<hbm>> -> memref<128x128xf32, #tpu.memory_space<hbm>>
      %dma_wait3A_287 = arith.constant 0 : i32
      %dma_wait3A_288 = tpu.memref_slice %arg4[%add3A_284, %dma_wait3A_287] : memref<204800x128xf32, #tpu.memory_space<hbm>> -> memref<128x128xf32, #tpu.memory_space<hbm>>
      tpu.wait_dma2 semaphore(%arg17 : memref<!tpu.dma_semaphore, #tpu.memory_space<semaphore_mem>>) src(%arg9 : memref<128x128xf32, #tpu.memory_space<vmem>>) dst(%dma_wait3A_288 : memref<128x128xf32, #tpu.memory_space<hbm>>)
      %dma_start3A_289 = arith.constant 0 : i32
      %dma_start3A_290 = tpu.memref_slice %arg5[%add3A_279, %dma_start3A_289] : memref<50x128xi32, #tpu.memory_space<vmem>> -> memref<1x128xi32, #tpu.memory_space<vmem>>
      %dma_start3A_291 = tpu.memref_squeeze %dma_start3A_290 : memref<1x128xi32, #tpu.memory_space<vmem>> -> memref<128xi32, #tpu.memory_space<vmem>>
      %dma_start3A_292 = arith.constant 0 : i32
      %dma_start3A_293 = arith.constant 0 : i32
      %dma_start3A_294 = tpu.memref_slice %arg3[%dma_start3A_292, %dma_start3A_293] : memref<100001x128xf32, #tpu.memory_space<hbm>> -> memref<100001x128xf32, #tpu.memory_space<hbm>>
      tpu.enqueue_indirect_dma source(%dma_start3A_294 : memref<100001x128xf32, #tpu.memory_space<hbm>>) target(%arg9 : memref<128x128xf32, #tpu.memory_space<vmem>>) offsets(%dma_start3A_291 : memref<128xi32, #tpu.memory_space<vmem>>) semaphore(%arg13 : memref<!tpu.dma_semaphore, #tpu.memory_space<semaphore_mem>>)
      %dma_wait3A_295 = arith.constant 0 : i32
      %dma_wait3A_296 = tpu.memref_slice %arg5[%add3A_277, %dma_wait3A_295] : memref<50x128xi32, #tpu.memory_space<vmem>> -> memref<1x128xi32, #tpu.memory_space<vmem>>
      %dma_wait3A_297 = tpu.memref_squeeze %dma_wait3A_296 : memref<1x128xi32, #tpu.memory_space<vmem>> -> memref<128xi32, #tpu.memory_space<vmem>>
      %dma_wait3A_298 = arith.constant 0 : i32
      %dma_wait3A_299 = arith.constant 0 : i32
      %dma_wait3A_300 = tpu.memref_slice %arg3[%dma_wait3A_298, %dma_wait3A_299] : memref<100001x128xf32, #tpu.memory_space<hbm>> -> memref<100001x128xf32, #tpu.memory_space<hbm>>
      tpu.wait_indirect_dma semaphore(%arg11 : memref<!tpu.dma_semaphore, #tpu.memory_space<semaphore_mem>>) src(%dma_wait3A_300 : memref<100001x128xf32, #tpu.memory_space<hbm>>) dst(%arg7 : memref<128x128xf32, #tpu.memory_space<vmem>>)
      %mul3A_301 = arith.constant 128 : i32
      %mul3A_302 = arith.muli %add3A_277, %mul3A_301 : i32
      %add3A_303 = arith.addi %mul3A_2, %mul3A_302 : i32
      %dma_start3A_304 = arith.constant 0 : i32
      %dma_start3A_305 = tpu.memref_slice %arg4[%add3A_303, %dma_start3A_304] : memref<204800x128xf32, #tpu.memory_space<hbm>> -> memref<128x128xf32, #tpu.memory_space<hbm>>
      %dma_start3A_306 = arith.constant 0 : i32
      %dma_start3A_307 = tpu.memref_slice %arg4[%add3A_303, %dma_start3A_306] : memref<204800x128xf32, #tpu.memory_space<hbm>> -> memref<128x128xf32, #tpu.memory_space<hbm>>
      tpu.enqueue_dma source(%arg7 : memref<128x128xf32, #tpu.memory_space<vmem>>) target(%dma_start3A_307 : memref<128x128xf32, #tpu.memory_space<hbm>>) target_semaphore(%arg15 : memref<!tpu.dma_semaphore, #tpu.memory_space<semaphore_mem>>)
      %scan3A_308 = arith.constant 0 : i32
      scf.yield %scan3A_308 : i32
    }
    %scan3A_60 = arith.constant 11 : i32
    %add3A_61 = arith.constant 5632 : i32
    %add3A_62 = arith.addi %mul3A_2, %add3A_61 : i32
    %dma_wait3A_63 = arith.constant 0 : i32
    %dma_wait3A_64 = tpu.memref_slice %arg4[%add3A_62, %dma_wait3A_63] : memref<204800x128xf32, #tpu.memory_space<hbm>> -> memref<128x128xf32, #tpu.memory_space<hbm>>
    %dma_wait3A_65 = arith.constant 0 : i32
    %dma_wait3A_66 = tpu.memref_slice %arg4[%add3A_62, %dma_wait3A_65] : memref<204800x128xf32, #tpu.memory_space<hbm>> -> memref<128x128xf32, #tpu.memory_space<hbm>>
    tpu.wait_dma2 semaphore(%arg14 : memref<!tpu.dma_semaphore, #tpu.memory_space<semaphore_mem>>) src(%arg6 : memref<128x128xf32, #tpu.memory_space<vmem>>) dst(%dma_wait3A_66 : memref<128x128xf32, #tpu.memory_space<hbm>>)
    %dma_start3A_67 = arith.constant 48 : i32
    %dma_start3A_68 = arith.constant 0 : i32
    %dma_start3A_69 = tpu.memref_slice %arg5[%dma_start3A_67, %dma_start3A_68] : memref<50x128xi32, #tpu.memory_space<vmem>> -> memref<1x128xi32, #tpu.memory_space<vmem>>
    %dma_start3A_70 = tpu.memref_squeeze %dma_start3A_69 : memref<1x128xi32, #tpu.memory_space<vmem>> -> memref<128xi32, #tpu.memory_space<vmem>>
    %dma_start3A_71 = arith.constant 0 : i32
    %dma_start3A_72 = arith.constant 0 : i32
    %dma_start3A_73 = tpu.memref_slice %arg3[%dma_start3A_71, %dma_start3A_72] : memref<100001x128xf32, #tpu.memory_space<hbm>> -> memref<100001x128xf32, #tpu.memory_space<hbm>>
    tpu.enqueue_indirect_dma source(%dma_start3A_73 : memref<100001x128xf32, #tpu.memory_space<hbm>>) target(%arg6 : memref<128x128xf32, #tpu.memory_space<vmem>>) offsets(%dma_start3A_70 : memref<128xi32, #tpu.memory_space<vmem>>) semaphore(%arg10 : memref<!tpu.dma_semaphore, #tpu.memory_space<semaphore_mem>>)
    %dma_wait3A_74 = arith.constant 46 : i32
    %dma_wait3A_75 = arith.constant 0 : i32
    %dma_wait3A_76 = tpu.memref_slice %arg5[%dma_wait3A_74, %dma_wait3A_75] : memref<50x128xi32, #tpu.memory_space<vmem>> -> memref<1x128xi32, #tpu.memory_space<vmem>>
    %dma_wait3A_77 = tpu.memref_squeeze %dma_wait3A_76 : memref<1x128xi32, #tpu.memory_space<vmem>> -> memref<128xi32, #tpu.memory_space<vmem>>
    %dma_wait3A_78 = arith.constant 0 : i32
    %dma_wait3A_79 = arith.constant 0 : i32
    %dma_wait3A_80 = tpu.memref_slice %arg3[%dma_wait3A_78, %dma_wait3A_79] : memref<100001x128xf32, #tpu.memory_space<hbm>> -> memref<100001x128xf32, #tpu.memory_space<hbm>>
    tpu.wait_indirect_dma semaphore(%arg12 : memref<!tpu.dma_semaphore, #tpu.memory_space<semaphore_mem>>) src(%dma_wait3A_80 : memref<100001x128xf32, #tpu.memory_space<hbm>>) dst(%arg8 : memref<128x128xf32, #tpu.memory_space<vmem>>)
    %add3A_81 = arith.constant 5888 : i32
    %add3A_82 = arith.addi %mul3A_2, %add3A_81 : i32
    %dma_start3A_83 = arith.constant 0 : i32
    %dma_start3A_84 = tpu.memref_slice %arg4[%add3A_82, %dma_start3A_83] : memref<204800x128xf32, #tpu.memory_space<hbm>> -> memref<128x128xf32, #tpu.memory_space<hbm>>
    %dma_start3A_85 = arith.constant 0 : i32
    %dma_start3A_86 = tpu.memref_slice %arg4[%add3A_82, %dma_start3A_85] : memref<204800x128xf32, #tpu.memory_space<hbm>> -> memref<128x128xf32, #tpu.memory_space<hbm>>
    tpu.enqueue_dma source(%arg8 : memref<128x128xf32, #tpu.memory_space<vmem>>) target(%dma_start3A_86 : memref<128x128xf32, #tpu.memory_space<hbm>>) target_semaphore(%arg16 : memref<!tpu.dma_semaphore, #tpu.memory_space<semaphore_mem>>)
    %add3A_87 = arith.constant 5760 : i32
    %add3A_88 = arith.addi %mul3A_2, %add3A_87 : i32
    %dma_wait3A_89 = arith.constant 0 : i32
    %dma_wait3A_90 = tpu.memref_slice %arg4[%add3A_88, %dma_wait3A_89] : memref<204800x128xf32, #tpu.memory_space<hbm>> -> memref<128x128xf32, #tpu.memory_space<hbm>>
    %dma_wait3A_91 = arith.constant 0 : i32
    %dma_wait3A_92 = tpu.memref_slice %arg4[%add3A_88, %dma_wait3A_91] : memref<204800x128xf32, #tpu.memory_space<hbm>> -> memref<128x128xf32, #tpu.memory_space<hbm>>
    tpu.wait_dma2 semaphore(%arg15 : memref<!tpu.dma_semaphore, #tpu.memory_space<semaphore_mem>>) src(%arg7 : memref<128x128xf32, #tpu.memory_space<vmem>>) dst(%dma_wait3A_92 : memref<128x128xf32, #tpu.memory_space<hbm>>)
    %dma_start3A_93 = arith.constant 49 : i32
    %dma_start3A_94 = arith.constant 0 : i32
    %dma_start3A_95 = tpu.memref_slice %arg5[%dma_start3A_93, %dma_start3A_94] : memref<50x128xi32, #tpu.memory_space<vmem>> -> memref<1x128xi32, #tpu.memory_space<vmem>>
    %dma_start3A_96 = tpu.memref_squeeze %dma_start3A_95 : memref<1x128xi32, #tpu.memory_space<vmem>> -> memref<128xi32, #tpu.memory_space<vmem>>
    %dma_start3A_97 = arith.constant 0 : i32
    %dma_start3A_98 = arith.constant 0 : i32
    %dma_start3A_99 = tpu.memref_slice %arg3[%dma_start3A_97, %dma_start3A_98] : memref<100001x128xf32, #tpu.memory_space<hbm>> -> memref<100001x128xf32, #tpu.memory_space<hbm>>
    tpu.enqueue_indirect_dma source(%dma_start3A_99 : memref<100001x128xf32, #tpu.memory_space<hbm>>) target(%arg7 : memref<128x128xf32, #tpu.memory_space<vmem>>) offsets(%dma_start3A_96 : memref<128xi32, #tpu.memory_space<vmem>>) semaphore(%arg11 : memref<!tpu.dma_semaphore, #tpu.memory_space<semaphore_mem>>)
    %dma_wait3A_100 = arith.constant 47 : i32
    %dma_wait3A_101 = arith.constant 0 : i32
    %dma_wait3A_102 = tpu.memref_slice %arg5[%dma_wait3A_100, %dma_wait3A_101] : memref<50x128xi32, #tpu.memory_space<vmem>> -> memref<1x128xi32, #tpu.memory_space<vmem>>
    %dma_wait3A_103 = tpu.memref_squeeze %dma_wait3A_102 : memref<1x128xi32, #tpu.memory_space<vmem>> -> memref<128xi32, #tpu.memory_space<vmem>>
    %dma_wait3A_104 = arith.constant 0 : i32
    %dma_wait3A_105 = arith.constant 0 : i32
    %dma_wait3A_106 = tpu.memref_slice %arg3[%dma_wait3A_104, %dma_wait3A_105] : memref<100001x128xf32, #tpu.memory_space<hbm>> -> memref<100001x128xf32, #tpu.memory_space<hbm>>
    tpu.wait_indirect_dma semaphore(%arg13 : memref<!tpu.dma_semaphore, #tpu.memory_space<semaphore_mem>>) src(%dma_wait3A_106 : memref<100001x128xf32, #tpu.memory_space<hbm>>) dst(%arg9 : memref<128x128xf32, #tpu.memory_space<vmem>>)
    %add3A_107 = arith.constant 6016 : i32
    %add3A_108 = arith.addi %mul3A_2, %add3A_107 : i32
    %dma_start3A_109 = arith.constant 0 : i32
    %dma_start3A_110 = tpu.memref_slice %arg4[%add3A_108, %dma_start3A_109] : memref<204800x128xf32, #tpu.memory_space<hbm>> -> memref<128x128xf32, #tpu.memory_space<hbm>>
    %dma_start3A_111 = arith.constant 0 : i32
    %dma_start3A_112 = tpu.memref_slice %arg4[%add3A_108, %dma_start3A_111] : memref<204800x128xf32, #tpu.memory_space<hbm>> -> memref<128x128xf32, #tpu.memory_space<hbm>>
    tpu.enqueue_dma source(%arg9 : memref<128x128xf32, #tpu.memory_space<vmem>>) target(%dma_start3A_112 : memref<128x128xf32, #tpu.memory_space<hbm>>) target_semaphore(%arg17 : memref<!tpu.dma_semaphore, #tpu.memory_space<semaphore_mem>>)
    %dma_wait3A_113 = arith.constant 48 : i32
    %dma_wait3A_114 = arith.constant 0 : i32
    %dma_wait3A_115 = tpu.memref_slice %arg5[%dma_wait3A_113, %dma_wait3A_114] : memref<50x128xi32, #tpu.memory_space<vmem>> -> memref<1x128xi32, #tpu.memory_space<vmem>>
    %dma_wait3A_116 = tpu.memref_squeeze %dma_wait3A_115 : memref<1x128xi32, #tpu.memory_space<vmem>> -> memref<128xi32, #tpu.memory_space<vmem>>
    %dma_wait3A_117 = arith.constant 0 : i32
    %dma_wait3A_118 = arith.constant 0 : i32
    %dma_wait3A_119 = tpu.memref_slice %arg3[%dma_wait3A_117, %dma_wait3A_118] : memref<100001x128xf32, #tpu.memory_space<hbm>> -> memref<100001x128xf32, #tpu.memory_space<hbm>>
    tpu.wait_indirect_dma semaphore(%arg10 : memref<!tpu.dma_semaphore, #tpu.memory_space<semaphore_mem>>) src(%dma_wait3A_119 : memref<100001x128xf32, #tpu.memory_space<hbm>>) dst(%arg6 : memref<128x128xf32, #tpu.memory_space<vmem>>)
    %add3A_120 = arith.constant 6144 : i32
    %add3A_121 = arith.addi %mul3A_2, %add3A_120 : i32
    %dma_start3A_122 = arith.constant 0 : i32
    %dma_start3A_123 = tpu.memref_slice %arg4[%add3A_121, %dma_start3A_122] : memref<204800x128xf32, #tpu.memory_space<hbm>> -> memref<128x128xf32, #tpu.memory_space<hbm>>
    %dma_start3A_124 = arith.constant 0 : i32
    %dma_start3A_125 = tpu.memref_slice %arg4[%add3A_121, %dma_start3A_124] : memref<204800x128xf32, #tpu.memory_space<hbm>> -> memref<128x128xf32, #tpu.memory_space<hbm>>
    tpu.enqueue_dma source(%arg6 : memref<128x128xf32, #tpu.memory_space<vmem>>) target(%dma_start3A_125 : memref<128x128xf32, #tpu.memory_space<hbm>>) target_semaphore(%arg14 : memref<!tpu.dma_semaphore, #tpu.memory_space<semaphore_mem>>)
    %dma_wait3A_126 = arith.constant 49 : i32
    %dma_wait3A_127 = arith.constant 0 : i32
    %dma_wait3A_128 = tpu.memref_slice %arg5[%dma_wait3A_126, %dma_wait3A_127] : memref<50x128xi32, #tpu.memory_space<vmem>> -> memref<1x128xi32, #tpu.memory_space<vmem>>
    %dma_wait3A_129 = tpu.memref_squeeze %dma_wait3A_128 : memref<1x128xi32, #tpu.memory_space<vmem>> -> memref<128xi32, #tpu.memory_space<vmem>>
    %dma_wait3A_130 = arith.constant 0 : i32
    %dma_wait3A_131 = arith.constant 0 : i32
    %dma_wait3A_132 = tpu.memref_slice %arg3[%dma_wait3A_130, %dma_wait3A_131] : memref<100001x128xf32, #tpu.memory_space<hbm>> -> memref<100001x128xf32, #tpu.memory_space<hbm>>
    tpu.wait_indirect_dma semaphore(%arg11 : memref<!tpu.dma_semaphore, #tpu.memory_space<semaphore_mem>>) src(%dma_wait3A_132 : memref<100001x128xf32, #tpu.memory_space<hbm>>) dst(%arg7 : memref<128x128xf32, #tpu.memory_space<vmem>>)
    %add3A_133 = arith.constant 6272 : i32
    %add3A_134 = arith.addi %mul3A_2, %add3A_133 : i32
    %dma_start3A_135 = arith.constant 0 : i32
    %dma_start3A_136 = tpu.memref_slice %arg4[%add3A_134, %dma_start3A_135] : memref<204800x128xf32, #tpu.memory_space<hbm>> -> memref<128x128xf32, #tpu.memory_space<hbm>>
    %dma_start3A_137 = arith.constant 0 : i32
    %dma_start3A_138 = tpu.memref_slice %arg4[%add3A_134, %dma_start3A_137] : memref<204800x128xf32, #tpu.memory_space<hbm>> -> memref<128x128xf32, #tpu.memory_space<hbm>>
    tpu.enqueue_dma source(%arg7 : memref<128x128xf32, #tpu.memory_space<vmem>>) target(%dma_start3A_138 : memref<128x128xf32, #tpu.memory_space<hbm>>) target_semaphore(%arg15 : memref<!tpu.dma_semaphore, #tpu.memory_space<semaphore_mem>>)
    %add3A_139 = arith.constant 5888 : i32
    %add3A_140 = arith.addi %mul3A_2, %add3A_139 : i32
    %dma_wait3A_141 = arith.constant 0 : i32
    %dma_wait3A_142 = tpu.memref_slice %arg4[%add3A_140, %dma_wait3A_141] : memref<204800x128xf32, #tpu.memory_space<hbm>> -> memref<128x128xf32, #tpu.memory_space<hbm>>
    %dma_wait3A_143 = arith.constant 0 : i32
    %dma_wait3A_144 = tpu.memref_slice %arg4[%add3A_140, %dma_wait3A_143] : memref<204800x128xf32, #tpu.memory_space<hbm>> -> memref<128x128xf32, #tpu.memory_space<hbm>>
    tpu.wait_dma2 semaphore(%arg16 : memref<!tpu.dma_semaphore, #tpu.memory_space<semaphore_mem>>) src(%arg8 : memref<128x128xf32, #tpu.memory_space<vmem>>) dst(%dma_wait3A_144 : memref<128x128xf32, #tpu.memory_space<hbm>>)
    %add3A_145 = arith.constant 6016 : i32
    %add3A_146 = arith.addi %mul3A_2, %add3A_145 : i32
    %dma_wait3A_147 = arith.constant 0 : i32
    %dma_wait3A_148 = tpu.memref_slice %arg4[%add3A_146, %dma_wait3A_147] : memref<204800x128xf32, #tpu.memory_space<hbm>> -> memref<128x128xf32, #tpu.memory_space<hbm>>
    %dma_wait3A_149 = arith.constant 0 : i32
    %dma_wait3A_150 = tpu.memref_slice %arg4[%add3A_146, %dma_wait3A_149] : memref<204800x128xf32, #tpu.memory_space<hbm>> -> memref<128x128xf32, #tpu.memory_space<hbm>>
    tpu.wait_dma2 semaphore(%arg17 : memref<!tpu.dma_semaphore, #tpu.memory_space<semaphore_mem>>) src(%arg9 : memref<128x128xf32, #tpu.memory_space<vmem>>) dst(%dma_wait3A_150 : memref<128x128xf32, #tpu.memory_space<hbm>>)
    %add3A_151 = arith.constant 6144 : i32
    %add3A_152 = arith.addi %mul3A_2, %add3A_151 : i32
    %dma_wait3A_153 = arith.constant 0 : i32
    %dma_wait3A_154 = tpu.memref_slice %arg4[%add3A_152, %dma_wait3A_153] : memref<204800x128xf32, #tpu.memory_space<hbm>> -> memref<128x128xf32, #tpu.memory_space<hbm>>
    %dma_wait3A_155 = arith.constant 0 : i32
    %dma_wait3A_156 = tpu.memref_slice %arg4[%add3A_152, %dma_wait3A_155] : memref<204800x128xf32, #tpu.memory_space<hbm>> -> memref<128x128xf32, #tpu.memory_space<hbm>>
    tpu.wait_dma2 semaphore(%arg14 : memref<!tpu.dma_semaphore, #tpu.memory_space<semaphore_mem>>) src(%arg6 : memref<128x128xf32, #tpu.memory_space<vmem>>) dst(%dma_wait3A_156 : memref<128x128xf32, #tpu.memory_space<hbm>>)
    %add3A_157 = arith.constant 6272 : i32
    %add3A_158 = arith.addi %mul3A_2, %add3A_157 : i32
    %dma_wait3A_159 = arith.constant 0 : i32
    %dma_wait3A_160 = tpu.memref_slice %arg4[%add3A_158, %dma_wait3A_159] : memref<204800x128xf32, #tpu.memory_space<hbm>> -> memref<128x128xf32, #tpu.memory_space<hbm>>
    %dma_wait3A_161 = arith.constant 0 : i32
    %dma_wait3A_162 = tpu.memref_slice %arg4[%add3A_158, %dma_wait3A_161] : memref<204800x128xf32, #tpu.memory_space<hbm>> -> memref<128x128xf32, #tpu.memory_space<hbm>>
    tpu.wait_dma2 semaphore(%arg15 : memref<!tpu.dma_semaphore, #tpu.memory_space<semaphore_mem>>) src(%arg7 : memref<128x128xf32, #tpu.memory_space<vmem>>) dst(%dma_wait3A_162 : memref<128x128xf32, #tpu.memory_space<hbm>>)
    return
  }
}

#map = affine_map<(d0, d1) -> (0, 0, 0)>
#map1 = affine_map<(d0, d1) -> (0, 0)>
module attributes {stable_mosaic.version = 14 : i64} {
  func.func @gather_kernel(%arg0: i32, %arg1: i32, %arg2: memref<32x50x128xi32, #tpu.memory_space<hbm>>, %arg3: memref<100001x128xf32, #tpu.memory_space<hbm>>, %arg4: memref<204800x128xf32, #tpu.memory_space<hbm>>, %arg5: memref<50x128xi32, #tpu.memory_space<vmem>>, %arg6: memref<128x128xf32, #tpu.memory_space<vmem>>, %arg7: memref<128x128xf32, #tpu.memory_space<vmem>>, %arg8: memref<128x128xf32, #tpu.memory_space<vmem>>, %arg9: memref<128x128xf32, #tpu.memory_space<vmem>>, %arg10: memref<!tpu.dma_semaphore, #tpu.memory_space<semaphore_mem>>, %arg11: memref<!tpu.dma_semaphore, #tpu.memory_space<semaphore_mem>>, %arg12: memref<!tpu.dma_semaphore, #tpu.memory_space<semaphore_mem>>, %arg13: memref<!tpu.dma_semaphore, #tpu.memory_space<semaphore_mem>>, %arg14: memref<!tpu.dma_semaphore, #tpu.memory_space<semaphore_mem>>, %arg15: memref<!tpu.dma_semaphore, #tpu.memory_space<semaphore_mem>>, %arg16: memref<!tpu.dma_semaphore, #tpu.memory_space<semaphore_mem>>, %arg17: memref<!tpu.dma_semaphore, #tpu.memory_space<semaphore_mem>>) attributes {dimension_semantics = [#tpu.dimension_semantics<core_parallel>, #tpu.dimension_semantics<subcore_parallel>], iteration_bounds = array<i64: 2, 16>, scalar_prefetch = 0 : i64, scratch_operands = 13 : i64, tpu.core_type = #tpu.core_type<sc_vector_subcore>, window_params = [{transform_indices = #map}, {transform_indices = #map1}, {transform_indices = #map1}]} {
    %mul3A = arith.constant 2 : i32
    %mul3A_0 = arith.muli %arg1, %mul3A : i32
    %add3A = arith.addi %mul3A_0, %arg0 : i32
    %mul3A_1 = arith.constant 6400 : i32
    %mul3A_2 = arith.muli %add3A, %mul3A_1 : i32
    "tpu.region"() ({
      %run_scoped3A = tpu.sem_alloc : memref<!tpu.dma_semaphore, #tpu.memory_space<semaphore_mem>>
      %dma_start3A_163 = arith.constant 0 : i32
      %dma_start3A_164 = arith.constant 0 : i32
      %dma_start3A_165 = tpu.memref_slice %arg2[%add3A, %dma_start3A_163, %dma_start3A_164] : memref<32x50x128xi32, #tpu.memory_space<hbm>> -> memref<1x50x128xi32, #tpu.memory_space<hbm>>
      %dma_start3A_166 = tpu.memref_squeeze %dma_start3A_165 : memref<1x50x128xi32, #tpu.memory_space<hbm>> -> memref<50x128xi32, #tpu.memory_space<hbm>>
      %dma_start3A_167 = arith.constant 0 : i32
      %dma_start3A_168 = arith.constant 0 : i32
      %dma_start3A_169 = tpu.memref_slice %arg2[%add3A, %dma_start3A_167, %dma_start3A_168] : memref<32x50x128xi32, #tpu.memory_space<hbm>> -> memref<1x50x128xi32, #tpu.memory_space<hbm>>
      %dma_start3A_170 = tpu.memref_squeeze %dma_start3A_169 : memref<1x50x128xi32, #tpu.memory_space<hbm>> -> memref<50x128xi32, #tpu.memory_space<hbm>>
      tpu.enqueue_dma source(%dma_start3A_170 : memref<50x128xi32, #tpu.memory_space<hbm>>) target(%arg5 : memref<50x128xi32, #tpu.memory_space<vmem>>) target_semaphore(%run_scoped3A : memref<!tpu.dma_semaphore, #tpu.memory_space<semaphore_mem>>)
      %dma_wait3A_171 = arith.constant 0 : i32
      %dma_wait3A_172 = arith.constant 0 : i32
      %dma_wait3A_173 = tpu.memref_slice %arg2[%add3A, %dma_wait3A_171, %dma_wait3A_172] : memref<32x50x128xi32, #tpu.memory_space<hbm>> -> memref<1x50x128xi32, #tpu.memory_space<hbm>>
      %dma_wait3A_174 = tpu.memref_squeeze %dma_wait3A_173 : memref<1x50x128xi32, #tpu.memory_space<hbm>> -> memref<50x128xi32, #tpu.memory_space<hbm>>
      %dma_wait3A_175 = arith.constant 0 : i32
      %dma_wait3A_176 = arith.constant 0 : i32
      %dma_wait3A_177 = tpu.memref_slice %arg2[%add3A, %dma_wait3A_175, %dma_wait3A_176] : memref<32x50x128xi32, #tpu.memory_space<hbm>> -> memref<1x50x128xi32, #tpu.memory_space<hbm>>
      %dma_wait3A_178 = tpu.memref_squeeze %dma_wait3A_177 : memref<1x50x128xi32, #tpu.memory_space<hbm>> -> memref<50x128xi32, #tpu.memory_space<hbm>>
      tpu.wait_dma2 semaphore(%run_scoped3A : memref<!tpu.dma_semaphore, #tpu.memory_space<semaphore_mem>>) src(%dma_wait3A_178 : memref<50x128xi32, #tpu.memory_space<hbm>>) dst(%arg5 : memref<50x128xi32, #tpu.memory_space<vmem>>)
      tpu.yield
    }) : () -> ()
    %dma_start3A = arith.constant 0 : i32
    %dma_start3A_3 = arith.constant 0 : i32
    %dma_start3A_4 = tpu.memref_slice %arg5[%dma_start3A, %dma_start3A_3] : memref<50x128xi32, #tpu.memory_space<vmem>> -> memref<1x128xi32, #tpu.memory_space<vmem>>
    %dma_start3A_5 = tpu.memref_squeeze %dma_start3A_4 : memref<1x128xi32, #tpu.memory_space<vmem>> -> memref<128xi32, #tpu.memory_space<vmem>>
    %dma_start3A_6 = arith.constant 0 : i32
    %dma_start3A_7 = arith.constant 0 : i32
    %dma_start3A_8 = tpu.memref_slice %arg3[%dma_start3A_6, %dma_start3A_7] : memref<100001x128xf32, #tpu.memory_space<hbm>> -> memref<100001x128xf32, #tpu.memory_space<hbm>>
    tpu.enqueue_indirect_dma source(%dma_start3A_8 : memref<100001x128xf32, #tpu.memory_space<hbm>>) target(%arg6 : memref<128x128xf32, #tpu.memory_space<vmem>>) offsets(%dma_start3A_5 : memref<128xi32, #tpu.memory_space<vmem>>) semaphore(%arg10 : memref<!tpu.dma_semaphore, #tpu.memory_space<semaphore_mem>>)
    %dma_start3A_9 = arith.constant 1 : i32
    %dma_start3A_10 = arith.constant 0 : i32
    %dma_start3A_11 = tpu.memref_slice %arg5[%dma_start3A_9, %dma_start3A_10] : memref<50x128xi32, #tpu.memory_space<vmem>> -> memref<1x128xi32, #tpu.memory_space<vmem>>
    %dma_start3A_12 = tpu.memref_squeeze %dma_start3A_11 : memref<1x128xi32, #tpu.memory_space<vmem>> -> memref<128xi32, #tpu.memory_space<vmem>>
    %dma_start3A_13 = arith.constant 0 : i32
    %dma_start3A_14 = arith.constant 0 : i32
    %dma_start3A_15 = tpu.memref_slice %arg3[%dma_start3A_13, %dma_start3A_14] : memref<100001x128xf32, #tpu.memory_space<hbm>> -> memref<100001x128xf32, #tpu.memory_space<hbm>>
    tpu.enqueue_indirect_dma source(%dma_start3A_15 : memref<100001x128xf32, #tpu.memory_space<hbm>>) target(%arg7 : memref<128x128xf32, #tpu.memory_space<vmem>>) offsets(%dma_start3A_12 : memref<128xi32, #tpu.memory_space<vmem>>) semaphore(%arg11 : memref<!tpu.dma_semaphore, #tpu.memory_space<semaphore_mem>>)
    %dma_start3A_16 = arith.constant 2 : i32
    %dma_start3A_17 = arith.constant 0 : i32
    %dma_start3A_18 = tpu.memref_slice %arg5[%dma_start3A_16, %dma_start3A_17] : memref<50x128xi32, #tpu.memory_space<vmem>> -> memref<1x128xi32, #tpu.memory_space<vmem>>
    %dma_start3A_19 = tpu.memref_squeeze %dma_start3A_18 : memref<1x128xi32, #tpu.memory_space<vmem>> -> memref<128xi32, #tpu.memory_space<vmem>>
    %dma_start3A_20 = arith.constant 0 : i32
    %dma_start3A_21 = arith.constant 0 : i32
    %dma_start3A_22 = tpu.memref_slice %arg3[%dma_start3A_20, %dma_start3A_21] : memref<100001x128xf32, #tpu.memory_space<hbm>> -> memref<100001x128xf32, #tpu.memory_space<hbm>>
    tpu.enqueue_indirect_dma source(%dma_start3A_22 : memref<100001x128xf32, #tpu.memory_space<hbm>>) target(%arg8 : memref<128x128xf32, #tpu.memory_space<vmem>>) offsets(%dma_start3A_19 : memref<128xi32, #tpu.memory_space<vmem>>) semaphore(%arg12 : memref<!tpu.dma_semaphore, #tpu.memory_space<semaphore_mem>>)
    %dma_wait3A = arith.constant 0 : i32
    %dma_wait3A_23 = arith.constant 0 : i32
    %dma_wait3A_24 = tpu.memref_slice %arg5[%dma_wait3A, %dma_wait3A_23] : memref<50x128xi32, #tpu.memory_space<vmem>> -> memref<1x128xi32, #tpu.memory_space<vmem>>
    %dma_wait3A_25 = tpu.memref_squeeze %dma_wait3A_24 : memref<1x128xi32, #tpu.memory_space<vmem>> -> memref<128xi32, #tpu.memory_space<vmem>>
    %dma_wait3A_26 = arith.constant 0 : i32
    %dma_wait3A_27 = arith.constant 0 : i32
    %dma_wait3A_28 = tpu.memref_slice %arg3[%dma_wait3A_26, %dma_wait3A_27] : memref<100001x128xf32, #tpu.memory_space<hbm>> -> memref<100001x128xf32, #tpu.memory_space<hbm>>
    tpu.wait_indirect_dma semaphore(%arg10 : memref<!tpu.dma_semaphore, #tpu.memory_space<semaphore_mem>>) src(%dma_wait3A_28 : memref<100001x128xf32, #tpu.memory_space<hbm>>) dst(%arg6 : memref<128x128xf32, #tpu.memory_space<vmem>>)
    %add3A_29 = arith.constant 0 : i32
    %add3A_30 = arith.addi %mul3A_2, %add3A_29 : i32
    %dma_start3A_31 = arith.constant 0 : i32
    %dma_start3A_32 = tpu.memref_slice %arg4[%add3A_30, %dma_start3A_31] : memref<204800x128xf32, #tpu.memory_space<hbm>> -> memref<128x128xf32, #tpu.memory_space<hbm>>
    %dma_start3A_33 = arith.constant 0 : i32
    %dma_start3A_34 = tpu.memref_slice %arg4[%add3A_30, %dma_start3A_33] : memref<204800x128xf32, #tpu.memory_space<hbm>> -> memref<128x128xf32, #tpu.memory_space<hbm>>
    tpu.enqueue_dma source(%arg6 : memref<128x128xf32, #tpu.memory_space<vmem>>) target(%dma_start3A_34 : memref<128x128xf32, #tpu.memory_space<hbm>>) target_semaphore(%arg14 : memref<!tpu.dma_semaphore, #tpu.memory_space<semaphore_mem>>)
    %dma_start3A_35 = arith.constant 3 : i32
    %dma_start3A_36 = arith.constant 0 : i32
    %dma_start3A_37 = tpu.memref_slice %arg5[%dma_start3A_35, %dma_start3A_36] : memref<50x128xi32, #tpu.memory_space<vmem>> -> memref<1x128xi32, #tpu.memory_space<vmem>>
    %dma_start3A_38 = tpu.memref_squeeze %dma_start3A_37 : memref<1x128xi32, #tpu.memory_space<vmem>> -> memref<128xi32, #tpu.memory_space<vmem>>
    %dma_start3A_39 = arith.constant 0 : i32
    %dma_start3A_40 = arith.constant 0 : i32
    %dma_start3A_41 = tpu.memref_slice %arg3[%dma_start3A_39, %dma_start3A_40] : memref<100001x128xf32, #tpu.memory_space<hbm>> -> memref<100001x128xf32, #tpu.memory_space<hbm>>
    tpu.enqueue_indirect_dma source(%dma_start3A_41 : memref<100001x128xf32, #tpu.memory_space<hbm>>) target(%arg9 : memref<128x128xf32, #tpu.memory_space<vmem>>) offsets(%dma_start3A_38 : memref<128xi32, #tpu.memory_space<vmem>>) semaphore(%arg13 : memref<!tpu.dma_semaphore, #tpu.memory_space<semaphore_mem>>)
    %dma_wait3A_42 = arith.constant 1 : i32
    %dma_wait3A_43 = arith.constant 0 : i32
    %dma_wait3A_44 = tpu.memref_slice %arg5[%dma_wait3A_42, %dma_wait3A_43] : memref<50x128xi32, #tpu.memory_space<vmem>> -> memref<1x128xi32, #tpu.memory_space<vmem>>
    %dma_wait3A_45 = tpu.memref_squeeze %dma_wait3A_44 : memref<1x128xi32, #tpu.memory_space<vmem>> -> memref<128xi32, #tpu.memory_space<vmem>>
    %dma_wait3A_46 = arith.constant 0 : i32
    %dma_wait3A_47 = arith.constant 0 : i32
    %dma_wait3A_48 = tpu.memref_slice %arg3[%dma_wait3A_46, %dma_wait3A_47] : memref<100001x128xf32, #tpu.memory_space<hbm>> -> memref<100001x128xf32, #tpu.memory_space<hbm>>
    tpu.wait_indirect_dma semaphore(%arg11 : memref<!tpu.dma_semaphore, #tpu.memory_space<semaphore_mem>>) src(%dma_wait3A_48 : memref<100001x128xf32, #tpu.memory_space<hbm>>) dst(%arg7 : memref<128x128xf32, #tpu.memory_space<vmem>>)
    %add3A_49 = arith.constant 128 : i32
    %add3A_50 = arith.addi %mul3A_2, %add3A_49 : i32
    %dma_start3A_51 = arith.constant 0 : i32
    %dma_start3A_52 = tpu.memref_slice %arg4[%add3A_50, %dma_start3A_51] : memref<204800x128xf32, #tpu.memory_space<hbm>> -> memref<128x128xf32, #tpu.memory_space<hbm>>
    %dma_start3A_53 = arith.constant 0 : i32
    %dma_start3A_54 = tpu.memref_slice %arg4[%add3A_50, %dma_start3A_53] : memref<204800x128xf32, #tpu.memory_space<hbm>> -> memref<128x128xf32, #tpu.memory_space<hbm>>
    tpu.enqueue_dma source(%arg7 : memref<128x128xf32, #tpu.memory_space<vmem>>) target(%dma_start3A_54 : memref<128x128xf32, #tpu.memory_space<hbm>>) target_semaphore(%arg15 : memref<!tpu.dma_semaphore, #tpu.memory_space<semaphore_mem>>)
    %scan3A = arith.constant 0 : i32
    %scan3A_55 = arith.constant 0 : i32
    %scan3A_56 = arith.constant 11 : i32
    %scan3A_57 = arith.addi %scan3A_55, %scan3A_56 : i32
    %scan3A_58 = arith.constant 1 : i32
    %scan3A_59 = scf.for %scan3A_163 = %scan3A_55 to %scan3A_57 step %scan3A_58 iter_args(%scan3A_164 = %scan3A) -> (i32)  : i32 {
      %mul3A_165 = arith.constant 4 : i32
      %mul3A_166 = arith.muli %scan3A_163, %mul3A_165 : i32
      %add3A_167 = arith.constant 2 : i32
      %add3A_168 = arith.addi %add3A_167, %mul3A_166 : i32
      %add3A_169 = arith.constant 0 : i32
      %add3A_170 = arith.addi %add3A_168, %add3A_169 : i32
      %add3A_171 = arith.constant 2 : i32
      %add3A_172 = arith.addi %add3A_170, %add3A_171 : i32
      %sub3A = arith.constant 4 : i32
      %sub3A_173 = arith.subi %add3A_172, %sub3A : i32
      %mul3A_174 = arith.constant 128 : i32
      %mul3A_175 = arith.muli %sub3A_173, %mul3A_174 : i32
      %add3A_176 = arith.addi %mul3A_2, %mul3A_175 : i32
      %dma_wait3A_177 = arith.constant 0 : i32
      %dma_wait3A_178 = tpu.memref_slice %arg4[%add3A_176, %dma_wait3A_177] : memref<204800x128xf32, #tpu.memory_space<hbm>> -> memref<128x128xf32, #tpu.memory_space<hbm>>
      %dma_wait3A_179 = arith.constant 0 : i32
      %dma_wait3A_180 = tpu.memref_slice %arg4[%add3A_176, %dma_wait3A_179] : memref<204800x128xf32, #tpu.memory_space<hbm>> -> memref<128x128xf32, #tpu.memory_space<hbm>>
      tpu.wait_dma2 semaphore(%arg14 : memref<!tpu.dma_semaphore, #tpu.memory_space<semaphore_mem>>) src(%arg6 : memref<128x128xf32, #tpu.memory_space<vmem>>) dst(%dma_wait3A_180 : memref<128x128xf32, #tpu.memory_space<hbm>>)
      %dma_start3A_181 = arith.constant 0 : i32
      %dma_start3A_182 = tpu.memref_slice %arg5[%add3A_172, %dma_start3A_181] : memref<50x128xi32, #tpu.memory_space<vmem>> -> memref<1x128xi32, #tpu.memory_space<vmem>>
      %dma_start3A_183 = tpu.memref_squeeze %dma_start3A_182 : memref<1x128xi32, #tpu.memory_space<vmem>> -> memref<128xi32, #tpu.memory_space<vmem>>
      %dma_start3A_184 = arith.constant 0 : i32
      %dma_start3A_185 = arith.constant 0 : i32
      %dma_start3A_186 = tpu.memref_slice %arg3[%dma_start3A_184, %dma_start3A_185] : memref<100001x128xf32, #tpu.memory_space<hbm>> -> memref<100001x128xf32, #tpu.memory_space<hbm>>
      tpu.enqueue_indirect_dma source(%dma_start3A_186 : memref<100001x128xf32, #tpu.memory_space<hbm>>) target(%arg6 : memref<128x128xf32, #tpu.memory_space<vmem>>) offsets(%dma_start3A_183 : memref<128xi32, #tpu.memory_space<vmem>>) semaphore(%arg10 : memref<!tpu.dma_semaphore, #tpu.memory_space<semaphore_mem>>)
      %dma_wait3A_187 = arith.constant 0 : i32
      %dma_wait3A_188 = tpu.memref_slice %arg5[%add3A_170, %dma_wait3A_187] : memref<50x128xi32, #tpu.memory_space<vmem>> -> memref<1x128xi32, #tpu.memory_space<vmem>>
      %dma_wait3A_189 = tpu.memref_squeeze %dma_wait3A_188 : memref<1x128xi32, #tpu.memory_space<vmem>> -> memref<128xi32, #tpu.memory_space<vmem>>
      %dma_wait3A_190 = arith.constant 0 : i32
      %dma_wait3A_191 = arith.constant 0 : i32
      %dma_wait3A_192 = tpu.memref_slice %arg3[%dma_wait3A_190, %dma_wait3A_191] : memref<100001x128xf32, #tpu.memory_space<hbm>> -> memref<100001x128xf32, #tpu.memory_space<hbm>>
      tpu.wait_indirect_dma semaphore(%arg12 : memref<!tpu.dma_semaphore, #tpu.memory_space<semaphore_mem>>) src(%dma_wait3A_192 : memref<100001x128xf32, #tpu.memory_space<hbm>>) dst(%arg8 : memref<128x128xf32, #tpu.memory_space<vmem>>)
      %mul3A_193 = arith.constant 128 : i32
      %mul3A_194 = arith.muli %add3A_170, %mul3A_193 : i32
      %add3A_195 = arith.addi %mul3A_2, %mul3A_194 : i32
      %dma_start3A_196 = arith.constant 0 : i32
      %dma_start3A_197 = tpu.memref_slice %arg4[%add3A_195, %dma_start3A_196] : memref<204800x128xf32, #tpu.memory_space<hbm>> -> memref<128x128xf32, #tpu.memory_space<hbm>>
      %dma_start3A_198 = arith.constant 0 : i32
      %dma_start3A_199 = tpu.memref_slice %arg4[%add3A_195, %dma_start3A_198] : memref<204800x128xf32, #tpu.memory_space<hbm>> -> memref<128x128xf32, #tpu.memory_space<hbm>>
      tpu.enqueue_dma source(%arg8 : memref<128x128xf32, #tpu.memory_space<vmem>>) target(%dma_start3A_199 : memref<128x128xf32, #tpu.memory_space<hbm>>) target_semaphore(%arg16 : memref<!tpu.dma_semaphore, #tpu.memory_space<semaphore_mem>>)
      %mul3A_200 = arith.constant 4 : i32
      %mul3A_201 = arith.muli %scan3A_163, %mul3A_200 : i32
      %add3A_202 = arith.constant 2 : i32
      %add3A_203 = arith.addi %add3A_202, %mul3A_201 : i32
      %add3A_204 = arith.constant 1 : i32
      %add3A_205 = arith.addi %add3A_203, %add3A_204 : i32
      %add3A_206 = arith.constant 2 : i32
      %add3A_207 = arith.addi %add3A_205, %add3A_206 : i32
      %sub3A_208 = arith.constant 4 : i32
      %sub3A_209 = arith.subi %add3A_207, %sub3A_208 : i32
      %mul3A_210 = arith.constant 128 : i32
      %mul3A_211 = arith.muli %sub3A_209, %mul3A_210 : i32
      %add3A_212 = arith.addi %mul3A_2, %mul3A_211 : i32
      %dma_wait3A_213 = arith.constant 0 : i32
      %dma_wait3A_214 = tpu.memref_slice %arg4[%add3A_212, %dma_wait3A_213] : memref<204800x128xf32, #tpu.memory_space<hbm>> -> memref<128x128xf32, #tpu.memory_space<hbm>>
      %dma_wait3A_215 = arith.constant 0 : i32
      %dma_wait3A_216 = tpu.memref_slice %arg4[%add3A_212, %dma_wait3A_215] : memref<204800x128xf32, #tpu.memory_space<hbm>> -> memref<128x128xf32, #tpu.memory_space<hbm>>
      tpu.wait_dma2 semaphore(%arg15 : memref<!tpu.dma_semaphore, #tpu.memory_space<semaphore_mem>>) src(%arg7 : memref<128x128xf32, #tpu.memory_space<vmem>>) dst(%dma_wait3A_216 : memref<128x128xf32, #tpu.memory_space<hbm>>)
      %dma_start3A_217 = arith.constant 0 : i32
      %dma_start3A_218 = tpu.memref_slice %arg5[%add3A_207, %dma_start3A_217] : memref<50x128xi32, #tpu.memory_space<vmem>> -> memref<1x128xi32, #tpu.memory_space<vmem>>
      %dma_start3A_219 = tpu.memref_squeeze %dma_start3A_218 : memref<1x128xi32, #tpu.memory_space<vmem>> -> memref<128xi32, #tpu.memory_space<vmem>>
      %dma_start3A_220 = arith.constant 0 : i32
      %dma_start3A_221 = arith.constant 0 : i32
      %dma_start3A_222 = tpu.memref_slice %arg3[%dma_start3A_220, %dma_start3A_221] : memref<100001x128xf32, #tpu.memory_space<hbm>> -> memref<100001x128xf32, #tpu.memory_space<hbm>>
      tpu.enqueue_indirect_dma source(%dma_start3A_222 : memref<100001x128xf32, #tpu.memory_space<hbm>>) target(%arg7 : memref<128x128xf32, #tpu.memory_space<vmem>>) offsets(%dma_start3A_219 : memref<128xi32, #tpu.memory_space<vmem>>) semaphore(%arg11 : memref<!tpu.dma_semaphore, #tpu.memory_space<semaphore_mem>>)
      %dma_wait3A_223 = arith.constant 0 : i32
      %dma_wait3A_224 = tpu.memref_slice %arg5[%add3A_205, %dma_wait3A_223] : memref<50x128xi32, #tpu.memory_space<vmem>> -> memref<1x128xi32, #tpu.memory_space<vmem>>
      %dma_wait3A_225 = tpu.memref_squeeze %dma_wait3A_224 : memref<1x128xi32, #tpu.memory_space<vmem>> -> memref<128xi32, #tpu.memory_space<vmem>>
      %dma_wait3A_226 = arith.constant 0 : i32
      %dma_wait3A_227 = arith.constant 0 : i32
      %dma_wait3A_228 = tpu.memref_slice %arg3[%dma_wait3A_226, %dma_wait3A_227] : memref<100001x128xf32, #tpu.memory_space<hbm>> -> memref<100001x128xf32, #tpu.memory_space<hbm>>
      tpu.wait_indirect_dma semaphore(%arg13 : memref<!tpu.dma_semaphore, #tpu.memory_space<semaphore_mem>>) src(%dma_wait3A_228 : memref<100001x128xf32, #tpu.memory_space<hbm>>) dst(%arg9 : memref<128x128xf32, #tpu.memory_space<vmem>>)
      %mul3A_229 = arith.constant 128 : i32
      %mul3A_230 = arith.muli %add3A_205, %mul3A_229 : i32
      %add3A_231 = arith.addi %mul3A_2, %mul3A_230 : i32
      %dma_start3A_232 = arith.constant 0 : i32
      %dma_start3A_233 = tpu.memref_slice %arg4[%add3A_231, %dma_start3A_232] : memref<204800x128xf32, #tpu.memory_space<hbm>> -> memref<128x128xf32, #tpu.memory_space<hbm>>
      %dma_start3A_234 = arith.constant 0 : i32
      %dma_start3A_235 = tpu.memref_slice %arg4[%add3A_231, %dma_start3A_234] : memref<204800x128xf32, #tpu.memory_space<hbm>> -> memref<128x128xf32, #tpu.memory_space<hbm>>
      tpu.enqueue_dma source(%arg9 : memref<128x128xf32, #tpu.memory_space<vmem>>) target(%dma_start3A_235 : memref<128x128xf32, #tpu.memory_space<hbm>>) target_semaphore(%arg17 : memref<!tpu.dma_semaphore, #tpu.memory_space<semaphore_mem>>)
      %mul3A_236 = arith.constant 4 : i32
      %mul3A_237 = arith.muli %scan3A_163, %mul3A_236 : i32
      %add3A_238 = arith.constant 2 : i32
      %add3A_239 = arith.addi %add3A_238, %mul3A_237 : i32
      %add3A_240 = arith.constant 2 : i32
      %add3A_241 = arith.addi %add3A_239, %add3A_240 : i32
      %add3A_242 = arith.constant 2 : i32
      %add3A_243 = arith.addi %add3A_241, %add3A_242 : i32
      %sub3A_244 = arith.constant 4 : i32
      %sub3A_245 = arith.subi %add3A_243, %sub3A_244 : i32
      %mul3A_246 = arith.constant 128 : i32
      %mul3A_247 = arith.muli %sub3A_245, %mul3A_246 : i32
      %add3A_248 = arith.addi %mul3A_2, %mul3A_247 : i32
      %dma_wait3A_249 = arith.constant 0 : i32
      %dma_wait3A_250 = tpu.memref_slice %arg4[%add3A_248, %dma_wait3A_249] : memref<204800x128xf32, #tpu.memory_space<hbm>> -> memref<128x128xf32, #tpu.memory_space<hbm>>
      %dma_wait3A_251 = arith.constant 0 : i32
      %dma_wait3A_252 = tpu.memref_slice %arg4[%add3A_248, %dma_wait3A_251] : memref<204800x128xf32, #tpu.memory_space<hbm>> -> memref<128x128xf32, #tpu.memory_space<hbm>>
      tpu.wait_dma2 semaphore(%arg16 : memref<!tpu.dma_semaphore, #tpu.memory_space<semaphore_mem>>) src(%arg8 : memref<128x128xf32, #tpu.memory_space<vmem>>) dst(%dma_wait3A_252 : memref<128x128xf32, #tpu.memory_space<hbm>>)
      %dma_start3A_253 = arith.constant 0 : i32
      %dma_start3A_254 = tpu.memref_slice %arg5[%add3A_243, %dma_start3A_253] : memref<50x128xi32, #tpu.memory_space<vmem>> -> memref<1x128xi32, #tpu.memory_space<vmem>>
      %dma_start3A_255 = tpu.memref_squeeze %dma_start3A_254 : memref<1x128xi32, #tpu.memory_space<vmem>> -> memref<128xi32, #tpu.memory_space<vmem>>
      %dma_start3A_256 = arith.constant 0 : i32
      %dma_start3A_257 = arith.constant 0 : i32
      %dma_start3A_258 = tpu.memref_slice %arg3[%dma_start3A_256, %dma_start3A_257] : memref<100001x128xf32, #tpu.memory_space<hbm>> -> memref<100001x128xf32, #tpu.memory_space<hbm>>
      tpu.enqueue_indirect_dma source(%dma_start3A_258 : memref<100001x128xf32, #tpu.memory_space<hbm>>) target(%arg8 : memref<128x128xf32, #tpu.memory_space<vmem>>) offsets(%dma_start3A_255 : memref<128xi32, #tpu.memory_space<vmem>>) semaphore(%arg12 : memref<!tpu.dma_semaphore, #tpu.memory_space<semaphore_mem>>)
      %dma_wait3A_259 = arith.constant 0 : i32
      %dma_wait3A_260 = tpu.memref_slice %arg5[%add3A_241, %dma_wait3A_259] : memref<50x128xi32, #tpu.memory_space<vmem>> -> memref<1x128xi32, #tpu.memory_space<vmem>>
      %dma_wait3A_261 = tpu.memref_squeeze %dma_wait3A_260 : memref<1x128xi32, #tpu.memory_space<vmem>> -> memref<128xi32, #tpu.memory_space<vmem>>
      %dma_wait3A_262 = arith.constant 0 : i32
      %dma_wait3A_263 = arith.constant 0 : i32
      %dma_wait3A_264 = tpu.memref_slice %arg3[%dma_wait3A_262, %dma_wait3A_263] : memref<100001x128xf32, #tpu.memory_space<hbm>> -> memref<100001x128xf32, #tpu.memory_space<hbm>>
      tpu.wait_indirect_dma semaphore(%arg10 : memref<!tpu.dma_semaphore, #tpu.memory_space<semaphore_mem>>) src(%dma_wait3A_264 : memref<100001x128xf32, #tpu.memory_space<hbm>>) dst(%arg6 : memref<128x128xf32, #tpu.memory_space<vmem>>)
      %mul3A_265 = arith.constant 128 : i32
      %mul3A_266 = arith.muli %add3A_241, %mul3A_265 : i32
      %add3A_267 = arith.addi %mul3A_2, %mul3A_266 : i32
      %dma_start3A_268 = arith.constant 0 : i32
      %dma_start3A_269 = tpu.memref_slice %arg4[%add3A_267, %dma_start3A_268] : memref<204800x128xf32, #tpu.memory_space<hbm>> -> memref<128x128xf32, #tpu.memory_space<hbm>>
      %dma_start3A_270 = arith.constant 0 : i32
      %dma_start3A_271 = tpu.memref_slice %arg4[%add3A_267, %dma_start3A_270] : memref<204800x128xf32, #tpu.memory_space<hbm>> -> memref<128x128xf32, #tpu.memory_space<hbm>>
      tpu.enqueue_dma source(%arg6 : memref<128x128xf32, #tpu.memory_space<vmem>>) target(%dma_start3A_271 : memref<128x128xf32, #tpu.memory_space<hbm>>) target_semaphore(%arg14 : memref<!tpu.dma_semaphore, #tpu.memory_space<semaphore_mem>>)
      %mul3A_272 = arith.constant 4 : i32
      %mul3A_273 = arith.muli %scan3A_163, %mul3A_272 : i32
      %add3A_274 = arith.constant 2 : i32
      %add3A_275 = arith.addi %add3A_274, %mul3A_273 : i32
      %add3A_276 = arith.constant 3 : i32
      %add3A_277 = arith.addi %add3A_275, %add3A_276 : i32
      %add3A_278 = arith.constant 2 : i32
      %add3A_279 = arith.addi %add3A_277, %add3A_278 : i32
      %sub3A_280 = arith.constant 4 : i32
      %sub3A_281 = arith.subi %add3A_279, %sub3A_280 : i32
      %mul3A_282 = arith.constant 128 : i32
      %mul3A_283 = arith.muli %sub3A_281, %mul3A_282 : i32
      %add3A_284 = arith.addi %mul3A_2, %mul3A_283 : i32
      %dma_wait3A_285 = arith.constant 0 : i32
      %dma_wait3A_286 = tpu.memref_slice %arg4[%add3A_284, %dma_wait3A_285] : memref<204800x128xf32, #tpu.memory_space<hbm>> -> memref<128x128xf32, #tpu.memory_space<hbm>>
      %dma_wait3A_287 = arith.constant 0 : i32
      %dma_wait3A_288 = tpu.memref_slice %arg4[%add3A_284, %dma_wait3A_287] : memref<204800x128xf32, #tpu.memory_space<hbm>> -> memref<128x128xf32, #tpu.memory_space<hbm>>
      tpu.wait_dma2 semaphore(%arg17 : memref<!tpu.dma_semaphore, #tpu.memory_space<semaphore_mem>>) src(%arg9 : memref<128x128xf32, #tpu.memory_space<vmem>>) dst(%dma_wait3A_288 : memref<128x128xf32, #tpu.memory_space<hbm>>)
      %dma_start3A_289 = arith.constant 0 : i32
      %dma_start3A_290 = tpu.memref_slice %arg5[%add3A_279, %dma_start3A_289] : memref<50x128xi32, #tpu.memory_space<vmem>> -> memref<1x128xi32, #tpu.memory_space<vmem>>
      %dma_start3A_291 = tpu.memref_squeeze %dma_start3A_290 : memref<1x128xi32, #tpu.memory_space<vmem>> -> memref<128xi32, #tpu.memory_space<vmem>>
      %dma_start3A_292 = arith.constant 0 : i32
      %dma_start3A_293 = arith.constant 0 : i32
      %dma_start3A_294 = tpu.memref_slice %arg3[%dma_start3A_292, %dma_start3A_293] : memref<100001x128xf32, #tpu.memory_space<hbm>> -> memref<100001x128xf32, #tpu.memory_space<hbm>>
      tpu.enqueue_indirect_dma source(%dma_start3A_294 : memref<100001x128xf32, #tpu.memory_space<hbm>>) target(%arg9 : memref<128x128xf32, #tpu.memory_space<vmem>>) offsets(%dma_start3A_291 : memref<128xi32, #tpu.memory_space<vmem>>) semaphore(%arg13 : memref<!tpu.dma_semaphore, #tpu.memory_space<semaphore_mem>>)
      %dma_wait3A_295 = arith.constant 0 : i32
      %dma_wait3A_296 = tpu.memref_slice %arg5[%add3A_277, %dma_wait3A_295] : memref<50x128xi32, #tpu.memory_space<vmem>> -> memref<1x128xi32, #tpu.memory_space<vmem>>
      %dma_wait3A_297 = tpu.memref_squeeze %dma_wait3A_296 : memref<1x128xi32, #tpu.memory_space<vmem>> -> memref<128xi32, #tpu.memory_space<vmem>>
      %dma_wait3A_298 = arith.constant 0 : i32
      %dma_wait3A_299 = arith.constant 0 : i32
      %dma_wait3A_300 = tpu.memref_slice %arg3[%dma_wait3A_298, %dma_wait3A_299] : memref<100001x128xf32, #tpu.memory_space<hbm>> -> memref<100001x128xf32, #tpu.memory_space<hbm>>
      tpu.wait_indirect_dma semaphore(%arg11 : memref<!tpu.dma_semaphore, #tpu.memory_space<semaphore_mem>>) src(%dma_wait3A_300 : memref<100001x128xf32, #tpu.memory_space<hbm>>) dst(%arg7 : memref<128x128xf32, #tpu.memory_space<vmem>>)
      %mul3A_301 = arith.constant 128 : i32
      %mul3A_302 = arith.muli %add3A_277, %mul3A_301 : i32
      %add3A_303 = arith.addi %mul3A_2, %mul3A_302 : i32
      %dma_start3A_304 = arith.constant 0 : i32
      %dma_start3A_305 = tpu.memref_slice %arg4[%add3A_303, %dma_start3A_304] : memref<204800x128xf32, #tpu.memory_space<hbm>> -> memref<128x128xf32, #tpu.memory_space<hbm>>
      %dma_start3A_306 = arith.constant 0 : i32
      %dma_start3A_307 = tpu.memref_slice %arg4[%add3A_303, %dma_start3A_306] : memref<204800x128xf32, #tpu.memory_space<hbm>> -> memref<128x128xf32, #tpu.memory_space<hbm>>
      tpu.enqueue_dma source(%arg7 : memref<128x128xf32, #tpu.memory_space<vmem>>) target(%dma_start3A_307 : memref<128x128xf32, #tpu.memory_space<hbm>>) target_semaphore(%arg15 : memref<!tpu.dma_semaphore, #tpu.memory_space<semaphore_mem>>)
      %scan3A_308 = arith.constant 0 : i32
      scf.yield %scan3A_308 : i32
    }
    %scan3A_60 = arith.constant 11 : i32
    %add3A_61 = arith.constant 5632 : i32
    %add3A_62 = arith.addi %mul3A_2, %add3A_61 : i32
    %dma_wait3A_63 = arith.constant 0 : i32
    %dma_wait3A_64 = tpu.memref_slice %arg4[%add3A_62, %dma_wait3A_63] : memref<204800x128xf32, #tpu.memory_space<hbm>> -> memref<128x128xf32, #tpu.memory_space<hbm>>
    %dma_wait3A_65 = arith.constant 0 : i32
    %dma_wait3A_66 = tpu.memref_slice %arg4[%add3A_62, %dma_wait3A_65] : memref<204800x128xf32, #tpu.memory_space<hbm>> -> memref<128x128xf32, #tpu.memory_space<hbm>>
    tpu.wait_dma2 semaphore(%arg14 : memref<!tpu.dma_semaphore, #tpu.memory_space<semaphore_mem>>) src(%arg6 : memref<128x128xf32, #tpu.memory_space<vmem>>) dst(%dma_wait3A_66 : memref<128x128xf32, #tpu.memory_space<hbm>>)
    %dma_start3A_67 = arith.constant 48 : i32
    %dma_start3A_68 = arith.constant 0 : i32
    %dma_start3A_69 = tpu.memref_slice %arg5[%dma_start3A_67, %dma_start3A_68] : memref<50x128xi32, #tpu.memory_space<vmem>> -> memref<1x128xi32, #tpu.memory_space<vmem>>
    %dma_start3A_70 = tpu.memref_squeeze %dma_start3A_69 : memref<1x128xi32, #tpu.memory_space<vmem>> -> memref<128xi32, #tpu.memory_space<vmem>>
    %dma_start3A_71 = arith.constant 0 : i32
    %dma_start3A_72 = arith.constant 0 : i32
    %dma_start3A_73 = tpu.memref_slice %arg3[%dma_start3A_71, %dma_start3A_72] : memref<100001x128xf32, #tpu.memory_space<hbm>> -> memref<100001x128xf32, #tpu.memory_space<hbm>>
    tpu.enqueue_indirect_dma source(%dma_start3A_73 : memref<100001x128xf32, #tpu.memory_space<hbm>>) target(%arg6 : memref<128x128xf32, #tpu.memory_space<vmem>>) offsets(%dma_start3A_70 : memref<128xi32, #tpu.memory_space<vmem>>) semaphore(%arg10 : memref<!tpu.dma_semaphore, #tpu.memory_space<semaphore_mem>>)
    %dma_wait3A_74 = arith.constant 46 : i32
    %dma_wait3A_75 = arith.constant 0 : i32
    %dma_wait3A_76 = tpu.memref_slice %arg5[%dma_wait3A_74, %dma_wait3A_75] : memref<50x128xi32, #tpu.memory_space<vmem>> -> memref<1x128xi32, #tpu.memory_space<vmem>>
    %dma_wait3A_77 = tpu.memref_squeeze %dma_wait3A_76 : memref<1x128xi32, #tpu.memory_space<vmem>> -> memref<128xi32, #tpu.memory_space<vmem>>
    %dma_wait3A_78 = arith.constant 0 : i32
    %dma_wait3A_79 = arith.constant 0 : i32
    %dma_wait3A_80 = tpu.memref_slice %arg3[%dma_wait3A_78, %dma_wait3A_79] : memref<100001x128xf32, #tpu.memory_space<hbm>> -> memref<100001x128xf32, #tpu.memory_space<hbm>>
    tpu.wait_indirect_dma semaphore(%arg12 : memref<!tpu.dma_semaphore, #tpu.memory_space<semaphore_mem>>) src(%dma_wait3A_80 : memref<100001x128xf32, #tpu.memory_space<hbm>>) dst(%arg8 : memref<128x128xf32, #tpu.memory_space<vmem>>)
    %add3A_81 = arith.constant 5888 : i32
    %add3A_82 = arith.addi %mul3A_2, %add3A_81 : i32
    %dma_start3A_83 = arith.constant 0 : i32
    %dma_start3A_84 = tpu.memref_slice %arg4[%add3A_82, %dma_start3A_83] : memref<204800x128xf32, #tpu.memory_space<hbm>> -> memref<128x128xf32, #tpu.memory_space<hbm>>
    %dma_start3A_85 = arith.constant 0 : i32
    %dma_start3A_86 = tpu.memref_slice %arg4[%add3A_82, %dma_start3A_85] : memref<204800x128xf32, #tpu.memory_space<hbm>> -> memref<128x128xf32, #tpu.memory_space<hbm>>
    tpu.enqueue_dma source(%arg8 : memref<128x128xf32, #tpu.memory_space<vmem>>) target(%dma_start3A_86 : memref<128x128xf32, #tpu.memory_space<hbm>>) target_semaphore(%arg16 : memref<!tpu.dma_semaphore, #tpu.memory_space<semaphore_mem>>)
    %add3A_87 = arith.constant 5760 : i32
    %add3A_88 = arith.addi %mul3A_2, %add3A_87 : i32
    %dma_wait3A_89 = arith.constant 0 : i32
    %dma_wait3A_90 = tpu.memref_slice %arg4[%add3A_88, %dma_wait3A_89] : memref<204800x128xf32, #tpu.memory_space<hbm>> -> memref<128x128xf32, #tpu.memory_space<hbm>>
    %dma_wait3A_91 = arith.constant 0 : i32
    %dma_wait3A_92 = tpu.memref_slice %arg4[%add3A_88, %dma_wait3A_91] : memref<204800x128xf32, #tpu.memory_space<hbm>> -> memref<128x128xf32, #tpu.memory_space<hbm>>
    tpu.wait_dma2 semaphore(%arg15 : memref<!tpu.dma_semaphore, #tpu.memory_space<semaphore_mem>>) src(%arg7 : memref<128x128xf32, #tpu.memory_space<vmem>>) dst(%dma_wait3A_92 : memref<128x128xf32, #tpu.memory_space<hbm>>)
    %dma_start3A_93 = arith.constant 49 : i32
    %dma_start3A_94 = arith.constant 0 : i32
    %dma_start3A_95 = tpu.memref_slice %arg5[%dma_start3A_93, %dma_start3A_94] : memref<50x128xi32, #tpu.memory_space<vmem>> -> memref<1x128xi32, #tpu.memory_space<vmem>>
    %dma_start3A_96 = tpu.memref_squeeze %dma_start3A_95 : memref<1x128xi32, #tpu.memory_space<vmem>> -> memref<128xi32, #tpu.memory_space<vmem>>
    %dma_start3A_97 = arith.constant 0 : i32
    %dma_start3A_98 = arith.constant 0 : i32
    %dma_start3A_99 = tpu.memref_slice %arg3[%dma_start3A_97, %dma_start3A_98] : memref<100001x128xf32, #tpu.memory_space<hbm>> -> memref<100001x128xf32, #tpu.memory_space<hbm>>
    tpu.enqueue_indirect_dma source(%dma_start3A_99 : memref<100001x128xf32, #tpu.memory_space<hbm>>) target(%arg7 : memref<128x128xf32, #tpu.memory_space<vmem>>) offsets(%dma_start3A_96 : memref<128xi32, #tpu.memory_space<vmem>>) semaphore(%arg11 : memref<!tpu.dma_semaphore, #tpu.memory_space<semaphore_mem>>)
    %dma_wait3A_100 = arith.constant 47 : i32
    %dma_wait3A_101 = arith.constant 0 : i32
    %dma_wait3A_102 = tpu.memref_slice %arg5[%dma_wait3A_100, %dma_wait3A_101] : memref<50x128xi32, #tpu.memory_space<vmem>> -> memref<1x128xi32, #tpu.memory_space<vmem>>
    %dma_wait3A_103 = tpu.memref_squeeze %dma_wait3A_102 : memref<1x128xi32, #tpu.memory_space<vmem>> -> memref<128xi32, #tpu.memory_space<vmem>>
    %dma_wait3A_104 = arith.constant 0 : i32
    %dma_wait3A_105 = arith.constant 0 : i32
    %dma_wait3A_106 = tpu.memref_slice %arg3[%dma_wait3A_104, %dma_wait3A_105] : memref<100001x128xf32, #tpu.memory_space<hbm>> -> memref<100001x128xf32, #tpu.memory_space<hbm>>
    tpu.wait_indirect_dma semaphore(%arg13 : memref<!tpu.dma_semaphore, #tpu.memory_space<semaphore_mem>>) src(%dma_wait3A_106 : memref<100001x128xf32, #tpu.memory_space<hbm>>) dst(%arg9 : memref<128x128xf32, #tpu.memory_space<vmem>>)
    %add3A_107 = arith.constant 6016 : i32
    %add3A_108 = arith.addi %mul3A_2, %add3A_107 : i32
    %dma_start3A_109 = arith.constant 0 : i32
    %dma_start3A_110 = tpu.memref_slice %arg4[%add3A_108, %dma_start3A_109] : memref<204800x128xf32, #tpu.memory_space<hbm>> -> memref<128x128xf32, #tpu.memory_space<hbm>>
    %dma_start3A_111 = arith.constant 0 : i32
    %dma_start3A_112 = tpu.memref_slice %arg4[%add3A_108, %dma_start3A_111] : memref<204800x128xf32, #tpu.memory_space<hbm>> -> memref<128x128xf32, #tpu.memory_space<hbm>>
    tpu.enqueue_dma source(%arg9 : memref<128x128xf32, #tpu.memory_space<vmem>>) target(%dma_start3A_112 : memref<128x128xf32, #tpu.memory_space<hbm>>) target_semaphore(%arg17 : memref<!tpu.dma_semaphore, #tpu.memory_space<semaphore_mem>>)
    %dma_wait3A_113 = arith.constant 48 : i32
    %dma_wait3A_114 = arith.constant 0 : i32
    %dma_wait3A_115 = tpu.memref_slice %arg5[%dma_wait3A_113, %dma_wait3A_114] : memref<50x128xi32, #tpu.memory_space<vmem>> -> memref<1x128xi32, #tpu.memory_space<vmem>>
    %dma_wait3A_116 = tpu.memref_squeeze %dma_wait3A_115 : memref<1x128xi32, #tpu.memory_space<vmem>> -> memref<128xi32, #tpu.memory_space<vmem>>
    %dma_wait3A_117 = arith.constant 0 : i32
    %dma_wait3A_118 = arith.constant 0 : i32
    %dma_wait3A_119 = tpu.memref_slice %arg3[%dma_wait3A_117, %dma_wait3A_118] : memref<100001x128xf32, #tpu.memory_space<hbm>> -> memref<100001x128xf32, #tpu.memory_space<hbm>>
    tpu.wait_indirect_dma semaphore(%arg10 : memref<!tpu.dma_semaphore, #tpu.memory_space<semaphore_mem>>) src(%dma_wait3A_119 : memref<100001x128xf32, #tpu.memory_space<hbm>>) dst(%arg6 : memref<128x128xf32, #tpu.memory_space<vmem>>)
    %add3A_120 = arith.constant 6144 : i32
    %add3A_121 = arith.addi %mul3A_2, %add3A_120 : i32
    %dma_start3A_122 = arith.constant 0 : i32
    %dma_start3A_123 = tpu.memref_slice %arg4[%add3A_121, %dma_start3A_122] : memref<204800x128xf32, #tpu.memory_space<hbm>> -> memref<128x128xf32, #tpu.memory_space<hbm>>
    %dma_start3A_124 = arith.constant 0 : i32
    %dma_start3A_125 = tpu.memref_slice %arg4[%add3A_121, %dma_start3A_124] : memref<204800x128xf32, #tpu.memory_space<hbm>> -> memref<128x128xf32, #tpu.memory_space<hbm>>
    tpu.enqueue_dma source(%arg6 : memref<128x128xf32, #tpu.memory_space<vmem>>) target(%dma_start3A_125 : memref<128x128xf32, #tpu.memory_space<hbm>>) target_semaphore(%arg14 : memref<!tpu.dma_semaphore, #tpu.memory_space<semaphore_mem>>)
    %dma_wait3A_126 = arith.constant 49 : i32
    %dma_wait3A_127 = arith.constant 0 : i32
    %dma_wait3A_128 = tpu.memref_slice %arg5[%dma_wait3A_126, %dma_wait3A_127] : memref<50x128xi32, #tpu.memory_space<vmem>> -> memref<1x128xi32, #tpu.memory_space<vmem>>
    %dma_wait3A_129 = tpu.memref_squeeze %dma_wait3A_128 : memref<1x128xi32, #tpu.memory_space<vmem>> -> memref<128xi32, #tpu.memory_space<vmem>>
    %dma_wait3A_130 = arith.constant 0 : i32
    %dma_wait3A_131 = arith.constant 0 : i32
    %dma_wait3A_132 = tpu.memref_slice %arg3[%dma_wait3A_130, %dma_wait3A_131] : memref<100001x128xf32, #tpu.memory_space<hbm>> -> memref<100001x128xf32, #tpu.memory_space<hbm>>
    tpu.wait_indirect_dma semaphore(%arg11 : memref<!tpu.dma_semaphore, #tpu.memory_space<semaphore_mem>>) src(%dma_wait3A_132 : memref<100001x128xf32, #tpu.memory_space<hbm>>) dst(%arg7 : memref<128x128xf32, #tpu.memory_space<vmem>>)
    %add3A_133 = arith.constant 6272 : i32
    %add3A_134 = arith.addi %mul3A_2, %add3A_133 : i32
    %dma_start3A_135 = arith.constant 0 : i32
    %dma_start3A_136 = tpu.memref_slice %arg4[%add3A_134, %dma_start3A_135] : memref<204800x128xf32, #tpu.memory_space<hbm>> -> memref<128x128xf32, #tpu.memory_space<hbm>>
    %dma_start3A_137 = arith.constant 0 : i32
    %dma_start3A_138 = tpu.memref_slice %arg4[%add3A_134, %dma_start3A_137] : memref<204800x128xf32, #tpu.memory_space<hbm>> -> memref<128x128xf32, #tpu.memory_space<hbm>>
    tpu.enqueue_dma source(%arg7 : memref<128x128xf32, #tpu.memory_space<vmem>>) target(%dma_start3A_138 : memref<128x128xf32, #tpu.memory_space<hbm>>) target_semaphore(%arg15 : memref<!tpu.dma_semaphore, #tpu.memory_space<semaphore_mem>>)
    %add3A_139 = arith.constant 5888 : i32
    %add3A_140 = arith.addi %mul3A_2, %add3A_139 : i32
    %dma_wait3A_141 = arith.constant 0 : i32
    %dma_wait3A_142 = tpu.memref_slice %arg4[%add3A_140, %dma_wait3A_141] : memref<204800x128xf32, #tpu.memory_space<hbm>> -> memref<128x128xf32, #tpu.memory_space<hbm>>
    %dma_wait3A_143 = arith.constant 0 : i32
    %dma_wait3A_144 = tpu.memref_slice %arg4[%add3A_140, %dma_wait3A_143] : memref<204800x128xf32, #tpu.memory_space<hbm>> -> memref<128x128xf32, #tpu.memory_space<hbm>>
    tpu.wait_dma2 semaphore(%arg16 : memref<!tpu.dma_semaphore, #tpu.memory_space<semaphore_mem>>) src(%arg8 : memref<128x128xf32, #tpu.memory_space<vmem>>) dst(%dma_wait3A_144 : memref<128x128xf32, #tpu.memory_space<hbm>>)
    %add3A_145 = arith.constant 6016 : i32
    %add3A_146 = arith.addi %mul3A_2, %add3A_145 : i32
    %dma_wait3A_147 = arith.constant 0 : i32
    %dma_wait3A_148 = tpu.memref_slice %arg4[%add3A_146, %dma_wait3A_147] : memref<204800x128xf32, #tpu.memory_space<hbm>> -> memref<128x128xf32, #tpu.memory_space<hbm>>
    %dma_wait3A_149 = arith.constant 0 : i32
    %dma_wait3A_150 = tpu.memref_slice %arg4[%add3A_146, %dma_wait3A_149] : memref<204800x128xf32, #tpu.memory_space<hbm>> -> memref<128x128xf32, #tpu.memory_space<hbm>>
    tpu.wait_dma2 semaphore(%arg17 : memref<!tpu.dma_semaphore, #tpu.memory_space<semaphore_mem>>) src(%arg9 : memref<128x128xf32, #tpu.memory_space<vmem>>) dst(%dma_wait3A_150 : memref<128x128xf32, #tpu.memory_space<hbm>>)
    %add3A_151 = arith.constant 6144 : i32
    %add3A_152 = arith.addi %mul3A_2, %add3A_151 : i32
    %dma_wait3A_153 = arith.constant 0 : i32
    %dma_wait3A_154 = tpu.memref_slice %arg4[%add3A_152, %dma_wait3A_153] : memref<204800x128xf32, #tpu.memory_space<hbm>> -> memref<128x128xf32, #tpu.memory_space<hbm>>
    %dma_wait3A_155 = arith.constant 0 : i32
    %dma_wait3A_156 = tpu.memref_slice %arg4[%add3A_152, %dma_wait3A_155] : memref<204800x128xf32, #tpu.memory_space<hbm>> -> memref<128x128xf32, #tpu.memory_space<hbm>>
    tpu.wait_dma2 semaphore(%arg14 : memref<!tpu.dma_semaphore, #tpu.memory_space<semaphore_mem>>) src(%arg6 : memref<128x128xf32, #tpu.memory_space<vmem>>) dst(%dma_wait3A_156 : memref<128x128xf32, #tpu.memory_space<hbm>>)
    %add3A_157 = arith.constant 6272 : i32
    %add3A_158 = arith.addi %mul3A_2, %add3A_157 : i32
    %dma_wait3A_159 = arith.constant 0 : i32
    %dma_wait3A_160 = tpu.memref_slice %arg4[%add3A_158, %dma_wait3A_159] : memref<204800x128xf32, #tpu.memory_space<hbm>> -> memref<128x128xf32, #tpu.memory_space<hbm>>
    %dma_wait3A_161 = arith.constant 0 : i32
    %dma_wait3A_162 = tpu.memref_slice %arg4[%add3A_158, %dma_wait3A_161] : memref<204800x128xf32, #tpu.memory_space<hbm>> -> memref<128x128xf32, #tpu.memory_space<hbm>>
    tpu.wait_dma2 semaphore(%arg15 : memref<!tpu.dma_semaphore, #tpu.memory_space<semaphore_mem>>) src(%arg7 : memref<128x128xf32, #tpu.memory_space<vmem>>) dst(%dma_wait3A_162 : memref<128x128xf32, #tpu.memory_space<hbm>>)
    return
  }
}

module attributes {stable_mosaic.version = 14 : i64} {
  func.func @body(%arg0: i32, %arg1: memref<64x4096xf32, #tpu.memory_space<vmem>>, %arg2: memref<64x128xf32, #tpu.memory_space<vmem>>, %arg3: memref<4096x128xf32, #tpu.memory_space<vmem>>) attributes {dimension_semantics = [#tpu.dimension_semantics<arbitrary>], iteration_bounds = array<i64: 25>, scalar_prefetch = 0 : i64, scratch_operands = 0 : i64, tpu.core_type = #tpu.core_type<tc>, window_params = [{transform_indices = @transform_0, window_bounds = array<i64: 64, 4096>}, {pipeline_mode = #tpu.pipeline_mode<synchronous>, transform_indices = @transform_1, window_bounds = array<i64: 64, 128>}, {transform_indices = @transform_2, window_bounds = array<i64: 4096, 128>}]} {
    %get3A = arith.constant 0 : index
    %get3A_0 = arith.constant 0 : index
    %get3A_1 = vector.load %arg1[%get3A, %get3A_0] : memref<64x4096xf32, #tpu.memory_space<vmem>>, vector<64x4096xf32>
    %get3A_2 = arith.constant 0 : index
    %get3A_3 = arith.constant 0 : index
    %get3A_4 = vector.load %arg2[%get3A_2, %get3A_3] : memref<64x128xf32, #tpu.memory_space<vmem>>, vector<64x128xf32>
    %dot_general3A = arith.constant dense<0.000000e+00> : vector<4096x128xf32>
    %dot_general3A_5 = tpu.matmul %get3A_1, %get3A_4, %dot_general3A {dimension_numbers = #tpu.dot_dimension_numbers<[0], [0], [1], [1], [0, 1, 1, 1], [], []>, transpose_lhs_hint = false} : vector<64x4096xf32>, vector<64x128xf32>, vector<4096x128xf32> -> vector<4096x128xf32>
    %swap3A = arith.constant 0 : index
    %swap3A_6 = arith.constant 0 : index
    %swap3A_7 = vector.load %arg3[%swap3A, %swap3A_6] : memref<4096x128xf32, #tpu.memory_space<vmem>>, vector<4096x128xf32>
    tpu.vector_store %arg3[%swap3A, %swap3A_6], %dot_general3A_5 {strides = array<i32>} : memref<4096x128xf32, #tpu.memory_space<vmem>>, vector<4096x128xf32>,
    return
  }
  func.func @transform_0(%arg0: i32) -> (i32, i32) {
    %c0_i32 = arith.constant 0 : i32
    %c0_i32_0 = arith.constant 0 : i32
    return %c0_i32, %arg0 : i32, i32
  }
  func.func @transform_1(%arg0: i32) -> (i32, i32) {
    %c0_i32 = arith.constant 0 : i32
    %c0_i32_0 = arith.constant 0 : i32
    %c0_i32_1 = arith.constant 0 : i32
    return %c0_i32, %c0_i32_0 : i32, i32
  }
  func.func @transform_2(%arg0: i32) -> (i32, i32) {
    %c0_i32 = arith.constant 0 : i32
    %c0_i32_0 = arith.constant 0 : i32
    return %arg0, %c0_i32 : i32, i32
  }
}

module attributes {stable_mosaic.version = 14 : i64} {
  func.func @body(%arg0: i32, %arg1: memref<8192x128xf32, #tpu.memory_space<vmem>>, %arg2: memref<3x8192xf32, #tpu.memory_space<vmem>>, %arg3: memref<3x64xf32, #tpu.memory_space<vmem>>, %arg4: memref<1x64xf32, #tpu.memory_space<vmem>>, %arg5: memref<128x128xf32, #tpu.memory_space<vmem>>, %arg6: memref<1x128xf32, #tpu.memory_space<vmem>>, %arg7: memref<1x128xf32, #tpu.memory_space<vmem>>, %arg8: memref<1x128xf32, #tpu.memory_space<vmem>>, %arg9: memref<8192x128xf32, #tpu.memory_space<vmem>>) attributes {dimension_semantics = [#tpu.dimension_semantics<arbitrary>], iteration_bounds = array<i64: 25>, scalar_prefetch = 0 : i64, scratch_operands = 0 : i64, tpu.core_type = #tpu.core_type<tc>, window_params = [{transform_indices = @transform_0, window_bounds = array<i64: 8192, 128>}, {transform_indices = @transform_1, window_bounds = array<i64: 3, 8192>}, {pipeline_mode = #tpu.pipeline_mode<synchronous>, transform_indices = @transform_2, window_bounds = array<i64: 3, 64>}, {pipeline_mode = #tpu.pipeline_mode<synchronous>, transform_indices = @transform_3, window_bounds = array<i64: 1, 64>}, {pipeline_mode = #tpu.pipeline_mode<synchronous>, transform_indices = @transform_4, window_bounds = array<i64: 128, 128>}, {pipeline_mode = #tpu.pipeline_mode<synchronous>, transform_indices = @transform_5, window_bounds = array<i64: 1, 128>}, {pipeline_mode = #tpu.pipeline_mode<synchronous>, transform_indices = @transform_6, window_bounds = array<i64: 1, 128>}, {pipeline_mode = #tpu.pipeline_mode<synchronous>, transform_indices = @transform_7, window_bounds = array<i64: 1, 128>}, {transform_indices = @transform_8, window_bounds = array<i64: 8192, 128>}]} {
    %get3A = arith.constant 0 : index
    %get3A_0 = arith.constant 0 : index
    %get3A_1 = vector.load %arg5[%get3A, %get3A_0] : memref<128x128xf32, #tpu.memory_space<vmem>>, vector<128x128xf32>
    %slice3A = vector.extract_strided_slice %get3A_1 {offsets = [64, 0], sizes = [64, 128], strides = [1, 1]} : vector<128x128xf32> to vector<64x128xf32>
    %get3A_2 = arith.constant 0 : index
    %get3A_3 = arith.constant 0 : index
    %get3A_4 = vector.load %arg3[%get3A_2, %get3A_3] : memref<3x64xf32, #tpu.memory_space<vmem>>, vector<3x64xf32>
    %dot_general3A = arith.constant dense<0.000000e+00> : vector<3x128xf32>
    %dot_general3A_5 = tpu.matmul %get3A_4, %slice3A, %dot_general3A {dimension_numbers = #tpu.dot_dimension_numbers<[1], [0], [0], [1], [0, 0, 1, 1], [], []>, transpose_lhs_hint = false} : vector<3x64xf32>, vector<64x128xf32>, vector<3x128xf32> -> vector<3x128xf32>
    %get3A_6 = arith.constant 0 : index
    %get3A_7 = arith.constant 0 : index
    %get3A_8 = vector.load %arg4[%get3A_6, %get3A_7] : memref<1x64xf32, #tpu.memory_space<vmem>>, vector<1x64xf32>
    %dot_general3A_9 = arith.constant dense<0.000000e+00> : vector<1x128xf32>
    %dot_general3A_10 = tpu.matmul %get3A_8, %slice3A, %dot_general3A_9 {dimension_numbers = #tpu.dot_dimension_numbers<[1], [0], [0], [1], [0, 0, 1, 1], [], []>, transpose_lhs_hint = false} : vector<1x64xf32>, vector<64x128xf32>, vector<1x128xf32> -> vector<1x128xf32>
    %get3A_11 = arith.constant 0 : index
    %get3A_12 = arith.constant 0 : index
    %get3A_13 = vector.load %arg6[%get3A_11, %get3A_12] : memref<1x128xf32, #tpu.memory_space<vmem>>, vector<1x128xf32>
    %add3A = arith.addf %dot_general3A_10, %get3A_13 : vector<1x128xf32>
    %get3A_14 = arith.constant 0 : index
    %get3A_15 = arith.constant 0 : index
    %get3A_16 = vector.load %arg1[%get3A_14, %get3A_15] : memref<8192x128xf32, #tpu.memory_space<vmem>>, vector<8192x128xf32>
    %get3A_17 = arith.constant 0 : index
    %get3A_18 = arith.constant 0 : index
    %get3A_19 = vector.load %arg2[%get3A_17, %get3A_18] : memref<3x8192xf32, #tpu.memory_space<vmem>>, vector<3x8192xf32>
    %dot_general3A_20 = arith.constant dense<0.000000e+00> : vector<8192x128xf32>
    %dot_general3A_21 = tpu.matmul %get3A_19, %dot_general3A_5, %dot_general3A_20 {dimension_numbers = #tpu.dot_dimension_numbers<[0], [0], [1], [1], [0, 1, 1, 1], [], []>, transpose_lhs_hint = false} : vector<3x8192xf32>, vector<3x128xf32>, vector<8192x128xf32> -> vector<8192x128xf32>
    %add3A_22 = arith.addf %get3A_16, %dot_general3A_21 : vector<8192x128xf32>
    %add3A_23 = vector.broadcast %add3A : vector<1x128xf32> to vector<8192x128xf32>
    %add3A_24 = arith.addf %add3A_22, %add3A_23 : vector<8192x128xf32>
    %reduce_sum3A = arith.constant dense<0.000000e+00> : vector<8192xf32>
    %reduce_sum3A_25 = vector.multi_reduction <add>, %add3A_24, %reduce_sum3A [1] : vector<8192x128xf32> to vector<8192xf32>
    %broadcast_in_dim3A = vector.shape_cast %reduce_sum3A_25 : vector<8192xf32> to vector<8192x1xf32>
    %div3A = arith.constant 1.280000e+02 : f32
    %div3A_26 = vector.broadcast %div3A : f32 to vector<8192x1xf32>
    %div3A_27 = arith.divf %broadcast_in_dim3A, %div3A_26 : vector<8192x1xf32>
    %sub3A = vector.broadcast %div3A_27 : vector<8192x1xf32> to vector<8192x128xf32>
    %sub3A_28 = arith.subf %add3A_24, %sub3A : vector<8192x128xf32>
    %mul3A = arith.mulf %sub3A_28, %sub3A_28 : vector<8192x128xf32>
    %reduce_sum3A_29 = arith.constant dense<0.000000e+00> : vector<8192xf32>
    %reduce_sum3A_30 = vector.multi_reduction <add>, %mul3A, %reduce_sum3A_29 [1] : vector<8192x128xf32> to vector<8192xf32>
    %broadcast_in_dim3A_31 = vector.shape_cast %reduce_sum3A_30 : vector<8192xf32> to vector<8192x1xf32>
    %div3A_32 = arith.constant 1.280000e+02 : f32
    %div3A_33 = vector.broadcast %div3A_32 : f32 to vector<8192x1xf32>
    %div3A_34 = arith.divf %broadcast_in_dim3A_31, %div3A_33 : vector<8192x1xf32>
    %add3A_35 = arith.constant 9.99999974E-6 : f32
    %add3A_36 = vector.broadcast %add3A_35 : f32 to vector<8192x1xf32>
    %add3A_37 = arith.addf %div3A_34, %add3A_36 : vector<8192x1xf32>
    %rsqrt3A = math.rsqrt %add3A_37 : vector<8192x1xf32>
    %mul3A_38 = vector.broadcast %rsqrt3A : vector<8192x1xf32> to vector<8192x128xf32>
    %mul3A_39 = arith.mulf %sub3A_28, %mul3A_38 : vector<8192x128xf32>
    %get3A_40 = arith.constant 0 : index
    %get3A_41 = arith.constant 0 : index
    %get3A_42 = vector.load %arg7[%get3A_40, %get3A_41] : memref<1x128xf32, #tpu.memory_space<vmem>>, vector<1x128xf32>
    %mul3A_43 = vector.broadcast %get3A_42 : vector<1x128xf32> to vector<8192x128xf32>
    %mul3A_44 = arith.mulf %mul3A_39, %mul3A_43 : vector<8192x128xf32>
    %get3A_45 = arith.constant 0 : index
    %get3A_46 = arith.constant 0 : index
    %get3A_47 = vector.load %arg8[%get3A_45, %get3A_46] : memref<1x128xf32, #tpu.memory_space<vmem>>, vector<1x128xf32>
    %add3A_48 = vector.broadcast %get3A_47 : vector<1x128xf32> to vector<8192x128xf32>
    %add3A_49 = arith.addf %mul3A_44, %add3A_48 : vector<8192x128xf32>
    %swap3A = arith.constant 0 : index
    %swap3A_50 = arith.constant 0 : index
    %swap3A_51 = vector.load %arg9[%swap3A, %swap3A_50] : memref<8192x128xf32, #tpu.memory_space<vmem>>, vector<8192x128xf32>
    tpu.vector_store %arg9[%swap3A, %swap3A_50], %add3A_49 {strides = array<i32>} : memref<8192x128xf32, #tpu.memory_space<vmem>>, vector<8192x128xf32>,
    return
  }
  func.func @transform_0(%arg0: i32) -> (i32, i32) {
    %c0_i32 = arith.constant 0 : i32
    %c0_i32_0 = arith.constant 0 : i32
    return %arg0, %c0_i32 : i32, i32
  }
  func.func @transform_1(%arg0: i32) -> (i32, i32) {
    %add3A = arith.constant 0 : i32
    %add3A_0 = arith.addi %arg0, %add3A : i32
    %c0_i32 = arith.constant 0 : i32
    %c0_i32_1 = arith.constant 0 : i32
    return %c0_i32, %add3A_0 : i32, i32
  }
  func.func @transform_2(%arg0: i32) -> (i32, i32) {
    %c0_i32 = arith.constant 0 : i32
    %c0_i32_0 = arith.constant 0 : i32
    %c0_i32_1 = arith.constant 0 : i32
    return %c0_i32, %c0_i32_0 : i32, i32
  }
  func.func @transform_3(%arg0: i32) -> (i32, i32) {
    %c0_i32 = arith.constant 0 : i32
    %c0_i32_0 = arith.constant 0 : i32
    %c0_i32_1 = arith.constant 0 : i32
    return %c0_i32, %c0_i32_0 : i32, i32
  }
  func.func @transform_4(%arg0: i32) -> (i32, i32) {
    %c0_i32 = arith.constant 0 : i32
    %c0_i32_0 = arith.constant 0 : i32
    %c0_i32_1 = arith.constant 0 : i32
    return %c0_i32, %c0_i32_0 : i32, i32
  }
  func.func @transform_5(%arg0: i32) -> (i32, i32) {
    %c0_i32 = arith.constant 0 : i32
    %c0_i32_0 = arith.constant 0 : i32
    %c0_i32_1 = arith.constant 0 : i32
    return %c0_i32, %c0_i32_0 : i32, i32
  }
  func.func @transform_6(%arg0: i32) -> (i32, i32) {
    %c0_i32 = arith.constant 0 : i32
    %c0_i32_0 = arith.constant 0 : i32
    %c0_i32_1 = arith.constant 0 : i32
    return %c0_i32, %c0_i32_0 : i32, i32
  }
  func.func @transform_7(%arg0: i32) -> (i32, i32) {
    %c0_i32 = arith.constant 0 : i32
    %c0_i32_0 = arith.constant 0 : i32
    %c0_i32_1 = arith.constant 0 : i32
    return %c0_i32, %c0_i32_0 : i32, i32
  }
  func.func @transform_8(%arg0: i32) -> (i32, i32) {
    %add3A = arith.constant 0 : i32
    %add3A_0 = arith.addi %arg0, %add3A : i32
    %c0_i32 = arith.constant 0 : i32
    %c0_i32_1 = arith.constant 0 : i32
    return %add3A_0, %c0_i32 : i32, i32
  }
}

module attributes {stable_mosaic.version = 14 : i64} {
  func.func @body(%arg0: i32, %arg1: memref<8192x128xf32, #tpu.memory_space<vmem>>, %arg2: memref<3x8192xf32, #tpu.memory_space<vmem>>, %arg3: memref<3x64xf32, #tpu.memory_space<vmem>>, %arg4: memref<1x64xf32, #tpu.memory_space<vmem>>, %arg5: memref<128x128xf32, #tpu.memory_space<vmem>>, %arg6: memref<1x128xf32, #tpu.memory_space<vmem>>, %arg7: memref<1x128xf32, #tpu.memory_space<vmem>>, %arg8: memref<1x128xf32, #tpu.memory_space<vmem>>, %arg9: memref<819200x128xf32, #tpu.memory_space<any>>, %arg10: memref<8192x128xf32, #tpu.memory_space<vmem>>) attributes {dimension_semantics = [#tpu.dimension_semantics<arbitrary>], iteration_bounds = array<i64: 25>, scalar_prefetch = 0 : i64, scratch_operands = 0 : i64, tpu.core_type = #tpu.core_type<tc>, window_params = [{transform_indices = @transform_0, window_bounds = array<i64: 8192, 128>}, {transform_indices = @transform_1, window_bounds = array<i64: 3, 8192>}, {pipeline_mode = #tpu.pipeline_mode<synchronous>, transform_indices = @transform_2, window_bounds = array<i64: 3, 64>}, {pipeline_mode = #tpu.pipeline_mode<synchronous>, transform_indices = @transform_3, window_bounds = array<i64: 1, 64>}, {pipeline_mode = #tpu.pipeline_mode<synchronous>, transform_indices = @transform_4, window_bounds = array<i64: 128, 128>}, {pipeline_mode = #tpu.pipeline_mode<synchronous>, transform_indices = @transform_5, window_bounds = array<i64: 1, 128>}, {pipeline_mode = #tpu.pipeline_mode<synchronous>, transform_indices = @transform_6, window_bounds = array<i64: 1, 128>}, {pipeline_mode = #tpu.pipeline_mode<synchronous>, transform_indices = @transform_7, window_bounds = array<i64: 1, 128>}, {}, {transform_indices = @transform_9, window_bounds = array<i64: 8192, 128>}]} {
    %get3A = arith.constant 0 : index
    %get3A_0 = arith.constant 0 : index
    %get3A_1 = vector.load %arg5[%get3A, %get3A_0] : memref<128x128xf32, #tpu.memory_space<vmem>>, vector<128x128xf32>
    %slice3A = vector.extract_strided_slice %get3A_1 {offsets = [64, 0], sizes = [64, 128], strides = [1, 1]} : vector<128x128xf32> to vector<64x128xf32>
    %get3A_2 = arith.constant 0 : index
    %get3A_3 = arith.constant 0 : index
    %get3A_4 = vector.load %arg3[%get3A_2, %get3A_3] : memref<3x64xf32, #tpu.memory_space<vmem>>, vector<3x64xf32>
    %dot_general3A = arith.constant dense<0.000000e+00> : vector<3x128xf32>
    %dot_general3A_5 = tpu.matmul %get3A_4, %slice3A, %dot_general3A {dimension_numbers = #tpu.dot_dimension_numbers<[1], [0], [0], [1], [0, 0, 1, 1], [], []>, transpose_lhs_hint = false} : vector<3x64xf32>, vector<64x128xf32>, vector<3x128xf32> -> vector<3x128xf32>
    %get3A_6 = arith.constant 0 : index
    %get3A_7 = arith.constant 0 : index
    %get3A_8 = vector.load %arg4[%get3A_6, %get3A_7] : memref<1x64xf32, #tpu.memory_space<vmem>>, vector<1x64xf32>
    %dot_general3A_9 = arith.constant dense<0.000000e+00> : vector<1x128xf32>
    %dot_general3A_10 = tpu.matmul %get3A_8, %slice3A, %dot_general3A_9 {dimension_numbers = #tpu.dot_dimension_numbers<[1], [0], [0], [1], [0, 0, 1, 1], [], []>, transpose_lhs_hint = false} : vector<1x64xf32>, vector<64x128xf32>, vector<1x128xf32> -> vector<1x128xf32>
    %get3A_11 = arith.constant 0 : index
    %get3A_12 = arith.constant 0 : index
    %get3A_13 = vector.load %arg6[%get3A_11, %get3A_12] : memref<1x128xf32, #tpu.memory_space<vmem>>, vector<1x128xf32>
    %add3A = arith.addf %dot_general3A_10, %get3A_13 : vector<1x128xf32>
    %get3A_14 = arith.constant 0 : index
    %get3A_15 = arith.constant 0 : index
    %get3A_16 = vector.load %arg1[%get3A_14, %get3A_15] : memref<8192x128xf32, #tpu.memory_space<vmem>>, vector<8192x128xf32>
    %get3A_17 = arith.constant 0 : index
    %get3A_18 = arith.constant 0 : index
    %get3A_19 = vector.load %arg2[%get3A_17, %get3A_18] : memref<3x8192xf32, #tpu.memory_space<vmem>>, vector<3x8192xf32>
    %dot_general3A_20 = arith.constant dense<0.000000e+00> : vector<8192x128xf32>
    %dot_general3A_21 = tpu.matmul %get3A_19, %dot_general3A_5, %dot_general3A_20 {dimension_numbers = #tpu.dot_dimension_numbers<[0], [0], [1], [1], [0, 1, 1, 1], [], []>, transpose_lhs_hint = false} : vector<3x8192xf32>, vector<3x128xf32>, vector<8192x128xf32> -> vector<8192x128xf32>
    %add3A_22 = arith.addf %get3A_16, %dot_general3A_21 : vector<8192x128xf32>
    %add3A_23 = vector.broadcast %add3A : vector<1x128xf32> to vector<8192x128xf32>
    %add3A_24 = arith.addf %add3A_22, %add3A_23 : vector<8192x128xf32>
    %reduce_sum3A = arith.constant dense<0.000000e+00> : vector<8192xf32>
    %reduce_sum3A_25 = vector.multi_reduction <add>, %add3A_24, %reduce_sum3A [1] : vector<8192x128xf32> to vector<8192xf32>
    %broadcast_in_dim3A = vector.shape_cast %reduce_sum3A_25 : vector<8192xf32> to vector<8192x1xf32>
    %div3A = arith.constant 1.280000e+02 : f32
    %div3A_26 = vector.broadcast %div3A : f32 to vector<8192x1xf32>
    %div3A_27 = arith.divf %broadcast_in_dim3A, %div3A_26 : vector<8192x1xf32>
    %sub3A = vector.broadcast %div3A_27 : vector<8192x1xf32> to vector<8192x128xf32>
    %sub3A_28 = arith.subf %add3A_24, %sub3A : vector<8192x128xf32>
    %mul3A = arith.mulf %sub3A_28, %sub3A_28 : vector<8192x128xf32>
    %reduce_sum3A_29 = arith.constant dense<0.000000e+00> : vector<8192xf32>
    %reduce_sum3A_30 = vector.multi_reduction <add>, %mul3A, %reduce_sum3A_29 [1] : vector<8192x128xf32> to vector<8192xf32>
    %broadcast_in_dim3A_31 = vector.shape_cast %reduce_sum3A_30 : vector<8192xf32> to vector<8192x1xf32>
    %div3A_32 = arith.constant 1.280000e+02 : f32
    %div3A_33 = vector.broadcast %div3A_32 : f32 to vector<8192x1xf32>
    %div3A_34 = arith.divf %broadcast_in_dim3A_31, %div3A_33 : vector<8192x1xf32>
    %add3A_35 = arith.constant 9.99999974E-6 : f32
    %add3A_36 = vector.broadcast %add3A_35 : f32 to vector<8192x1xf32>
    %add3A_37 = arith.addf %div3A_34, %add3A_36 : vector<8192x1xf32>
    %rsqrt3A = math.rsqrt %add3A_37 : vector<8192x1xf32>
    %mul3A_38 = vector.broadcast %rsqrt3A : vector<8192x1xf32> to vector<8192x128xf32>
    %mul3A_39 = arith.mulf %sub3A_28, %mul3A_38 : vector<8192x128xf32>
    %get3A_40 = arith.constant 0 : index
    %get3A_41 = arith.constant 0 : index
    %get3A_42 = vector.load %arg7[%get3A_40, %get3A_41] : memref<1x128xf32, #tpu.memory_space<vmem>>, vector<1x128xf32>
    %mul3A_43 = vector.broadcast %get3A_42 : vector<1x128xf32> to vector<8192x128xf32>
    %mul3A_44 = arith.mulf %mul3A_39, %mul3A_43 : vector<8192x128xf32>
    %get3A_45 = arith.constant 0 : index
    %get3A_46 = arith.constant 0 : index
    %get3A_47 = vector.load %arg8[%get3A_45, %get3A_46] : memref<1x128xf32, #tpu.memory_space<vmem>>, vector<1x128xf32>
    %add3A_48 = vector.broadcast %get3A_47 : vector<1x128xf32> to vector<8192x128xf32>
    %add3A_49 = arith.addf %mul3A_44, %add3A_48 : vector<8192x128xf32>
    %swap3A = arith.constant 0 : index
    %swap3A_50 = arith.constant 0 : index
    %swap3A_51 = vector.load %arg10[%swap3A, %swap3A_50] : memref<8192x128xf32, #tpu.memory_space<vmem>>, vector<8192x128xf32>
    tpu.vector_store %arg10[%swap3A, %swap3A_50], %add3A_49 {strides = array<i32>} : memref<8192x128xf32, #tpu.memory_space<vmem>>, vector<8192x128xf32>,
    return
  }
  func.func @transform_0(%arg0: i32) -> (i32, i32) {
    %c0_i32 = arith.constant 0 : i32
    %c0_i32_0 = arith.constant 0 : i32
    return %arg0, %c0_i32 : i32, i32
  }
  func.func @transform_1(%arg0: i32) -> (i32, i32) {
    %add3A = arith.constant 25 : i32
    %add3A_0 = arith.addi %arg0, %add3A : i32
    %c0_i32 = arith.constant 0 : i32
    %c0_i32_1 = arith.constant 0 : i32
    return %c0_i32, %add3A_0 : i32, i32
  }
  func.func @transform_2(%arg0: i32) -> (i32, i32) {
    %c0_i32 = arith.constant 0 : i32
    %c0_i32_0 = arith.constant 0 : i32
    %c0_i32_1 = arith.constant 0 : i32
    return %c0_i32, %c0_i32_0 : i32, i32
  }
  func.func @transform_3(%arg0: i32) -> (i32, i32) {
    %c0_i32 = arith.constant 0 : i32
    %c0_i32_0 = arith.constant 0 : i32
    %c0_i32_1 = arith.constant 0 : i32
    return %c0_i32, %c0_i32_0 : i32, i32
  }
  func.func @transform_4(%arg0: i32) -> (i32, i32) {
    %c0_i32 = arith.constant 0 : i32
    %c0_i32_0 = arith.constant 0 : i32
    %c0_i32_1 = arith.constant 0 : i32
    return %c0_i32, %c0_i32_0 : i32, i32
  }
  func.func @transform_5(%arg0: i32) -> (i32, i32) {
    %c0_i32 = arith.constant 0 : i32
    %c0_i32_0 = arith.constant 0 : i32
    %c0_i32_1 = arith.constant 0 : i32
    return %c0_i32, %c0_i32_0 : i32, i32
  }
  func.func @transform_6(%arg0: i32) -> (i32, i32) {
    %c0_i32 = arith.constant 0 : i32
    %c0_i32_0 = arith.constant 0 : i32
    %c0_i32_1 = arith.constant 0 : i32
    return %c0_i32, %c0_i32_0 : i32, i32
  }
  func.func @transform_7(%arg0: i32) -> (i32, i32) {
    %c0_i32 = arith.constant 0 : i32
    %c0_i32_0 = arith.constant 0 : i32
    %c0_i32_1 = arith.constant 0 : i32
    return %c0_i32, %c0_i32_0 : i32, i32
  }
  func.func @transform_9(%arg0: i32) -> (i32, i32) {
    %add3A = arith.constant 25 : i32
    %add3A_0 = arith.addi %arg0, %add3A : i32
    %c0_i32 = arith.constant 0 : i32
    %c0_i32_1 = arith.constant 0 : i32
    return %add3A_0, %c0_i32 : i32, i32
  }
}

module attributes {stable_mosaic.version = 14 : i64} {
  func.func @body(%arg0: i32, %arg1: memref<8192x128xf32, #tpu.memory_space<vmem>>, %arg2: memref<3x8192xf32, #tpu.memory_space<vmem>>, %arg3: memref<3x64xf32, #tpu.memory_space<vmem>>, %arg4: memref<1x64xf32, #tpu.memory_space<vmem>>, %arg5: memref<128x128xf32, #tpu.memory_space<vmem>>, %arg6: memref<1x128xf32, #tpu.memory_space<vmem>>, %arg7: memref<1x128xf32, #tpu.memory_space<vmem>>, %arg8: memref<1x128xf32, #tpu.memory_space<vmem>>, %arg9: memref<819200x128xf32, #tpu.memory_space<any>>, %arg10: memref<8192x128xf32, #tpu.memory_space<vmem>>) attributes {dimension_semantics = [#tpu.dimension_semantics<arbitrary>], iteration_bounds = array<i64: 25>, scalar_prefetch = 0 : i64, scratch_operands = 0 : i64, tpu.core_type = #tpu.core_type<tc>, window_params = [{transform_indices = @transform_0, window_bounds = array<i64: 8192, 128>}, {transform_indices = @transform_1, window_bounds = array<i64: 3, 8192>}, {pipeline_mode = #tpu.pipeline_mode<synchronous>, transform_indices = @transform_2, window_bounds = array<i64: 3, 64>}, {pipeline_mode = #tpu.pipeline_mode<synchronous>, transform_indices = @transform_3, window_bounds = array<i64: 1, 64>}, {pipeline_mode = #tpu.pipeline_mode<synchronous>, transform_indices = @transform_4, window_bounds = array<i64: 128, 128>}, {pipeline_mode = #tpu.pipeline_mode<synchronous>, transform_indices = @transform_5, window_bounds = array<i64: 1, 128>}, {pipeline_mode = #tpu.pipeline_mode<synchronous>, transform_indices = @transform_6, window_bounds = array<i64: 1, 128>}, {pipeline_mode = #tpu.pipeline_mode<synchronous>, transform_indices = @transform_7, window_bounds = array<i64: 1, 128>}, {}, {transform_indices = @transform_9, window_bounds = array<i64: 8192, 128>}]} {
    %get3A = arith.constant 0 : index
    %get3A_0 = arith.constant 0 : index
    %get3A_1 = vector.load %arg5[%get3A, %get3A_0] : memref<128x128xf32, #tpu.memory_space<vmem>>, vector<128x128xf32>
    %slice3A = vector.extract_strided_slice %get3A_1 {offsets = [64, 0], sizes = [64, 128], strides = [1, 1]} : vector<128x128xf32> to vector<64x128xf32>
    %get3A_2 = arith.constant 0 : index
    %get3A_3 = arith.constant 0 : index
    %get3A_4 = vector.load %arg3[%get3A_2, %get3A_3] : memref<3x64xf32, #tpu.memory_space<vmem>>, vector<3x64xf32>
    %dot_general3A = arith.constant dense<0.000000e+00> : vector<3x128xf32>
    %dot_general3A_5 = tpu.matmul %get3A_4, %slice3A, %dot_general3A {dimension_numbers = #tpu.dot_dimension_numbers<[1], [0], [0], [1], [0, 0, 1, 1], [], []>, transpose_lhs_hint = false} : vector<3x64xf32>, vector<64x128xf32>, vector<3x128xf32> -> vector<3x128xf32>
    %get3A_6 = arith.constant 0 : index
    %get3A_7 = arith.constant 0 : index
    %get3A_8 = vector.load %arg4[%get3A_6, %get3A_7] : memref<1x64xf32, #tpu.memory_space<vmem>>, vector<1x64xf32>
    %dot_general3A_9 = arith.constant dense<0.000000e+00> : vector<1x128xf32>
    %dot_general3A_10 = tpu.matmul %get3A_8, %slice3A, %dot_general3A_9 {dimension_numbers = #tpu.dot_dimension_numbers<[1], [0], [0], [1], [0, 0, 1, 1], [], []>, transpose_lhs_hint = false} : vector<1x64xf32>, vector<64x128xf32>, vector<1x128xf32> -> vector<1x128xf32>
    %get3A_11 = arith.constant 0 : index
    %get3A_12 = arith.constant 0 : index
    %get3A_13 = vector.load %arg6[%get3A_11, %get3A_12] : memref<1x128xf32, #tpu.memory_space<vmem>>, vector<1x128xf32>
    %add3A = arith.addf %dot_general3A_10, %get3A_13 : vector<1x128xf32>
    %get3A_14 = arith.constant 0 : index
    %get3A_15 = arith.constant 0 : index
    %get3A_16 = vector.load %arg1[%get3A_14, %get3A_15] : memref<8192x128xf32, #tpu.memory_space<vmem>>, vector<8192x128xf32>
    %get3A_17 = arith.constant 0 : index
    %get3A_18 = arith.constant 0 : index
    %get3A_19 = vector.load %arg2[%get3A_17, %get3A_18] : memref<3x8192xf32, #tpu.memory_space<vmem>>, vector<3x8192xf32>
    %dot_general3A_20 = arith.constant dense<0.000000e+00> : vector<8192x128xf32>
    %dot_general3A_21 = tpu.matmul %get3A_19, %dot_general3A_5, %dot_general3A_20 {dimension_numbers = #tpu.dot_dimension_numbers<[0], [0], [1], [1], [0, 1, 1, 1], [], []>, transpose_lhs_hint = false} : vector<3x8192xf32>, vector<3x128xf32>, vector<8192x128xf32> -> vector<8192x128xf32>
    %add3A_22 = arith.addf %get3A_16, %dot_general3A_21 : vector<8192x128xf32>
    %add3A_23 = vector.broadcast %add3A : vector<1x128xf32> to vector<8192x128xf32>
    %add3A_24 = arith.addf %add3A_22, %add3A_23 : vector<8192x128xf32>
    %reduce_sum3A = arith.constant dense<0.000000e+00> : vector<8192xf32>
    %reduce_sum3A_25 = vector.multi_reduction <add>, %add3A_24, %reduce_sum3A [1] : vector<8192x128xf32> to vector<8192xf32>
    %broadcast_in_dim3A = vector.shape_cast %reduce_sum3A_25 : vector<8192xf32> to vector<8192x1xf32>
    %div3A = arith.constant 1.280000e+02 : f32
    %div3A_26 = vector.broadcast %div3A : f32 to vector<8192x1xf32>
    %div3A_27 = arith.divf %broadcast_in_dim3A, %div3A_26 : vector<8192x1xf32>
    %sub3A = vector.broadcast %div3A_27 : vector<8192x1xf32> to vector<8192x128xf32>
    %sub3A_28 = arith.subf %add3A_24, %sub3A : vector<8192x128xf32>
    %mul3A = arith.mulf %sub3A_28, %sub3A_28 : vector<8192x128xf32>
    %reduce_sum3A_29 = arith.constant dense<0.000000e+00> : vector<8192xf32>
    %reduce_sum3A_30 = vector.multi_reduction <add>, %mul3A, %reduce_sum3A_29 [1] : vector<8192x128xf32> to vector<8192xf32>
    %broadcast_in_dim3A_31 = vector.shape_cast %reduce_sum3A_30 : vector<8192xf32> to vector<8192x1xf32>
    %div3A_32 = arith.constant 1.280000e+02 : f32
    %div3A_33 = vector.broadcast %div3A_32 : f32 to vector<8192x1xf32>
    %div3A_34 = arith.divf %broadcast_in_dim3A_31, %div3A_33 : vector<8192x1xf32>
    %add3A_35 = arith.constant 9.99999974E-6 : f32
    %add3A_36 = vector.broadcast %add3A_35 : f32 to vector<8192x1xf32>
    %add3A_37 = arith.addf %div3A_34, %add3A_36 : vector<8192x1xf32>
    %rsqrt3A = math.rsqrt %add3A_37 : vector<8192x1xf32>
    %mul3A_38 = vector.broadcast %rsqrt3A : vector<8192x1xf32> to vector<8192x128xf32>
    %mul3A_39 = arith.mulf %sub3A_28, %mul3A_38 : vector<8192x128xf32>
    %get3A_40 = arith.constant 0 : index
    %get3A_41 = arith.constant 0 : index
    %get3A_42 = vector.load %arg7[%get3A_40, %get3A_41] : memref<1x128xf32, #tpu.memory_space<vmem>>, vector<1x128xf32>
    %mul3A_43 = vector.broadcast %get3A_42 : vector<1x128xf32> to vector<8192x128xf32>
    %mul3A_44 = arith.mulf %mul3A_39, %mul3A_43 : vector<8192x128xf32>
    %get3A_45 = arith.constant 0 : index
    %get3A_46 = arith.constant 0 : index
    %get3A_47 = vector.load %arg8[%get3A_45, %get3A_46] : memref<1x128xf32, #tpu.memory_space<vmem>>, vector<1x128xf32>
    %add3A_48 = vector.broadcast %get3A_47 : vector<1x128xf32> to vector<8192x128xf32>
    %add3A_49 = arith.addf %mul3A_44, %add3A_48 : vector<8192x128xf32>
    %swap3A = arith.constant 0 : index
    %swap3A_50 = arith.constant 0 : index
    %swap3A_51 = vector.load %arg10[%swap3A, %swap3A_50] : memref<8192x128xf32, #tpu.memory_space<vmem>>, vector<8192x128xf32>
    tpu.vector_store %arg10[%swap3A, %swap3A_50], %add3A_49 {strides = array<i32>} : memref<8192x128xf32, #tpu.memory_space<vmem>>, vector<8192x128xf32>,
    return
  }
  func.func @transform_0(%arg0: i32) -> (i32, i32) {
    %c0_i32 = arith.constant 0 : i32
    %c0_i32_0 = arith.constant 0 : i32
    return %arg0, %c0_i32 : i32, i32
  }
  func.func @transform_1(%arg0: i32) -> (i32, i32) {
    %add3A = arith.constant 50 : i32
    %add3A_0 = arith.addi %arg0, %add3A : i32
    %c0_i32 = arith.constant 0 : i32
    %c0_i32_1 = arith.constant 0 : i32
    return %c0_i32, %add3A_0 : i32, i32
  }
  func.func @transform_2(%arg0: i32) -> (i32, i32) {
    %c0_i32 = arith.constant 0 : i32
    %c0_i32_0 = arith.constant 0 : i32
    %c0_i32_1 = arith.constant 0 : i32
    return %c0_i32, %c0_i32_0 : i32, i32
  }
  func.func @transform_3(%arg0: i32) -> (i32, i32) {
    %c0_i32 = arith.constant 0 : i32
    %c0_i32_0 = arith.constant 0 : i32
    %c0_i32_1 = arith.constant 0 : i32
    return %c0_i32, %c0_i32_0 : i32, i32
  }
  func.func @transform_4(%arg0: i32) -> (i32, i32) {
    %c0_i32 = arith.constant 0 : i32
    %c0_i32_0 = arith.constant 0 : i32
    %c0_i32_1 = arith.constant 0 : i32
    return %c0_i32, %c0_i32_0 : i32, i32
  }
  func.func @transform_5(%arg0: i32) -> (i32, i32) {
    %c0_i32 = arith.constant 0 : i32
    %c0_i32_0 = arith.constant 0 : i32
    %c0_i32_1 = arith.constant 0 : i32
    return %c0_i32, %c0_i32_0 : i32, i32
  }
  func.func @transform_6(%arg0: i32) -> (i32, i32) {
    %c0_i32 = arith.constant 0 : i32
    %c0_i32_0 = arith.constant 0 : i32
    %c0_i32_1 = arith.constant 0 : i32
    return %c0_i32, %c0_i32_0 : i32, i32
  }
  func.func @transform_7(%arg0: i32) -> (i32, i32) {
    %c0_i32 = arith.constant 0 : i32
    %c0_i32_0 = arith.constant 0 : i32
    %c0_i32_1 = arith.constant 0 : i32
    return %c0_i32, %c0_i32_0 : i32, i32
  }
  func.func @transform_9(%arg0: i32) -> (i32, i32) {
    %add3A = arith.constant 50 : i32
    %add3A_0 = arith.addi %arg0, %add3A : i32
    %c0_i32 = arith.constant 0 : i32
    %c0_i32_1 = arith.constant 0 : i32
    return %add3A_0, %c0_i32 : i32, i32
  }
}

module attributes {stable_mosaic.version = 14 : i64} {
  func.func @body(%arg0: i32, %arg1: memref<8192x128xf32, #tpu.memory_space<vmem>>, %arg2: memref<3x8192xf32, #tpu.memory_space<vmem>>, %arg3: memref<3x64xf32, #tpu.memory_space<vmem>>, %arg4: memref<1x64xf32, #tpu.memory_space<vmem>>, %arg5: memref<128x128xf32, #tpu.memory_space<vmem>>, %arg6: memref<1x128xf32, #tpu.memory_space<vmem>>, %arg7: memref<1x128xf32, #tpu.memory_space<vmem>>, %arg8: memref<1x128xf32, #tpu.memory_space<vmem>>, %arg9: memref<819200x128xf32, #tpu.memory_space<any>>, %arg10: memref<8192x128xf32, #tpu.memory_space<vmem>>) attributes {dimension_semantics = [#tpu.dimension_semantics<arbitrary>], iteration_bounds = array<i64: 25>, scalar_prefetch = 0 : i64, scratch_operands = 0 : i64, tpu.core_type = #tpu.core_type<tc>, window_params = [{transform_indices = @transform_0, window_bounds = array<i64: 8192, 128>}, {transform_indices = @transform_1, window_bounds = array<i64: 3, 8192>}, {pipeline_mode = #tpu.pipeline_mode<synchronous>, transform_indices = @transform_2, window_bounds = array<i64: 3, 64>}, {pipeline_mode = #tpu.pipeline_mode<synchronous>, transform_indices = @transform_3, window_bounds = array<i64: 1, 64>}, {pipeline_mode = #tpu.pipeline_mode<synchronous>, transform_indices = @transform_4, window_bounds = array<i64: 128, 128>}, {pipeline_mode = #tpu.pipeline_mode<synchronous>, transform_indices = @transform_5, window_bounds = array<i64: 1, 128>}, {pipeline_mode = #tpu.pipeline_mode<synchronous>, transform_indices = @transform_6, window_bounds = array<i64: 1, 128>}, {pipeline_mode = #tpu.pipeline_mode<synchronous>, transform_indices = @transform_7, window_bounds = array<i64: 1, 128>}, {}, {transform_indices = @transform_9, window_bounds = array<i64: 8192, 128>}]} {
    %get3A = arith.constant 0 : index
    %get3A_0 = arith.constant 0 : index
    %get3A_1 = vector.load %arg5[%get3A, %get3A_0] : memref<128x128xf32, #tpu.memory_space<vmem>>, vector<128x128xf32>
    %slice3A = vector.extract_strided_slice %get3A_1 {offsets = [64, 0], sizes = [64, 128], strides = [1, 1]} : vector<128x128xf32> to vector<64x128xf32>
    %get3A_2 = arith.constant 0 : index
    %get3A_3 = arith.constant 0 : index
    %get3A_4 = vector.load %arg3[%get3A_2, %get3A_3] : memref<3x64xf32, #tpu.memory_space<vmem>>, vector<3x64xf32>
    %dot_general3A = arith.constant dense<0.000000e+00> : vector<3x128xf32>
    %dot_general3A_5 = tpu.matmul %get3A_4, %slice3A, %dot_general3A {dimension_numbers = #tpu.dot_dimension_numbers<[1], [0], [0], [1], [0, 0, 1, 1], [], []>, transpose_lhs_hint = false} : vector<3x64xf32>, vector<64x128xf32>, vector<3x128xf32> -> vector<3x128xf32>
    %get3A_6 = arith.constant 0 : index
    %get3A_7 = arith.constant 0 : index
    %get3A_8 = vector.load %arg4[%get3A_6, %get3A_7] : memref<1x64xf32, #tpu.memory_space<vmem>>, vector<1x64xf32>
    %dot_general3A_9 = arith.constant dense<0.000000e+00> : vector<1x128xf32>
    %dot_general3A_10 = tpu.matmul %get3A_8, %slice3A, %dot_general3A_9 {dimension_numbers = #tpu.dot_dimension_numbers<[1], [0], [0], [1], [0, 0, 1, 1], [], []>, transpose_lhs_hint = false} : vector<1x64xf32>, vector<64x128xf32>, vector<1x128xf32> -> vector<1x128xf32>
    %get3A_11 = arith.constant 0 : index
    %get3A_12 = arith.constant 0 : index
    %get3A_13 = vector.load %arg6[%get3A_11, %get3A_12] : memref<1x128xf32, #tpu.memory_space<vmem>>, vector<1x128xf32>
    %add3A = arith.addf %dot_general3A_10, %get3A_13 : vector<1x128xf32>
    %get3A_14 = arith.constant 0 : index
    %get3A_15 = arith.constant 0 : index
    %get3A_16 = vector.load %arg1[%get3A_14, %get3A_15] : memref<8192x128xf32, #tpu.memory_space<vmem>>, vector<8192x128xf32>
    %get3A_17 = arith.constant 0 : index
    %get3A_18 = arith.constant 0 : index
    %get3A_19 = vector.load %arg2[%get3A_17, %get3A_18] : memref<3x8192xf32, #tpu.memory_space<vmem>>, vector<3x8192xf32>
    %dot_general3A_20 = arith.constant dense<0.000000e+00> : vector<8192x128xf32>
    %dot_general3A_21 = tpu.matmul %get3A_19, %dot_general3A_5, %dot_general3A_20 {dimension_numbers = #tpu.dot_dimension_numbers<[0], [0], [1], [1], [0, 1, 1, 1], [], []>, transpose_lhs_hint = false} : vector<3x8192xf32>, vector<3x128xf32>, vector<8192x128xf32> -> vector<8192x128xf32>
    %add3A_22 = arith.addf %get3A_16, %dot_general3A_21 : vector<8192x128xf32>
    %add3A_23 = vector.broadcast %add3A : vector<1x128xf32> to vector<8192x128xf32>
    %add3A_24 = arith.addf %add3A_22, %add3A_23 : vector<8192x128xf32>
    %reduce_sum3A = arith.constant dense<0.000000e+00> : vector<8192xf32>
    %reduce_sum3A_25 = vector.multi_reduction <add>, %add3A_24, %reduce_sum3A [1] : vector<8192x128xf32> to vector<8192xf32>
    %broadcast_in_dim3A = vector.shape_cast %reduce_sum3A_25 : vector<8192xf32> to vector<8192x1xf32>
    %div3A = arith.constant 1.280000e+02 : f32
    %div3A_26 = vector.broadcast %div3A : f32 to vector<8192x1xf32>
    %div3A_27 = arith.divf %broadcast_in_dim3A, %div3A_26 : vector<8192x1xf32>
    %sub3A = vector.broadcast %div3A_27 : vector<8192x1xf32> to vector<8192x128xf32>
    %sub3A_28 = arith.subf %add3A_24, %sub3A : vector<8192x128xf32>
    %mul3A = arith.mulf %sub3A_28, %sub3A_28 : vector<8192x128xf32>
    %reduce_sum3A_29 = arith.constant dense<0.000000e+00> : vector<8192xf32>
    %reduce_sum3A_30 = vector.multi_reduction <add>, %mul3A, %reduce_sum3A_29 [1] : vector<8192x128xf32> to vector<8192xf32>
    %broadcast_in_dim3A_31 = vector.shape_cast %reduce_sum3A_30 : vector<8192xf32> to vector<8192x1xf32>
    %div3A_32 = arith.constant 1.280000e+02 : f32
    %div3A_33 = vector.broadcast %div3A_32 : f32 to vector<8192x1xf32>
    %div3A_34 = arith.divf %broadcast_in_dim3A_31, %div3A_33 : vector<8192x1xf32>
    %add3A_35 = arith.constant 9.99999974E-6 : f32
    %add3A_36 = vector.broadcast %add3A_35 : f32 to vector<8192x1xf32>
    %add3A_37 = arith.addf %div3A_34, %add3A_36 : vector<8192x1xf32>
    %rsqrt3A = math.rsqrt %add3A_37 : vector<8192x1xf32>
    %mul3A_38 = vector.broadcast %rsqrt3A : vector<8192x1xf32> to vector<8192x128xf32>
    %mul3A_39 = arith.mulf %sub3A_28, %mul3A_38 : vector<8192x128xf32>
    %get3A_40 = arith.constant 0 : index
    %get3A_41 = arith.constant 0 : index
    %get3A_42 = vector.load %arg7[%get3A_40, %get3A_41] : memref<1x128xf32, #tpu.memory_space<vmem>>, vector<1x128xf32>
    %mul3A_43 = vector.broadcast %get3A_42 : vector<1x128xf32> to vector<8192x128xf32>
    %mul3A_44 = arith.mulf %mul3A_39, %mul3A_43 : vector<8192x128xf32>
    %get3A_45 = arith.constant 0 : index
    %get3A_46 = arith.constant 0 : index
    %get3A_47 = vector.load %arg8[%get3A_45, %get3A_46] : memref<1x128xf32, #tpu.memory_space<vmem>>, vector<1x128xf32>
    %add3A_48 = vector.broadcast %get3A_47 : vector<1x128xf32> to vector<8192x128xf32>
    %add3A_49 = arith.addf %mul3A_44, %add3A_48 : vector<8192x128xf32>
    %swap3A = arith.constant 0 : index
    %swap3A_50 = arith.constant 0 : index
    %swap3A_51 = vector.load %arg10[%swap3A, %swap3A_50] : memref<8192x128xf32, #tpu.memory_space<vmem>>, vector<8192x128xf32>
    tpu.vector_store %arg10[%swap3A, %swap3A_50], %add3A_49 {strides = array<i32>} : memref<8192x128xf32, #tpu.memory_space<vmem>>, vector<8192x128xf32>,
    return
  }
  func.func @transform_0(%arg0: i32) -> (i32, i32) {
    %c0_i32 = arith.constant 0 : i32
    %c0_i32_0 = arith.constant 0 : i32
    return %arg0, %c0_i32 : i32, i32
  }
  func.func @transform_1(%arg0: i32) -> (i32, i32) {
    %add3A = arith.constant 75 : i32
    %add3A_0 = arith.addi %arg0, %add3A : i32
    %c0_i32 = arith.constant 0 : i32
    %c0_i32_1 = arith.constant 0 : i32
    return %c0_i32, %add3A_0 : i32, i32
  }
  func.func @transform_2(%arg0: i32) -> (i32, i32) {
    %c0_i32 = arith.constant 0 : i32
    %c0_i32_0 = arith.constant 0 : i32
    %c0_i32_1 = arith.constant 0 : i32
    return %c0_i32, %c0_i32_0 : i32, i32
  }
  func.func @transform_3(%arg0: i32) -> (i32, i32) {
    %c0_i32 = arith.constant 0 : i32
    %c0_i32_0 = arith.constant 0 : i32
    %c0_i32_1 = arith.constant 0 : i32
    return %c0_i32, %c0_i32_0 : i32, i32
  }
  func.func @transform_4(%arg0: i32) -> (i32, i32) {
    %c0_i32 = arith.constant 0 : i32
    %c0_i32_0 = arith.constant 0 : i32
    %c0_i32_1 = arith.constant 0 : i32
    return %c0_i32, %c0_i32_0 : i32, i32
  }
  func.func @transform_5(%arg0: i32) -> (i32, i32) {
    %c0_i32 = arith.constant 0 : i32
    %c0_i32_0 = arith.constant 0 : i32
    %c0_i32_1 = arith.constant 0 : i32
    return %c0_i32, %c0_i32_0 : i32, i32
  }
  func.func @transform_6(%arg0: i32) -> (i32, i32) {
    %c0_i32 = arith.constant 0 : i32
    %c0_i32_0 = arith.constant 0 : i32
    %c0_i32_1 = arith.constant 0 : i32
    return %c0_i32, %c0_i32_0 : i32, i32
  }
  func.func @transform_7(%arg0: i32) -> (i32, i32) {
    %c0_i32 = arith.constant 0 : i32
    %c0_i32_0 = arith.constant 0 : i32
    %c0_i32_1 = arith.constant 0 : i32
    return %c0_i32, %c0_i32_0 : i32, i32
  }
  func.func @transform_9(%arg0: i32) -> (i32, i32) {
    %add3A = arith.constant 75 : i32
    %add3A_0 = arith.addi %arg0, %add3A : i32
    %c0_i32 = arith.constant 0 : i32
    %c0_i32_1 = arith.constant 0 : i32
    return %add3A_0, %c0_i32 : i32, i32
  }
}

</mosaic_0001>

<sc_bundles>
// kernel: kernel.11.cloned.1.call-start
scs
__scs_entry_jumppad:
0x0: {  	(pc) =	sbr.rel $0x88, $3  }
0x1: {  	(tag) =	ssettag $0x0;
	lr =	simm.s32 $0x1  }
0x2: {  	[smem:$0x3F98] =	sst lr;
	_ =	strace $0xD0000000  }
0x3: {  	_ = 	snop  }
0x4: {  	_ = 	snop  }
0x5: {  	_ = 	snop  }
0x6: {  	_ = 	snop  }
0x7: {  	_ = 	snop  }
__scs_overlays_trampoline_lowered:
0x8: {  	[smem:$0x3FA7] =	sst s0  }
0x9: {  	[smem:$0x3FA8] =	sst s1  }
0xa: {  	[smem:$0x3FA9] =	sst s2  }
0xb: {  	[smem:$0x3FAA] =	sst s3  }
0xc: {  	[smem:$0x3FAB] =	sst s4  }
0xd: {  	[smem:$0x3FAC] =	sst s5  }
0xe: {  	[smem:$0x3FAD] =	sst s6  }
0xf: {  	[smem:$0x3FAE] =	sst s7  }
0x10: {  	[smem:$0x3FAF] =	sst s8  }
0x11: {  	[smem:$0x3FB0] =	sst s9;
	s0 =	simm.s32 @!p0 $0x0  }
0x12: {  	s1 =	sld [smem:$0x3F96];
	s0 =	simm.s32 @p0 $0x1  }
0x13: {  	[smem:$0x3FB1] =	sst s0;
	s0 =	simm.s32 @!p1 $0x0  }
0x14: {  	s2 =	sld [smem:$0x3F95];
	s0 =	simm.s32 @p1 $0x1  }
0x15: {  	[smem:$0x3FB2] =	sst s0;
	s0 =	simm.s32 @!p2 $0x0  }
0x16: {  	s3 =	sld [smem:$0x3FDB];
	s0 =	simm.s32 @p2 $0x1  }
0x17: {  	s4 =	simm.s32 $0x1BF5;
	[smem:$0x3FB4] =	sst s0  }
0x18: {  	s0 =	sld [smem:$0x3F97];
	_ =	swait.ge [sflag:s4], $0x0  }
0x19: {  	s7 =	sld [smem:$0x3F98]  }
0x1a: {  	s8 =	sadd.s32 $0xFFFFE003, lr  }
0x1b: {  	s9 =	sadd.s32 $0xFFFFFEF7, lr;
	s5 =	simm.s32 $0xFFFFFFFF;
	p2 =	slt.u32 s8, $0xFFFFF086  }
0x1c: {  	p1 =	slt.u32 s9, $0xF7A;
	s5 =	simm.s32 @!p2 $0x0  }
0x1d: {  	s5 =	simm.s32 @p1 $0x1;
	p0 =	seq.s32 s7, s2  }
0x1e: {  	s7 =	smul.u32 @!p0 $0xF7A, s2;
	p2 =	seq.s32 @!p0 s5, $0x0  }
0x1f: {  	s9 =	smul.u32 $0xF7A, s1;
	s8 =	simm.s32 @!p0 $0x1BF5;
	p2 =	por !p2, p0  }
0x20: {  	[sflag:s8] =	ssyncset.s32 @!p0 $0xFFFFF086;
	s6 =	sadd.s32 @!p0 s3, s7;
	s7 =	simm.s32 @!p0 $0x108  }
0x21: {  	s3 =	sadd.s32 s3, s9;
	s6 =	sadd.s32 @!p0 $0x88, s6;
	s7 =	simm.s32 @p2 $0x1082  }
0x22: {  	[simem:s7], [sflag:s8] =	dma.local @!p0 [hbm:s6], $0xF7A  }
0x23: {  	s9 =	sor.u32 $0xD0000000, s2;
	s6 =	simm.s32 $0x108;
	_ =	swait.ge @!p0 [sflag:s8], $0x0  }
0x24: {  	s3 =	sadd.s32 $0x88, s3;
	s6 =	simm.s32 @!p1 $0x1082;
	[sflag:s4] =	ssyncset.s32 $0xFFFFF086  }
0x25: {  	[simem:s6], [sflag:s4] =	dma.local [hbm:s3], $0xF7A  }
0x26: {  	[smem:$0x3F98] =	sst s1;
	(tag) =	ssettag s2;
	_ =	strace s9  }
0x27: {  	s1 =	sld [smem:$0x3FA8]  }
0x28: {  	s2 =	sld [smem:$0x3FA9]  }
0x29: {  	s4 =	sld [smem:$0x3FAB]  }
0x2a: {  	p0 =	seq.s32 s5, $0x0;
	s5 =	sld [smem:$0x3FAC]  }
0x2b: {  	s6 =	sld [smem:$0x3FAD]  }
0x2c: {  	s7 =	sld [smem:$0x3FAE]  }
0x2d: {  	s3 =	simm.s32 $0x108;
	s8 =	sld [smem:$0x3FAF]  }
0x2e: {  	s3 =	simm.s32 @!p0 $0x1082;
	s9 =	sld [smem:$0x3FB0]  }
0x2f: {  	lr =	sadd.s32 s0, s3;
	s0 =	sld [smem:$0x3FA7]  }
0x30: {  	s3 =	sld [smem:$0x3FAA]  }
0x31: {  	[smem:$0x3FB3] =	sst s10  }
0x32: {  	s10 =	sld [smem:$0x3FB1];
	_ =	sdelay $0x3  }
0x33: {  	p0 =	seq.s32 s10, $0x1;
	s10 =	sld [smem:$0x3FB3];
	_ =	sdelay $0x3  }
0x34: {  	[smem:$0x3FB3] =	sst s10  }
0x35: {  	s10 =	sld [smem:$0x3FB2];
	_ =	sdelay $0x3  }
0x36: {  	p1 =	seq.s32 s10, $0x1;
	s10 =	sld [smem:$0x3FB3];
	_ =	sdelay $0x3  }
0x37: {  	[smem:$0x3FB3] =	sst s10  }
0x38: {  	s10 =	sld [smem:$0x3FB4]  }
0x39: {  	_ = 	snop;
	(pc) =	sbr.ind lr, $3  }
0x3a: {  	_ = 	snop  }
0x3b: {  	_ = 	snop  }
0x3c: {  	p2 =	seq.s32 s10, $0x1;
	s10 =	sld [smem:$0x3FB3]  }
0x3d: {  	_ =	shalt  }
0x3e: {  	_ =	shalt  }
0x3f: {  	_ =	shalt  }
0x40: {  	_ =	shalt  }
0x41: {  	_ =	shalt  }
0x42: {  	_ =	shalt  }
0x43: {  	_ =	shalt  }
0x44: {  	_ =	shalt  }
0x45: {  	_ =	shalt  }
0x46: {  	_ =	shalt  }
0x47: {  	_ =	shalt  }
0x48: {  	_ =	shalt  }
0x49: {  	_ =	shalt  }
0x4a: {  	_ =	shalt  }
0x4b: {  	_ =	shalt  }
0x4c: {  	_ =	shalt  }
0x4d: {  	_ =	shalt  }
0x4e: {  	_ =	shalt  }
0x4f: {  	_ =	shalt  }
0x50: {  	_ =	shalt  }
0x51: {  	_ =	shalt  }
0x52: {  	_ =	shalt  }
0x53: {  	_ =	shalt  }
0x54: {  	_ =	shalt  }
0x55: {  	_ =	shalt  }
0x56: {  	_ =	shalt  }
0x57: {  	_ =	shalt  }
0x58: {  	_ =	shalt  }
0x59: {  	_ =	shalt  }
0x5a: {  	_ =	shalt  }
0x5b: {  	_ =	shalt  }
0x5c: {  	_ =	shalt  }
0x5d: {  	_ =	shalt  }
0x5e: {  	_ =	shalt  }
0x5f: {  	_ =	shalt  }
0x60: {  	_ =	shalt  }
0x61: {  	_ =	shalt  }
0x62: {  	_ =	shalt  }
0x63: {  	_ =	shalt  }
0x64: {  	_ =	shalt  }
0x65: {  	_ =	shalt  }
0x66: {  	_ =	shalt  }
0x67: {  	_ =	shalt  }
0x68: {  	_ =	shalt  }
0x69: {  	_ =	shalt  }
0x6a: {  	_ =	shalt  }
0x6b: {  	_ =	shalt  }
0x6c: {  	_ =	shalt  }
0x6d: {  	_ =	shalt  }
0x6e: {  	_ =	shalt  }
0x6f: {  	_ =	shalt  }
0x70: {  	_ =	shalt  }
0x71: {  	_ =	shalt  }
0x72: {  	_ =	shalt  }
0x73: {  	_ =	shalt  }
0x74: {  	_ =	shalt  }
0x75: {  	_ =	shalt  }
0x76: {  	_ =	shalt  }
0x77: {  	_ =	shalt  }
0x78: {  	_ =	shalt  }
0x79: {  	_ =	shalt  }
0x7a: {  	_ =	shalt  }
0x7b: {  	_ =	shalt  }
0x7c: {  	_ =	shalt  }
0x7d: {  	_ =	shalt  }
0x7e: {  	_ =	shalt  }
0x7f: {  	_ =	shalt  }
0x80: {  	_ =	shalt  }
0x81: {  	_ =	shalt  }
0x82: {  	_ =	shalt  }
0x83: {  	_ =	shalt  }
0x84: {  	_ =	shalt  }
0x85: {  	_ =	shalt  }
0x86: {  	_ =	shalt  }
0x87: {  	_ =	shalt  }
.Lfunc_end0:
.L_simem_size_0:
called_computation_lowered:
.L_overlay_start_0:
0x88: {  	s2 =	sld [smem:$0x3FD9]  }
0x89: {  	s3 =	sld [smem:$0x3FFE];
	_ =	sdelay $0x1  }
0x8a: {  	s1 =	srdreg.scid  }
0x8b: {  	s0 =	sand.u32 $0x1, s1  }
0x8c: {  	s17 =	sshll.u32 s0, $0xA;
	s2 =	sadd.s32 s3, s2  }
0x8d: {  	s2 =	sadd.s32 s2, s17  }
0x8e: {  	[smem:$0x3FBF] =	sst s2  }
0x8f: {  	_ = 	snop  }
0x90: {  	s2 =	sld [smem:$0x3FD0];
	(tm) =	ssettm $0x1  }
0x91: {  	s18 =	sld [smem:$0x3FFB];
	_ =	sdelay $0x3  }
0x92: {  	_ =	strace s18  }
0x93: {  	s3 =	sld [smem:$0x3FFC];
	_ =	sdelay $0x3  }
0x94: {  	_ =	strace s3  }
0x95: {  	s3 =	sld [smem:$0x3FFD];
	_ =	sdelay $0x3  }
0x96: {  	_ =	strace s3  }
0x97: {  	_ =	strace $0x8FFFFFFF  }
0x98: {  	s19 =	sld [smem:$0x3FDB];
	_ =	sdelay $0x1  }
0x99: {  	s4 =	simm.s32 $_scs_section_size  }
0x9a: {  	s5 =	simm.s32 $_size__tile_overlayer_lowered;
	s6 =	simm.s32 $_tile_overlayer_lowered  }
0x9b: {  	s22 =	simm.s32 $0x1BFF;
	s21 =	sshll.u32 s6, $0x1;
	s3 =	sadd.s32 s4, s19  }
0x9c: {  	s7 =	simm.s32 $0x0;
	s20 =	sshll.u32 s5, $0x1;
	s5 =	sadd.s32 s21, s3  }
0x9d: {  	[timem:s7], [sflag:s22] =	dma.local [hbm:s5], s20  }
0x9e: {  	_ =	swait.ge [sflag:s22], s20  }
0x9f: {  	s4 =	ssub.s32 $0x0, s20;
	[sflag:s22] =	ssyncset.done $0x0  }
0xa0: {  	[sflag:s22] =	ssyncadd.s32 s4;
	_ =	sdelay $0x1  }
0xa1: {  	s23 =	simm.s32 $0x1B8B  }
0xa2: {  	_ =	swait.ge [sflag:s23], $0x1  }
0xa3: {  	[sflag:s23] =	ssyncset.done $0x0  }
0xa4: {  	s25 =	simm.s32 $0x1B8E;
	s24 =	sld [smem:$0x3FFE];
	[sflag:s23] =	ssyncadd.s32 $0xFFFFFFFF  }
0xa5: {  	s26 =	simm.s32 $execute0_lowered;
	[smem:$0x3FD2] =	sst s25  }
0xa6: {  	s5 =	sshll.u32 s26, $0x1;
	_ =	strace $0x80000046;
	[dreg:$0x1] =	wrdreg $0xFFFFFFFF  }
0xa7: {  	s28 =	simm.s32 $_size_execute0_lowered;
	s3 =	sadd.s32 s3, s5;
	[dreg:$0x0] =	wrdreg $0x0  }
0xa8: {  	s5 =	sshll.u32 s28, $0x1;
	[dreg:$0x2] =	wrdreg s3  }
0xa9: {  	[dreg:$0x3] =	wrdreg s5  }
0xaa: {  	[dreg:$0x4] =	wrdreg $0xC0  }
0xab: {  	_ =	task [dreg:s7], $0x5FFFF  }
0xac: {  	[dreg:$0x1] =	wrdreg $0xFFFFFFFF  }
0xad: {  	[dreg:$0x0] =	wrdreg $0x60  }
0xae: {  	[dreg:$0x2] =	wrdreg s2  }
0xaf: {  	[dreg:$0x3] =	wrdreg s24  }
0xb0: {  	[dreg:$0x4] =	wrdreg $0x9  }
0xb1: {  	_ =	task.clear_ibuf [dreg:s7], $0x5FFFF;
	_ =	strace $0x90000046  }
0xb2: {  	s29 =	simm.s32 $0x9;
	_ =	strace $0x80000048  }
0xb3: {  	_ =	swait.ge [sflag:s29], $0x1  }
0xb4: {  	[sflag:s29] =	ssyncadd.s32 $0xFFFFFFFF  }
0xb5: {  	_ =	strace $0x90000048  }
0xb6: {  	_ =	sfence  }
0xb7: {  	s30 =	sld [smem:$0x0];
	_ =	sdelay $0x2  }
0xb8: {  	s31 =	sshll.u32 s1, $0xD;
	s1 =	sshrl.u32 s1, $0x2  }
0xb9: {  	s3 =	sand.u32 $0x4000, s31;
	s1 =	sadd.s32 s1, s30  }
0xba: {  	s0 =	sor.u32 s3, s0;
	s1 =	sshll.u32 s1, $0x11  }
0xbb: {  	s0 =	sor.u32 s1, s0  }
0xbc: {  	s0 =	sadd.s32 $0x8F2B, s0  }
0xbd: {  	[sflag:s0] =	ssyncadd.remote.s32 $0x1  }
0xbe: {  	_ =	sfence.sel $0xFFFF  }
0xbf: {  	[dreg:$0x0] =	wrdreg $0xFFFFFFFF;
	(pc) =	sbr.abs _section_cstart, $3  }
0xc0: {  	[dreg:$0x1] =	wrdreg $0xFFFFFFFF  }
0xc1: {  	_ =	task.clear_ibuf [dreg:s7], $0x2FFFF;
	_ =	strace $0x9FFFFFFF  }
0xc2: {  	(tm) =	ssettm $0x7FFFFFFF  }
0xc3: {  	_ =	shalt  }
tec
execute0_lowered:
.L_overlay_start_1:
0x0: {  	(tag) =	ssettag $0x1  }
0x1: {  	s0 =	rddreg [dreg:$0x0];
	s1 =	srdreg.scid  }
0x2: {  	s13 =	stileid.u32;
	s4 =	rddreg [dreg:$0x1]  }
0x3: {  	s2 =	simm.s32 $0x0;
	s14 =	simm.s32 $0x80;
	s15 =	simm.s32 $0x1C00  }
0x4: {  	s16 =	simm.s32 $0x5C00;
	s18 =	simm.s32 $0x9C00;
	s19 =	simm.s32 $0x1  }
0x5: {  	s21 =	simm.s32 $0xDC00;
	s22 =	simm.s32 $0x2;
	s23 =	simm.s32 $0x5  }
0x6: {  	s24 =	simm.s32 $0x3;
	s28 =	simm.s32 $0x7;
	s29 =	simm.s32 $0x8  }
0x7: {  	s31 =	simm.s32 $0x1880;
	s1 =	sand.u32 $0x1, s1;
	s3 =	sshll.u32 s13, $0x1  }
0x8: {  	[smem:$0x7FF] =	sst s2;
	s26 =	smul.u32 $0x32000, s13;
	s5 =	sor.u32 s1, s3  }
0x9: {  	s11 =	sadd.s32 $0x188E00, s4;
	s13 =	simm.s32 $0x9;
	s6 =	smul.u32 $0x380, s5  }
0xa: {  	_ =	strace $0x80000047;
	s7 =	ssub.s32 $0x2, s1;
	s8 =	smul.u32 $0x19000, s5  }
0xb: {  	s3 =	sadd.s32 $0x2200, s4;
	s9 =	sshrl.u32 s7, $0x1;
	s10 =	smul.u32 $0xC8000, s5  }
0xc: {  	s1 =	smul.u32 $0x19000, s1;
	s12 =	ssub.s32 s7, s9;
	s5 =	sadd.s32 s11, s8  }
0xd: {  	s4 =	sadd.s32 s0, s6;
	s25 =	sshrl.u32 s10, $0x3;
	s6 =	sadd.s32 $0x800, s5  }
0xe: {  	s0 =	sadd.s32 s11, s25;
	s11 =	sadd.s32 s26, s11;
	s25 =	simm.s32 $0x6  }
0xf: {  	s26 =	simm.s32 $0x4;
	s7 =	sadd.s32 $0x17000, s0;
	s8 =	sadd.s32 $0x17800, s0  }
0x10: {  	s9 =	sadd.s32 $0x18000, s0;
	s10 =	sadd.s32 $0x18800, s0;
	s30 =	sadd.s32 s1, s11  }
0x11: {  	s11 =	smax.u32 s12, $0x1;
	s1 =	simm.s32 $0x0;
	s12 =	sadd.s32 $0x1800, s30  }
.LBB2_1:
0x12: {  	[tilespmem:s2], [sflag:$0x9] =	stream.linear.gather [hbm4b:s4+s2], $0x1900, $0x38;
	[tilespmem:$0x11C00] =	vst v63  }
0x13: {  	_ =	swait.ge [sflag:s13], $0x1900  }
0x14: {  	[sflag:s13] =	ssyncset.done $0x0  }
0x15: {  	[sflag:s13] =	ssyncadd.s32 $0xFFFFE700  }
0x16: {  	[tilespmem:s15], [sflag:$0x1] =	stream.indirect.gather [hbm4b:s3+s14], $0x80, s2, s14, $0xb8;
	[tilespmem:$0x11C00] =	vst v63  }
0x17: {  	_ = 	snop  }
0x18: {  	[tilespmem:s16], [sflag:$0x2] =	stream.indirect.gather [hbm4b:s3+s14], $0x80, s14, s14, $0xb8;
	[tilespmem:$0x11C00] =	vst v63  }
0x19: {  	s0 =	simm.s32 $0x100  }
0x1a: {  	[tilespmem:s18], [sflag:$0x3] =	stream.indirect.gather [hbm4b:s3+s14], $0x80, s0, s14, $0xb8;
	[tilespmem:$0x11C00] =	vst v63  }
0x1b: {  	_ =	swait.ge [sflag:s19], $0x4000  }
0x1c: {  	[sflag:s19] =	ssyncset.done $0x0  }
0x1d: {  	[sflag:s19] =	ssyncadd.s32 $0xFFFFC000  }
0x1e: {  	[hbm4b:s5+s2] =	stream.linear.scatter [tilespmem:s15], [sflag:$0x5], $0x4000, $0x38;
	[tilespmem:$0x11C00] =	vst v63  }
0x1f: {  	s30 =	simm.s32 $0x180  }
0x20: {  	[tilespmem:s21], [sflag:$0x4] =	stream.indirect.gather [hbm4b:s3+s14], $0x80, s30, s14, $0xb8;
	[tilespmem:$0x11C00] =	vst v63  }
0x21: {  	_ =	swait.ge [sflag:s22], $0x4000  }
0x22: {  	[sflag:s22] =	ssyncset.done $0x0  }
0x23: {  	[sflag:s22] =	ssyncadd.s32 $0xFFFFC000  }
0x24: {  	[hbm4b:s6+s2] =	stream.linear.scatter [tilespmem:s16], [sflag:$0x6], $0x4000, $0x38;
	[tilespmem:$0x11C00] =	vst v63  }
0x25: {  	_ =	swait.ge [sflag:s23], $0x4000  }
0x26: {  	[sflag:s23] =	ssyncset.done $0x0  }
0x27: {  	s17 =	simm.s32 $0x200;
	[sflag:s23] =	ssyncadd.s32 $0xFFFFC000  }
0x28: {  	[tilespmem:s15], [sflag:$0x1] =	stream.indirect.gather [hbm4b:s3+s14], $0x80, s17, s14, $0xb8;
	[tilespmem:$0x11C00] =	vst v63  }
0x29: {  	_ =	swait.ge [sflag:s24], $0x4000  }
0x2a: {  	[sflag:s24] =	ssyncset.done $0x0  }
0x2b: {  	s20 =	sadd.s32 $0xFFFFF800, s12;
	[sflag:s24] =	ssyncadd.s32 $0xFFFFC000  }
0x2c: {  	[hbm4b:s20+s2] =	stream.linear.scatter [tilespmem:s18], [sflag:$0x7], $0x4000, $0x38;
	[tilespmem:$0x11C00] =	vst v63  }
0x2d: {  	_ =	swait.ge [sflag:s25], $0x4000  }
0x2e: {  	[sflag:s25] =	ssyncset.done $0x0  }
0x2f: {  	s30 =	simm.s32 $0x280;
	[sflag:s25] =	ssyncadd.s32 $0xFFFFC000  }
0x30: {  	[tilespmem:s16], [sflag:$0x2] =	stream.indirect.gather [hbm4b:s3+s14], $0x80, s30, s14, $0xb8;
	[tilespmem:$0x11C00] =	vst v63  }
0x31: {  	_ =	swait.ge [sflag:s26], $0x4000  }
0x32: {  	[sflag:s26] =	ssyncset.done $0x0  }
0x33: {  	[sflag:s26] =	ssyncadd.s32 $0xFFFFC000  }
0x34: {  	[hbm4b:s12+s2] =	stream.linear.scatter [tilespmem:s21], [sflag:$0x8], $0x4000, $0x38;
	[tilespmem:$0x11C00] =	vst v63  }
0x35: {  	_ =	swait.ge [sflag:s28], $0x4000  }
0x36: {  	[sflag:s28] =	ssyncset.done $0x0  }
0x37: {  	s17 =	simm.s32 $0x300;
	[sflag:s28] =	ssyncadd.s32 $0xFFFFC000  }
0x38: {  	[tilespmem:s18], [sflag:$0x3] =	stream.indirect.gather [hbm4b:s3+s14], $0x80, s17, s14, $0xb8;
	[tilespmem:$0x11C00] =	vst v63  }
0x39: {  	_ =	swait.ge [sflag:s19], $0x4000  }
0x3a: {  	[sflag:s19] =	ssyncset.done $0x0  }
0x3b: {  	s20 =	sadd.s32 $0x800, s12;
	[sflag:s19] =	ssyncadd.s32 $0xFFFFC000  }
0x3c: {  	[hbm4b:s20+s2] =	stream.linear.scatter [tilespmem:s15], [sflag:$0x5], $0x4000, $0x38;
	[tilespmem:$0x11C00] =	vst v63  }
0x3d: {  	_ =	swait.ge [sflag:s29], $0x4000  }
0x3e: {  	[sflag:s29] =	ssyncset.done $0x0  }
0x3f: {  	s30 =	simm.s32 $0x380;
	[sflag:s29] =	ssyncadd.s32 $0xFFFFC000  }
0x40: {  	[tilespmem:s21], [sflag:$0x4] =	stream.indirect.gather [hbm4b:s3+s14], $0x80, s30, s14, $0xb8;
	[tilespmem:$0x11C00] =	vst v63  }
0x41: {  	_ =	swait.ge [sflag:s22], $0x4000  }
0x42: {  	s0 =	simm.s32 $0x800;
	[sflag:s22] =	ssyncset.done $0x0  }
0x43: {  	s17 =	sadd.s32 $0x2000, s12;
	s20 =	sadd.s32 $0x1000, s12;
	[sflag:s22] =	ssyncadd.s32 $0xFFFFC000  }
.LBB2_2:
0x44: {  	[hbm4b:s20+s2] =	stream.linear.scatter [tilespmem:s16], [sflag:$0x6], $0x4000, $0x38;
	[tilespmem:$0x11C00] =	vst v63  }
0x45: {  	s20 =	smov.u32 s0  }
0x46: {  	p0 =	sne.s32 s0, $0x5000;
	s0 =	sadd.s32 $0x800, s0;
	_ =	swait.ge [sflag:s23], $0x4000  }
0x47: {  	s20 =	sshra.s32 s20, $0x2;
	[sflag:s23] =	ssyncset.done $0x0  }
0x48: {  	s30 =	sadd.s32 $0x200, s20;
	[sflag:s23] =	ssyncadd.s32 $0xFFFFC000  }
0x49: {  	[tilespmem:s15], [sflag:$0x1] =	stream.indirect.gather [hbm4b:s3+s14], $0x80, s30, s14, $0xb8;
	[tilespmem:$0x11C00] =	vst v63  }
0x4a: {  	_ =	swait.ge [sflag:s24], $0x4000  }
0x4b: {  	[sflag:s24] =	ssyncset.done $0x0  }
0x4c: {  	s30 =	sadd.s32 $0xFFFFF800, s17;
	[sflag:s24] =	ssyncadd.s32 $0xFFFFC000  }
0x4d: {  	[hbm4b:s30+s2] =	stream.linear.scatter [tilespmem:s18], [sflag:$0x7], $0x4000, $0x38;
	[tilespmem:$0x11C00] =	vst v63  }
0x4e: {  	_ =	swait.ge [sflag:s25], $0x4000  }
0x4f: {  	[sflag:s25] =	ssyncset.done $0x0  }
0x50: {  	s30 =	sadd.s32 $0x280, s20;
	[sflag:s25] =	ssyncadd.s32 $0xFFFFC000  }
0x51: {  	[tilespmem:s16], [sflag:$0x2] =	stream.indirect.gather [hbm4b:s3+s14], $0x80, s30, s14, $0xb8;
	[tilespmem:$0x11C00] =	vst v63  }
0x52: {  	_ =	swait.ge [sflag:s26], $0x4000  }
0x53: {  	[sflag:s26] =	ssyncset.done $0x0  }
0x54: {  	[sflag:s26] =	ssyncadd.s32 $0xFFFFC000  }
0x55: {  	[hbm4b:s17+s2] =	stream.linear.scatter [tilespmem:s21], [sflag:$0x8], $0x4000, $0x38;
	[tilespmem:$0x11C00] =	vst v63  }
0x56: {  	_ =	swait.ge [sflag:s28], $0x4000  }
0x57: {  	[sflag:s28] =	ssyncset.done $0x0  }
0x58: {  	s30 =	sadd.s32 $0x300, s20;
	[sflag:s28] =	ssyncadd.s32 $0xFFFFC000  }
0x59: {  	[tilespmem:s18], [sflag:$0x3] =	stream.indirect.gather [hbm4b:s3+s14], $0x80, s30, s14, $0xb8;
	[tilespmem:$0x11C00] =	vst v63  }
0x5a: {  	_ =	swait.ge [sflag:s19], $0x4000  }
0x5b: {  	[sflag:s19] =	ssyncset.done $0x0  }
0x5c: {  	s30 =	sadd.s32 $0x800, s17;
	[sflag:s19] =	ssyncadd.s32 $0xFFFFC000  }
0x5d: {  	[hbm4b:s30+s2] =	stream.linear.scatter [tilespmem:s15], [sflag:$0x5], $0x4000, $0x38;
	[tilespmem:$0x11C00] =	vst v63  }
0x5e: {  	_ =	swait.ge [sflag:s29], $0x4000  }
0x5f: {  	[sflag:s29] =	ssyncset.done $0x0  }
.Ltmp0:
0x60: {  	s20 =	sadd.s32 $0x380, s20;
	[sflag:s29] =	ssyncadd.s32 $0xFFFFC000;
	(pc) =	sbr.rel @p0 .LBB2_2-.Ltmp0, $4  }
0x61: {  	[tilespmem:s21], [sflag:$0x4] =	stream.indirect.gather [hbm4b:s3+s14], $0x80, s20, s14, $0xb8;
	[tilespmem:$0x11C00] =	vst v63  }
0x62: {  	_ =	swait.ge [sflag:s22], $0x4000  }
0x63: {  	[sflag:s22] =	ssyncset.done $0x0  }
0x64: {  	s20 =	sadd.s32 $0x1000, s17;
	s17 =	sadd.s32 $0x2000, s17;
	[sflag:s22] =	ssyncadd.s32 $0xFFFFC000  }
0x65: {  	[hbm4b:s20+s2] =	stream.linear.scatter [tilespmem:s16], [sflag:$0x6], $0x4000, $0x38;
	[tilespmem:$0x11C00] =	vst v63  }
0x66: {  	_ =	swait.ge [sflag:s23], $0x4000  }
0x67: {  	[sflag:s23] =	ssyncset.done $0x0  }
0x68: {  	s0 =	simm.s32 $0x1800;
	[sflag:s23] =	ssyncadd.s32 $0xFFFFC000  }
0x69: {  	[tilespmem:s15], [sflag:$0x1] =	stream.indirect.gather [hbm4b:s3+s14], $0x80, s0, s14, $0xb8;
	[tilespmem:$0x11C00] =	vst v63  }
0x6a: {  	_ =	swait.ge [sflag:s24], $0x4000  }
0x6b: {  	[sflag:s24] =	ssyncset.done $0x0  }
0x6c: {  	[sflag:s24] =	ssyncadd.s32 $0xFFFFC000  }
0x6d: {  	[hbm4b:s7+s2] =	stream.linear.scatter [tilespmem:s18], [sflag:$0x7], $0x4000, $0x38;
	[tilespmem:$0x11C00] =	vst v63  }
0x6e: {  	_ =	swait.ge [sflag:s25], $0x4000  }
0x6f: {  	[sflag:s25] =	ssyncset.done $0x0  }
0x70: {  	[sflag:s25] =	ssyncadd.s32 $0xFFFFC000  }
0x71: {  	[tilespmem:s16], [sflag:$0x2] =	stream.indirect.gather [hbm4b:s3+s14], $0x80, s31, s14, $0xb8;
	[tilespmem:$0x11C00] =	vst v63  }
0x72: {  	_ =	swait.ge [sflag:s26], $0x4000  }
0x73: {  	[sflag:s26] =	ssyncset.done $0x0  }
0x74: {  	[sflag:s26] =	ssyncadd.s32 $0xFFFFC000  }
0x75: {  	[hbm4b:s8+s2] =	stream.linear.scatter [tilespmem:s21], [sflag:$0x8], $0x4000, $0x38;
	[tilespmem:$0x11C00] =	vst v63  }
0x76: {  	_ =	swait.ge [sflag:s19], $0x4000  }
0x77: {  	[sflag:s19] =	ssyncset.done $0x0  }
0x78: {  	[sflag:s19] =	ssyncadd.s32 $0xFFFFC000  }
0x79: {  	[hbm4b:s9+s2] =	stream.linear.scatter [tilespmem:s15], [sflag:$0x5], $0x4000, $0x38;
	[tilespmem:$0x11C00] =	vst v63  }
0x7a: {  	_ =	swait.ge [sflag:s22], $0x4000  }
0x7b: {  	[sflag:s22] =	ssyncset.done $0x0  }
0x7c: {  	[sflag:s22] =	ssyncadd.s32 $0xFFFFC000  }
0x7d: {  	[hbm4b:s10+s2] =	stream.linear.scatter [tilespmem:s16], [sflag:$0x6], $0x4000, $0x38;
	[tilespmem:$0x11C00] =	vst v63  }
0x7e: {  	_ =	swait.ge [sflag:s28], $0x4000  }
0x7f: {  	[sflag:s28] =	ssyncset.done $0x0  }
0x80: {  	[sflag:s28] =	ssyncadd.s32 $0xFFFFC000  }
0x81: {  	_ =	swait.ge [sflag:s29], $0x4000  }
0x82: {  	[sflag:s29] =	ssyncset.done $0x0  }
0x83: {  	s1 =	sadd.s32 $0x1, s1;
	[sflag:s29] =	ssyncadd.s32 $0xFFFFC000  }
0x84: {  	p0 =	sne.s32 s1, s11;
	_ =	swait.ge [sflag:s23], $0x4000  }
.Ltmp1:
0x85: {  	[sflag:s23] =	ssyncset.done $0x0;
	(pc) =	sbr.rel @p0 .LBB2_1-.Ltmp1, $4  }
0x86: {  	[sflag:s23] =	ssyncadd.s32 $0xFFFFC000  }
0x87: {  	_ =	swait.ge [sflag:s25], $0x4000  }
0x88: {  	[sflag:s25] =	ssyncset.done $0x0  }
0x89: {  	[sflag:s25] =	ssyncadd.s32 $0xFFFFC000  }
0x8a: {  	_ =	sfence.sel $0x180000  }
0x8b: {  	[bflag:$0x0] =	sbarrier.arrive $0xFFFF  }
0x8c: {  	_ =	strace $0x90000047  }
0x8d: {  	s0 =	stileid.u32;
	[bflag:$0x2] =	sbarrier.arrive $0xFFFF  }
0x8e: {  	p0 =	sne.s32 s0, $0x0;
	s0 =	rddreg [dreg:$0x2]  }
0x8f: {  	s0 =	sadd.s32 @!p0 $0x100000, s0  }
0x90: {  	[sflag:s0] =	ssyncadd.tile.s32 @!p0 $0x1;
	_ =	shalt  }
.Lfunc_end2:
_tile_overlayer_lowered:
.L_overlay_start_2:
0x91: {  	(tag) =	ssettag $0x2  }
0x92: {  	s0 =	rddreg [dreg:$0x0];
	s2 =	stileid.u32  }
0x93: {  	s1 =	rddreg [dreg:$0x1];
	p0 =	sne.s32 s2, $0x0  }
0x94: {  	s3 =	rddreg [dreg:$0x2];
	[bflag:$0x3] =	sbarrier.arrive $0xFFFF;
	s2 =	simm.s32 @!p0 $0x1C09  }
0x95: {  	[timem:s3], [sflag:s2] =	dma.local @!p0 [hbm:s0], s1  }
0x96: {  	s0 =	simm.s32 @!p0 $0x9  }
0x97: {  	_ =	swait.ge @!p0 [sflag:s0], s1  }
0x98: {  	s1 =	ssub.s32 @!p0 $0x0, s1;
	[sflag:s0] =	ssyncset.done @!p0 $0x0  }
0x99: {  	[sflag:s0] =	ssyncadd.s32 @!p0 s1  }
0x9a: {  	[bflag:$0x3] =	sbarrier.arrive $0xFFFF  }
0x9b: {  	_ =	shalt  }

// kernel: kernel.14.cloned.1.call-start
scs
__scs_entry_jumppad:
0x0: {  	(pc) =	sbr.rel $0x88, $3  }
0x1: {  	(tag) =	ssettag $0x0;
	lr =	simm.s32 $0x1  }
0x2: {  	[smem:$0x3F98] =	sst lr;
	_ =	strace $0xD0000000  }
0x3: {  	_ = 	snop  }
0x4: {  	_ = 	snop  }
0x5: {  	_ = 	snop  }
0x6: {  	_ = 	snop  }
0x7: {  	_ = 	snop  }
__scs_overlays_trampoline_lowered:
0x8: {  	[smem:$0x3FA7] =	sst s0  }
0x9: {  	[smem:$0x3FA8] =	sst s1  }
0xa: {  	[smem:$0x3FA9] =	sst s2  }
0xb: {  	[smem:$0x3FAA] =	sst s3  }
0xc: {  	[smem:$0x3FAB] =	sst s4  }
0xd: {  	[smem:$0x3FAC] =	sst s5  }
0xe: {  	[smem:$0x3FAD] =	sst s6  }
0xf: {  	[smem:$0x3FAE] =	sst s7  }
0x10: {  	[smem:$0x3FAF] =	sst s8  }
0x11: {  	[smem:$0x3FB0] =	sst s9;
	s0 =	simm.s32 @!p0 $0x0  }
0x12: {  	s1 =	sld [smem:$0x3F96];
	s0 =	simm.s32 @p0 $0x1  }
0x13: {  	[smem:$0x3FB1] =	sst s0;
	s0 =	simm.s32 @!p1 $0x0  }
0x14: {  	s2 =	sld [smem:$0x3F95];
	s0 =	simm.s32 @p1 $0x1  }
0x15: {  	[smem:$0x3FB2] =	sst s0;
	s0 =	simm.s32 @!p2 $0x0  }
0x16: {  	s3 =	sld [smem:$0x3FDB];
	s0 =	simm.s32 @p2 $0x1  }
0x17: {  	s4 =	simm.s32 $0x1BF5;
	[smem:$0x3FB4] =	sst s0  }
0x18: {  	s0 =	sld [smem:$0x3F97];
	_ =	swait.ge [sflag:s4], $0x0  }
0x19: {  	s7 =	sld [smem:$0x3F98]  }
0x1a: {  	s8 =	sadd.s32 $0xFFFFE003, lr  }
0x1b: {  	s9 =	sadd.s32 $0xFFFFFEF7, lr;
	s5 =	simm.s32 $0xFFFFFFFF;
	p2 =	slt.u32 s8, $0xFFFFF086  }
0x1c: {  	p1 =	slt.u32 s9, $0xF7A;
	s5 =	simm.s32 @!p2 $0x0  }
0x1d: {  	s5 =	simm.s32 @p1 $0x1;
	p0 =	seq.s32 s7, s2  }
0x1e: {  	s7 =	smul.u32 @!p0 $0xF7A, s2;
	p2 =	seq.s32 @!p0 s5, $0x0  }
0x1f: {  	s9 =	smul.u32 $0xF7A, s1;
	s8 =	simm.s32 @!p0 $0x1BF5;
	p2 =	por !p2, p0  }
0x20: {  	[sflag:s8] =	ssyncset.s32 @!p0 $0xFFFFF086;
	s6 =	sadd.s32 @!p0 s3, s7;
	s7 =	simm.s32 @!p0 $0x108  }
0x21: {  	s3 =	sadd.s32 s3, s9;
	s6 =	sadd.s32 @!p0 $0x88, s6;
	s7 =	simm.s32 @p2 $0x1082  }
0x22: {  	[simem:s7], [sflag:s8] =	dma.local @!p0 [hbm:s6], $0xF7A  }
0x23: {  	s9 =	sor.u32 $0xD0000000, s2;
	s6 =	simm.s32 $0x108;
	_ =	swait.ge @!p0 [sflag:s8], $0x0  }
0x24: {  	s3 =	sadd.s32 $0x88, s3;
	s6 =	simm.s32 @!p1 $0x1082;
	[sflag:s4] =	ssyncset.s32 $0xFFFFF086  }
0x25: {  	[simem:s6], [sflag:s4] =	dma.local [hbm:s3], $0xF7A  }
0x26: {  	[smem:$0x3F98] =	sst s1;
	(tag) =	ssettag s2;
	_ =	strace s9  }
0x27: {  	s1 =	sld [smem:$0x3FA8]  }
0x28: {  	s2 =	sld [smem:$0x3FA9]  }
0x29: {  	s4 =	sld [smem:$0x3FAB]  }
0x2a: {  	p0 =	seq.s32 s5, $0x0;
	s5 =	sld [smem:$0x3FAC]  }
0x2b: {  	s6 =	sld [smem:$0x3FAD]  }
0x2c: {  	s7 =	sld [smem:$0x3FAE]  }
0x2d: {  	s3 =	simm.s32 $0x108;
	s8 =	sld [smem:$0x3FAF]  }
0x2e: {  	s3 =	simm.s32 @!p0 $0x1082;
	s9 =	sld [smem:$0x3FB0]  }
0x2f: {  	lr =	sadd.s32 s0, s3;
	s0 =	sld [smem:$0x3FA7]  }
0x30: {  	s3 =	sld [smem:$0x3FAA]  }
0x31: {  	[smem:$0x3FB3] =	sst s10  }
0x32: {  	s10 =	sld [smem:$0x3FB1];
	_ =	sdelay $0x3  }
0x33: {  	p0 =	seq.s32 s10, $0x1;
	s10 =	sld [smem:$0x3FB3];
	_ =	sdelay $0x3  }
0x34: {  	[smem:$0x3FB3] =	sst s10  }
0x35: {  	s10 =	sld [smem:$0x3FB2];
	_ =	sdelay $0x3  }
0x36: {  	p1 =	seq.s32 s10, $0x1;
	s10 =	sld [smem:$0x3FB3];
	_ =	sdelay $0x3  }
0x37: {  	[smem:$0x3FB3] =	sst s10  }
0x38: {  	s10 =	sld [smem:$0x3FB4]  }
0x39: {  	_ = 	snop;
	(pc) =	sbr.ind lr, $3  }
0x3a: {  	_ = 	snop  }
0x3b: {  	_ = 	snop  }
0x3c: {  	p2 =	seq.s32 s10, $0x1;
	s10 =	sld [smem:$0x3FB3]  }
0x3d: {  	_ =	shalt  }
0x3e: {  	_ =	shalt  }
0x3f: {  	_ =	shalt  }
0x40: {  	_ =	shalt  }
0x41: {  	_ =	shalt  }
0x42: {  	_ =	shalt  }
0x43: {  	_ =	shalt  }
0x44: {  	_ =	shalt  }
0x45: {  	_ =	shalt  }
0x46: {  	_ =	shalt  }
0x47: {  	_ =	shalt  }
0x48: {  	_ =	shalt  }
0x49: {  	_ =	shalt  }
0x4a: {  	_ =	shalt  }
0x4b: {  	_ =	shalt  }
0x4c: {  	_ =	shalt  }
0x4d: {  	_ =	shalt  }
0x4e: {  	_ =	shalt  }
0x4f: {  	_ =	shalt  }
0x50: {  	_ =	shalt  }
0x51: {  	_ =	shalt  }
0x52: {  	_ =	shalt  }
0x53: {  	_ =	shalt  }
0x54: {  	_ =	shalt  }
0x55: {  	_ =	shalt  }
0x56: {  	_ =	shalt  }
0x57: {  	_ =	shalt  }
0x58: {  	_ =	shalt  }
0x59: {  	_ =	shalt  }
0x5a: {  	_ =	shalt  }
0x5b: {  	_ =	shalt  }
0x5c: {  	_ =	shalt  }
0x5d: {  	_ =	shalt  }
0x5e: {  	_ =	shalt  }
0x5f: {  	_ =	shalt  }
0x60: {  	_ =	shalt  }
0x61: {  	_ =	shalt  }
0x62: {  	_ =	shalt  }
0x63: {  	_ =	shalt  }
0x64: {  	_ =	shalt  }
0x65: {  	_ =	shalt  }
0x66: {  	_ =	shalt  }
0x67: {  	_ =	shalt  }
0x68: {  	_ =	shalt  }
0x69: {  	_ =	shalt  }
0x6a: {  	_ =	shalt  }
0x6b: {  	_ =	shalt  }
0x6c: {  	_ =	shalt  }
0x6d: {  	_ =	shalt  }
0x6e: {  	_ =	shalt  }
0x6f: {  	_ =	shalt  }
0x70: {  	_ =	shalt  }
0x71: {  	_ =	shalt  }
0x72: {  	_ =	shalt  }
0x73: {  	_ =	shalt  }
0x74: {  	_ =	shalt  }
0x75: {  	_ =	shalt  }
0x76: {  	_ =	shalt  }
0x77: {  	_ =	shalt  }
0x78: {  	_ =	shalt  }
0x79: {  	_ =	shalt  }
0x7a: {  	_ =	shalt  }
0x7b: {  	_ =	shalt  }
0x7c: {  	_ =	shalt  }
0x7d: {  	_ =	shalt  }
0x7e: {  	_ =	shalt  }
0x7f: {  	_ =	shalt  }
0x80: {  	_ =	shalt  }
0x81: {  	_ =	shalt  }
0x82: {  	_ =	shalt  }
0x83: {  	_ =	shalt  }
0x84: {  	_ =	shalt  }
0x85: {  	_ =	shalt  }
0x86: {  	_ =	shalt  }
0x87: {  	_ =	shalt  }
.Lfunc_end0:
.L_simem_size_0:
called_computation.1_lowered:
.L_overlay_start_0:
0x88: {  	s2 =	sld [smem:$0x3FD9]  }
0x89: {  	s3 =	sld [smem:$0x3FFE];
	_ =	sdelay $0x1  }
0x8a: {  	s1 =	srdreg.scid  }
0x8b: {  	s0 =	sand.u32 $0x1, s1  }
0x8c: {  	s17 =	sshll.u32 s0, $0xA;
	s2 =	sadd.s32 s3, s2  }
0x8d: {  	s2 =	sadd.s32 s2, s17  }
0x8e: {  	[smem:$0x3FBF] =	sst s2  }
0x8f: {  	_ = 	snop  }
0x90: {  	(tm) =	ssettm $0x1  }
0x91: {  	s18 =	sld [smem:$0x3FFB];
	_ =	sdelay $0x3  }
0x92: {  	_ =	strace s18  }
0x93: {  	s2 =	sld [smem:$0x3FFC];
	_ =	sdelay $0x3  }
0x94: {  	_ =	strace s2  }
0x95: {  	s2 =	sld [smem:$0x3FFD];
	_ =	sdelay $0x3  }
0x96: {  	_ =	strace s2  }
0x97: {  	_ =	strace $0x8FFFFFFF  }
0x98: {  	s19 =	sld [smem:$0x3FDB];
	_ =	sdelay $0x1  }
0x99: {  	s20 =	simm.s32 $_scs_section_size  }
0x9a: {  	s4 =	simm.s32 $_size__tile_overlayer_lowered;
	s5 =	simm.s32 $_tile_overlayer_lowered  }
0x9b: {  	s6 =	simm.s32 $0x1BFF;
	s21 =	sshll.u32 s5, $0x1;
	s3 =	sadd.s32 s20, s19  }
0x9c: {  	s22 =	simm.s32 $0x0;
	s4 =	sshll.u32 s4, $0x1;
	s5 =	sadd.s32 s21, s3  }
0x9d: {  	[timem:s22], [sflag:s6] =	dma.local [hbm:s5], s4  }
0x9e: {  	_ =	swait.ge [sflag:s6], s4  }
0x9f: {  	s4 =	ssub.s32 $0x0, s4;
	[sflag:s6] =	ssyncset.done $0x0  }
0xa0: {  	[sflag:s6] =	ssyncadd.s32 s4;
	_ =	sdelay $0x1  }
0xa1: {  	s23 =	simm.s32 $0x1B8B  }
0xa2: {  	_ =	swait.ge [sflag:s23], $0x1  }
0xa3: {  	[sflag:s23] =	ssyncset.done $0x0  }
0xa4: {  	[sflag:s23] =	ssyncadd.s32 $0xFFFFFFFF  }
0xa5: {  	s4 =	sld [smem:$0x0]  }
0xa6: {  	s5 =	sand.u32 $0xFFFFFFFE, s1  }
0xa7: {  	p0 =	sne.s32 s1, s5  }
0xa8: {  	s5 =	sshll.u32 @p0 s5, $0xE  }
0xa9: {  	s5 =	sadd.s32 @p0 $0x11B8D, s5;
	s6 =	sshll.u32 @p0 s4, $0x11  }
0xaa: {  	s5 =	sor.u32 @p0 s6, s5  }
0xab: {  	[sflag:s5] =	ssyncadd.remote.s32 @p0 $0x1;
	_ =	sdelay $0x1  }
0xac: {  	s5 =	simm.s32 @p0 $0x1B8D  }
0xad: {  	_ =	swait.eq @p0 [sflag:s5], $0x1  }
0xae: {  	[sflag:s5] =	ssyncadd.s32 @p0 $0xFFFFFFFF  }
0xaf: {  	s6 =	sshll.u32 @!p0 s1, $0xE  }
0xb0: {  	s6 =	sor.u32 @!p0 $0x4000, s6;
	s5 =	simm.s32 @!p0 $0x1B8D  }
0xb1: {  	s4 =	sshll.u32 @!p0 s4, $0x11;
	s6 =	sadd.s32 @!p0 $0x11B8D, s6;
	_ =	swait.eq @!p0 [sflag:s5], $0x1  }
0xb2: {  	s4 =	sor.u32 @!p0 s4, s6;
	[sflag:s5] =	ssyncadd.s32 @!p0 $0xFFFFFFFF  }
0xb3: {  	s25 =	simm.s32 $0x1B8E;
	s24 =	sld [smem:$0x3FFE];
	[sflag:s4] =	ssyncadd.remote.s32 @!p0 $0x1  }
0xb4: {  	s26 =	simm.s32 $execute0_lowered;
	[smem:$0x3FD2] =	sst s25  }
0xb5: {  	s5 =	sshll.u32 s26, $0x1;
	_ =	strace $0x80000049;
	[dreg:$0x1] =	wrdreg $0xFFFFFFFF  }
0xb6: {  	s28 =	simm.s32 $_size_execute0_lowered;
	s3 =	sadd.s32 s3, s5;
	[dreg:$0x0] =	wrdreg $0x0  }
0xb7: {  	s5 =	sshll.u32 s28, $0x1;
	[dreg:$0x2] =	wrdreg s3  }
0xb8: {  	[dreg:$0x3] =	wrdreg s5  }
0xb9: {  	[dreg:$0x4] =	wrdreg $0xC0  }
0xba: {  	_ =	task [dreg:s22], $0x5FFFF  }
0xbb: {  	[dreg:$0x1] =	wrdreg $0xFFFFFFFF  }
0xbc: {  	[dreg:$0x0] =	wrdreg $0x60  }
0xbd: {  	[dreg:$0x2] =	wrdreg s24  }
0xbe: {  	[dreg:$0x3] =	wrdreg $0xA  }
0xbf: {  	_ =	task.clear_ibuf [dreg:s22], $0x4FFFF;
	_ =	strace $0x90000049  }
0xc0: {  	s29 =	simm.s32 $0xA;
	_ =	strace $0x8000004B  }
0xc1: {  	_ =	swait.ge [sflag:s29], $0x1  }
0xc2: {  	[sflag:s29] =	ssyncadd.s32 $0xFFFFFFFF  }
0xc3: {  	_ =	strace $0x9000004B  }
0xc4: {  	_ =	sfence  }
0xc5: {  	s30 =	sld [smem:$0x0];
	_ =	sdelay $0x2  }
0xc6: {  	s31 =	sshll.u32 s1, $0xD;
	s1 =	sshrl.u32 s1, $0x2  }
0xc7: {  	s4 =	sand.u32 $0x4000, s31;
	s1 =	sadd.s32 s1, s30  }
0xc8: {  	s0 =	sor.u32 s4, s0;
	s1 =	sshll.u32 s1, $0x11  }
0xc9: {  	s0 =	sor.u32 s1, s0  }
0xca: {  	s0 =	sadd.s32 $0x8F2B, s0  }
0xcb: {  	[sflag:s0] =	ssyncadd.remote.s32 $0x1  }
0xcc: {  	_ =	sfence.sel $0xFFFF  }
0xcd: {  	[dreg:$0x0] =	wrdreg $0xFFFFFFFF;
	(pc) =	sbr.abs _section_cstart, $3  }
0xce: {  	[dreg:$0x1] =	wrdreg $0xFFFFFFFF  }
0xcf: {  	_ =	task.clear_ibuf [dreg:s22], $0x2FFFF;
	_ =	strace $0x9FFFFFFF  }
0xd0: {  	(tm) =	ssettm $0x7FFFFFFF  }
0xd1: {  	_ =	shalt  }
tec
execute0_lowered:
.L_overlay_start_1:
0x0: {  	(tag) =	ssettag $0x1  }
0x1: {  	s0 =	srdreg.scid  }
0x2: {  	s10 =	stileid.u32;
	s1 =	rddreg [dreg:$0x0];
	s2 =	simm.s32 $0x0  }
0x3: {  	s13 =	simm.s32 $0x9;
	s14 =	simm.s32 $0x80;
	s15 =	simm.s32 $0x1C00  }
0x4: {  	s16 =	simm.s32 $0x5C00;
	s18 =	simm.s32 $0x9C00;
	s19 =	simm.s32 $0x1  }
0x5: {  	s21 =	simm.s32 $0xDC00;
	s22 =	simm.s32 $0x2;
	s23 =	simm.s32 $0x5  }
0x6: {  	s24 =	simm.s32 $0x3;
	s28 =	simm.s32 $0x7;
	s29 =	simm.s32 $0x8  }
0x7: {  	s0 =	sand.u32 $0x1, s0;
	s3 =	sshll.u32 s10, $0x1;
	s26 =	smul.u32 $0x32000, s10  }
0x8: {  	s4 =	sor.u32 s0, s3;
	s6 =	ssub.s32 $0x2, s0;
	s0 =	smul.u32 $0x19000, s0  }
0x9: {  	s31 =	simm.s32 $0x1880;
	[smem:$0x7FF] =	sst s2;
	s3 =	smul.u32 $0x380, s4  }
0xa: {  	_ =	strace $0x8000004A;
	s8 =	sshrl.u32 s6, $0x1;
	s9 =	smul.u32 $0xC8000, s4  }
0xb: {  	s7 =	smul.u32 $0x19000, s4;
	s11 =	ssub.s32 s6, s8;
	s5 =	sadd.s32 s3, s1  }
0xc: {  	s3 =	sadd.s32 $0x2200, s1;
	s1 =	sadd.s32 $0x4BDE00, s1;
	s25 =	sshrl.u32 s9, $0x3  }
0xd: {  	s11 =	smax.u32 s11, $0x1;
	s4 =	sadd.s32 $0x4A8E00, s5;
	s5 =	sadd.s32 s1, s7  }
0xe: {  	s30 =	sadd.s32 s1, s25;
	s1 =	sadd.s32 s26, s1;
	s25 =	simm.s32 $0x6  }
0xf: {  	s26 =	simm.s32 $0x4;
	s6 =	sadd.s32 $0x800, s5;
	s7 =	sadd.s32 $0x17000, s30  }
0x10: {  	s8 =	sadd.s32 $0x17800, s30;
	s9 =	sadd.s32 $0x18000, s30;
	s0 =	sadd.s32 s0, s1  }
0x11: {  	s10 =	sadd.s32 $0x18800, s30;
	s1 =	simm.s32 $0x0;
	s12 =	sadd.s32 $0x1800, s0  }
.LBB2_1:
0x12: {  	[tilespmem:s2], [sflag:$0x9] =	stream.linear.gather [hbm4b:s4+s2], $0x1900, $0x38;
	[tilespmem:$0x11C00] =	vst v63  }
0x13: {  	_ =	swait.ge [sflag:s13], $0x1900  }
0x14: {  	[sflag:s13] =	ssyncset.done $0x0  }
0x15: {  	[sflag:s13] =	ssyncadd.s32 $0xFFFFE700  }
0x16: {  	[tilespmem:s15], [sflag:$0x1] =	stream.indirect.gather [hbm4b:s3+s14], $0x80, s2, s14, $0xb8;
	[tilespmem:$0x11C00] =	vst v63  }
0x17: {  	_ = 	snop  }
0x18: {  	[tilespmem:s16], [sflag:$0x2] =	stream.indirect.gather [hbm4b:s3+s14], $0x80, s14, s14, $0xb8;
	[tilespmem:$0x11C00] =	vst v63  }
0x19: {  	s0 =	simm.s32 $0x100  }
0x1a: {  	[tilespmem:s18], [sflag:$0x3] =	stream.indirect.gather [hbm4b:s3+s14], $0x80, s0, s14, $0xb8;
	[tilespmem:$0x11C00] =	vst v63  }
0x1b: {  	_ =	swait.ge [sflag:s19], $0x4000  }
0x1c: {  	[sflag:s19] =	ssyncset.done $0x0  }
0x1d: {  	[sflag:s19] =	ssyncadd.s32 $0xFFFFC000  }
0x1e: {  	[hbm4b:s5+s2] =	stream.linear.scatter [tilespmem:s15], [sflag:$0x5], $0x4000, $0x38;
	[tilespmem:$0x11C00] =	vst v63  }
0x1f: {  	s30 =	simm.s32 $0x180  }
0x20: {  	[tilespmem:s21], [sflag:$0x4] =	stream.indirect.gather [hbm4b:s3+s14], $0x80, s30, s14, $0xb8;
	[tilespmem:$0x11C00] =	vst v63  }
0x21: {  	_ =	swait.ge [sflag:s22], $0x4000  }
0x22: {  	[sflag:s22] =	ssyncset.done $0x0  }
0x23: {  	[sflag:s22] =	ssyncadd.s32 $0xFFFFC000  }
0x24: {  	[hbm4b:s6+s2] =	stream.linear.scatter [tilespmem:s16], [sflag:$0x6], $0x4000, $0x38;
	[tilespmem:$0x11C00] =	vst v63  }
0x25: {  	_ =	swait.ge [sflag:s23], $0x4000  }
0x26: {  	[sflag:s23] =	ssyncset.done $0x0  }
0x27: {  	s17 =	simm.s32 $0x200;
	[sflag:s23] =	ssyncadd.s32 $0xFFFFC000  }
0x28: {  	[tilespmem:s15], [sflag:$0x1] =	stream.indirect.gather [hbm4b:s3+s14], $0x80, s17, s14, $0xb8;
	[tilespmem:$0x11C00] =	vst v63  }
0x29: {  	_ =	swait.ge [sflag:s24], $0x4000  }
0x2a: {  	[sflag:s24] =	ssyncset.done $0x0  }
0x2b: {  	s20 =	sadd.s32 $0xFFFFF800, s12;
	[sflag:s24] =	ssyncadd.s32 $0xFFFFC000  }
0x2c: {  	[hbm4b:s20+s2] =	stream.linear.scatter [tilespmem:s18], [sflag:$0x7], $0x4000, $0x38;
	[tilespmem:$0x11C00] =	vst v63  }
0x2d: {  	_ =	swait.ge [sflag:s25], $0x4000  }
0x2e: {  	[sflag:s25] =	ssyncset.done $0x0  }
0x2f: {  	s30 =	simm.s32 $0x280;
	[sflag:s25] =	ssyncadd.s32 $0xFFFFC000  }
0x30: {  	[tilespmem:s16], [sflag:$0x2] =	stream.indirect.gather [hbm4b:s3+s14], $0x80, s30, s14, $0xb8;
	[tilespmem:$0x11C00] =	vst v63  }
0x31: {  	_ =	swait.ge [sflag:s26], $0x4000  }
0x32: {  	[sflag:s26] =	ssyncset.done $0x0  }
0x33: {  	[sflag:s26] =	ssyncadd.s32 $0xFFFFC000  }
0x34: {  	[hbm4b:s12+s2] =	stream.linear.scatter [tilespmem:s21], [sflag:$0x8], $0x4000, $0x38;
	[tilespmem:$0x11C00] =	vst v63  }
0x35: {  	_ =	swait.ge [sflag:s28], $0x4000  }
0x36: {  	[sflag:s28] =	ssyncset.done $0x0  }
0x37: {  	s17 =	simm.s32 $0x300;
	[sflag:s28] =	ssyncadd.s32 $0xFFFFC000  }
0x38: {  	[tilespmem:s18], [sflag:$0x3] =	stream.indirect.gather [hbm4b:s3+s14], $0x80, s17, s14, $0xb8;
	[tilespmem:$0x11C00] =	vst v63  }
0x39: {  	_ =	swait.ge [sflag:s19], $0x4000  }
0x3a: {  	[sflag:s19] =	ssyncset.done $0x0  }
0x3b: {  	s20 =	sadd.s32 $0x800, s12;
	[sflag:s19] =	ssyncadd.s32 $0xFFFFC000  }
0x3c: {  	[hbm4b:s20+s2] =	stream.linear.scatter [tilespmem:s15], [sflag:$0x5], $0x4000, $0x38;
	[tilespmem:$0x11C00] =	vst v63  }
0x3d: {  	_ =	swait.ge [sflag:s29], $0x4000  }
0x3e: {  	[sflag:s29] =	ssyncset.done $0x0  }
0x3f: {  	s30 =	simm.s32 $0x380;
	[sflag:s29] =	ssyncadd.s32 $0xFFFFC000  }
0x40: {  	[tilespmem:s21], [sflag:$0x4] =	stream.indirect.gather [hbm4b:s3+s14], $0x80, s30, s14, $0xb8;
	[tilespmem:$0x11C00] =	vst v63  }
0x41: {  	_ =	swait.ge [sflag:s22], $0x4000  }
0x42: {  	s0 =	simm.s32 $0x800;
	[sflag:s22] =	ssyncset.done $0x0  }
0x43: {  	s17 =	sadd.s32 $0x2000, s12;
	s20 =	sadd.s32 $0x1000, s12;
	[sflag:s22] =	ssyncadd.s32 $0xFFFFC000  }
.LBB2_2:
0x44: {  	[hbm4b:s20+s2] =	stream.linear.scatter [tilespmem:s16], [sflag:$0x6], $0x4000, $0x38;
	[tilespmem:$0x11C00] =	vst v63  }
0x45: {  	s20 =	smov.u32 s0  }
0x46: {  	p0 =	sne.s32 s0, $0x5000;
	s0 =	sadd.s32 $0x800, s0;
	_ =	swait.ge [sflag:s23], $0x4000  }
0x47: {  	s20 =	sshra.s32 s20, $0x2;
	[sflag:s23] =	ssyncset.done $0x0  }
0x48: {  	s30 =	sadd.s32 $0x200, s20;
	[sflag:s23] =	ssyncadd.s32 $0xFFFFC000  }
0x49: {  	[tilespmem:s15], [sflag:$0x1] =	stream.indirect.gather [hbm4b:s3+s14], $0x80, s30, s14, $0xb8;
	[tilespmem:$0x11C00] =	vst v63  }
0x4a: {  	_ =	swait.ge [sflag:s24], $0x4000  }
0x4b: {  	[sflag:s24] =	ssyncset.done $0x0  }
0x4c: {  	s30 =	sadd.s32 $0xFFFFF800, s17;
	[sflag:s24] =	ssyncadd.s32 $0xFFFFC000  }
0x4d: {  	[hbm4b:s30+s2] =	stream.linear.scatter [tilespmem:s18], [sflag:$0x7], $0x4000, $0x38;
	[tilespmem:$0x11C00] =	vst v63  }
0x4e: {  	_ =	swait.ge [sflag:s25], $0x4000  }
0x4f: {  	[sflag:s25] =	ssyncset.done $0x0  }
0x50: {  	s30 =	sadd.s32 $0x280, s20;
	[sflag:s25] =	ssyncadd.s32 $0xFFFFC000  }
0x51: {  	[tilespmem:s16], [sflag:$0x2] =	stream.indirect.gather [hbm4b:s3+s14], $0x80, s30, s14, $0xb8;
	[tilespmem:$0x11C00] =	vst v63  }
0x52: {  	_ =	swait.ge [sflag:s26], $0x4000  }
0x53: {  	[sflag:s26] =	ssyncset.done $0x0  }
0x54: {  	[sflag:s26] =	ssyncadd.s32 $0xFFFFC000  }
0x55: {  	[hbm4b:s17+s2] =	stream.linear.scatter [tilespmem:s21], [sflag:$0x8], $0x4000, $0x38;
	[tilespmem:$0x11C00] =	vst v63  }
0x56: {  	_ =	swait.ge [sflag:s28], $0x4000  }
0x57: {  	[sflag:s28] =	ssyncset.done $0x0  }
0x58: {  	s30 =	sadd.s32 $0x300, s20;
	[sflag:s28] =	ssyncadd.s32 $0xFFFFC000  }
0x59: {  	[tilespmem:s18], [sflag:$0x3] =	stream.indirect.gather [hbm4b:s3+s14], $0x80, s30, s14, $0xb8;
	[tilespmem:$0x11C00] =	vst v63  }
0x5a: {  	_ =	swait.ge [sflag:s19], $0x4000  }
0x5b: {  	[sflag:s19] =	ssyncset.done $0x0  }
0x5c: {  	s30 =	sadd.s32 $0x800, s17;
	[sflag:s19] =	ssyncadd.s32 $0xFFFFC000  }
0x5d: {  	[hbm4b:s30+s2] =	stream.linear.scatter [tilespmem:s15], [sflag:$0x5], $0x4000, $0x38;
	[tilespmem:$0x11C00] =	vst v63  }
0x5e: {  	_ =	swait.ge [sflag:s29], $0x4000  }
0x5f: {  	[sflag:s29] =	ssyncset.done $0x0  }
.Ltmp0:
0x60: {  	s20 =	sadd.s32 $0x380, s20;
	[sflag:s29] =	ssyncadd.s32 $0xFFFFC000;
	(pc) =	sbr.rel @p0 .LBB2_2-.Ltmp0, $4  }
0x61: {  	[tilespmem:s21], [sflag:$0x4] =	stream.indirect.gather [hbm4b:s3+s14], $0x80, s20, s14, $0xb8;
	[tilespmem:$0x11C00] =	vst v63  }
0x62: {  	_ =	swait.ge [sflag:s22], $0x4000  }
0x63: {  	[sflag:s22] =	ssyncset.done $0x0  }
0x64: {  	s20 =	sadd.s32 $0x1000, s17;
	s17 =	sadd.s32 $0x2000, s17;
	[sflag:s22] =	ssyncadd.s32 $0xFFFFC000  }
0x65: {  	[hbm4b:s20+s2] =	stream.linear.scatter [tilespmem:s16], [sflag:$0x6], $0x4000, $0x38;
	[tilespmem:$0x11C00] =	vst v63  }
0x66: {  	_ =	swait.ge [sflag:s23], $0x4000  }
0x67: {  	[sflag:s23] =	ssyncset.done $0x0  }
0x68: {  	s0 =	simm.s32 $0x1800;
	[sflag:s23] =	ssyncadd.s32 $0xFFFFC000  }
0x69: {  	[tilespmem:s15], [sflag:$0x1] =	stream.indirect.gather [hbm4b:s3+s14], $0x80, s0, s14, $0xb8;
	[tilespmem:$0x11C00] =	vst v63  }
0x6a: {  	_ =	swait.ge [sflag:s24], $0x4000  }
0x6b: {  	[sflag:s24] =	ssyncset.done $0x0  }
0x6c: {  	[sflag:s24] =	ssyncadd.s32 $0xFFFFC000  }
0x6d: {  	[hbm4b:s7+s2] =	stream.linear.scatter [tilespmem:s18], [sflag:$0x7], $0x4000, $0x38;
	[tilespmem:$0x11C00] =	vst v63  }
0x6e: {  	_ =	swait.ge [sflag:s25], $0x4000  }
0x6f: {  	[sflag:s25] =	ssyncset.done $0x0  }
0x70: {  	[sflag:s25] =	ssyncadd.s32 $0xFFFFC000  }
0x71: {  	[tilespmem:s16], [sflag:$0x2] =	stream.indirect.gather [hbm4b:s3+s14], $0x80, s31, s14, $0xb8;
	[tilespmem:$0x11C00] =	vst v63  }
0x72: {  	_ =	swait.ge [sflag:s26], $0x4000  }
0x73: {  	[sflag:s26] =	ssyncset.done $0x0  }
0x74: {  	[sflag:s26] =	ssyncadd.s32 $0xFFFFC000  }
0x75: {  	[hbm4b:s8+s2] =	stream.linear.scatter [tilespmem:s21], [sflag:$0x8], $0x4000, $0x38;
	[tilespmem:$0x11C00] =	vst v63  }
0x76: {  	_ =	swait.ge [sflag:s19], $0x4000  }
0x77: {  	[sflag:s19] =	ssyncset.done $0x0  }
0x78: {  	[sflag:s19] =	ssyncadd.s32 $0xFFFFC000  }
0x79: {  	[hbm4b:s9+s2] =	stream.linear.scatter [tilespmem:s15], [sflag:$0x5], $0x4000, $0x38;
	[tilespmem:$0x11C00] =	vst v63  }
0x7a: {  	_ =	swait.ge [sflag:s22], $0x4000  }
0x7b: {  	[sflag:s22] =	ssyncset.done $0x0  }
0x7c: {  	[sflag:s22] =	ssyncadd.s32 $0xFFFFC000  }
0x7d: {  	[hbm4b:s10+s2] =	stream.linear.scatter [tilespmem:s16], [sflag:$0x6], $0x4000, $0x38;
	[tilespmem:$0x11C00] =	vst v63  }
0x7e: {  	_ =	swait.ge [sflag:s28], $0x4000  }
0x7f: {  	[sflag:s28] =	ssyncset.done $0x0  }
0x80: {  	[sflag:s28] =	ssyncadd.s32 $0xFFFFC000  }
0x81: {  	_ =	swait.ge [sflag:s29], $0x4000  }
0x82: {  	[sflag:s29] =	ssyncset.done $0x0  }
0x83: {  	s1 =	sadd.s32 $0x1, s1;
	[sflag:s29] =	ssyncadd.s32 $0xFFFFC000  }
0x84: {  	p0 =	sne.s32 s1, s11;
	_ =	swait.ge [sflag:s23], $0x4000  }
.Ltmp1:
0x85: {  	[sflag:s23] =	ssyncset.done $0x0;
	(pc) =	sbr.rel @p0 .LBB2_1-.Ltmp1, $4  }
0x86: {  	[sflag:s23] =	ssyncadd.s32 $0xFFFFC000  }
0x87: {  	_ =	swait.ge [sflag:s25], $0x4000  }
0x88: {  	[sflag:s25] =	ssyncset.done $0x0  }
0x89: {  	[sflag:s25] =	ssyncadd.s32 $0xFFFFC000  }
0x8a: {  	_ =	sfence.sel $0x180000  }
0x8b: {  	[bflag:$0x0] =	sbarrier.arrive $0xFFFF  }
0x8c: {  	_ =	strace $0x9000004A  }
0x8d: {  	s0 =	stileid.u32;
	[bflag:$0x2] =	sbarrier.arrive $0xFFFF  }
0x8e: {  	p0 =	sne.s32 s0, $0x0;
	s0 =	rddreg [dreg:$0x1]  }
0x8f: {  	s0 =	sadd.s32 @!p0 $0x100000, s0  }
0x90: {  	[sflag:s0] =	ssyncadd.tile.s32 @!p0 $0x1;
	_ =	shalt  }
.Lfunc_end2:
_tile_overlayer_lowered:
.L_overlay_start_2:
0x91: {  	(tag) =	ssettag $0x2  }
0x92: {  	s0 =	rddreg [dreg:$0x0];
	s2 =	stileid.u32  }
0x93: {  	s1 =	rddreg [dreg:$0x1];
	p0 =	sne.s32 s2, $0x0  }
0x94: {  	s3 =	rddreg [dreg:$0x2];
	[bflag:$0x3] =	sbarrier.arrive $0xFFFF;
	s2 =	simm.s32 @!p0 $0x1C09  }
0x95: {  	[timem:s3], [sflag:s2] =	dma.local @!p0 [hbm:s0], s1  }
0x96: {  	s0 =	simm.s32 @!p0 $0x9  }
0x97: {  	_ =	swait.ge @!p0 [sflag:s0], s1  }
0x98: {  	s1 =	ssub.s32 @!p0 $0x0, s1;
	[sflag:s0] =	ssyncset.done @!p0 $0x0  }
0x99: {  	[sflag:s0] =	ssyncadd.s32 @!p0 s1  }
0x9a: {  	[bflag:$0x3] =	sbarrier.arrive $0xFFFF  }
0x9b: {  	_ =	shalt  }

// kernel: kernel.17.cloned.1.call-start
scs
__scs_entry_jumppad:
0x0: {  	(pc) =	sbr.rel $0x88, $3  }
0x1: {  	(tag) =	ssettag $0x0;
	lr =	simm.s32 $0x1  }
0x2: {  	[smem:$0x3F98] =	sst lr;
	_ =	strace $0xD0000000  }
0x3: {  	_ = 	snop  }
0x4: {  	_ = 	snop  }
0x5: {  	_ = 	snop  }
0x6: {  	_ = 	snop  }
0x7: {  	_ = 	snop  }
__scs_overlays_trampoline_lowered:
0x8: {  	[smem:$0x3FA7] =	sst s0  }
0x9: {  	[smem:$0x3FA8] =	sst s1  }
0xa: {  	[smem:$0x3FA9] =	sst s2  }
0xb: {  	[smem:$0x3FAA] =	sst s3  }
0xc: {  	[smem:$0x3FAB] =	sst s4  }
0xd: {  	[smem:$0x3FAC] =	sst s5  }
0xe: {  	[smem:$0x3FAD] =	sst s6  }
0xf: {  	[smem:$0x3FAE] =	sst s7  }
0x10: {  	[smem:$0x3FAF] =	sst s8  }
0x11: {  	[smem:$0x3FB0] =	sst s9;
	s0 =	simm.s32 @!p0 $0x0  }
0x12: {  	s1 =	sld [smem:$0x3F96];
	s0 =	simm.s32 @p0 $0x1  }
0x13: {  	[smem:$0x3FB1] =	sst s0;
	s0 =	simm.s32 @!p1 $0x0  }
0x14: {  	s2 =	sld [smem:$0x3F95];
	s0 =	simm.s32 @p1 $0x1  }
0x15: {  	[smem:$0x3FB2] =	sst s0;
	s0 =	simm.s32 @!p2 $0x0  }
0x16: {  	s3 =	sld [smem:$0x3FDB];
	s0 =	simm.s32 @p2 $0x1  }
0x17: {  	s4 =	simm.s32 $0x1BF5;
	[smem:$0x3FB4] =	sst s0  }
0x18: {  	s0 =	sld [smem:$0x3F97];
	_ =	swait.ge [sflag:s4], $0x0  }
0x19: {  	s7 =	sld [smem:$0x3F98]  }
0x1a: {  	s8 =	sadd.s32 $0xFFFFE003, lr  }
0x1b: {  	s9 =	sadd.s32 $0xFFFFFEF7, lr;
	s5 =	simm.s32 $0xFFFFFFFF;
	p2 =	slt.u32 s8, $0xFFFFF086  }
0x1c: {  	p1 =	slt.u32 s9, $0xF7A;
	s5 =	simm.s32 @!p2 $0x0  }
0x1d: {  	s5 =	simm.s32 @p1 $0x1;
	p0 =	seq.s32 s7, s2  }
0x1e: {  	s7 =	smul.u32 @!p0 $0xF7A, s2;
	p2 =	seq.s32 @!p0 s5, $0x0  }
0x1f: {  	s9 =	smul.u32 $0xF7A, s1;
	s8 =	simm.s32 @!p0 $0x1BF5;
	p2 =	por !p2, p0  }
0x20: {  	[sflag:s8] =	ssyncset.s32 @!p0 $0xFFFFF086;
	s6 =	sadd.s32 @!p0 s3, s7;
	s7 =	simm.s32 @!p0 $0x108  }
0x21: {  	s3 =	sadd.s32 s3, s9;
	s6 =	sadd.s32 @!p0 $0x88, s6;
	s7 =	simm.s32 @p2 $0x1082  }
0x22: {  	[simem:s7], [sflag:s8] =	dma.local @!p0 [hbm:s6], $0xF7A  }
0x23: {  	s9 =	sor.u32 $0xD0000000, s2;
	s6 =	simm.s32 $0x108;
	_ =	swait.ge @!p0 [sflag:s8], $0x0  }
0x24: {  	s3 =	sadd.s32 $0x88, s3;
	s6 =	simm.s32 @!p1 $0x1082;
	[sflag:s4] =	ssyncset.s32 $0xFFFFF086  }
0x25: {  	[simem:s6], [sflag:s4] =	dma.local [hbm:s3], $0xF7A  }
0x26: {  	[smem:$0x3F98] =	sst s1;
	(tag) =	ssettag s2;
	_ =	strace s9  }
0x27: {  	s1 =	sld [smem:$0x3FA8]  }
0x28: {  	s2 =	sld [smem:$0x3FA9]  }
0x29: {  	s4 =	sld [smem:$0x3FAB]  }
0x2a: {  	p0 =	seq.s32 s5, $0x0;
	s5 =	sld [smem:$0x3FAC]  }
0x2b: {  	s6 =	sld [smem:$0x3FAD]  }
0x2c: {  	s7 =	sld [smem:$0x3FAE]  }
0x2d: {  	s3 =	simm.s32 $0x108;
	s8 =	sld [smem:$0x3FAF]  }
0x2e: {  	s3 =	simm.s32 @!p0 $0x1082;
	s9 =	sld [smem:$0x3FB0]  }
0x2f: {  	lr =	sadd.s32 s0, s3;
	s0 =	sld [smem:$0x3FA7]  }
0x30: {  	s3 =	sld [smem:$0x3FAA]  }
0x31: {  	[smem:$0x3FB3] =	sst s10  }
0x32: {  	s10 =	sld [smem:$0x3FB1];
	_ =	sdelay $0x3  }
0x33: {  	p0 =	seq.s32 s10, $0x1;
	s10 =	sld [smem:$0x3FB3];
	_ =	sdelay $0x3  }
0x34: {  	[smem:$0x3FB3] =	sst s10  }
0x35: {  	s10 =	sld [smem:$0x3FB2];
	_ =	sdelay $0x3  }
0x36: {  	p1 =	seq.s32 s10, $0x1;
	s10 =	sld [smem:$0x3FB3];
	_ =	sdelay $0x3  }
0x37: {  	[smem:$0x3FB3] =	sst s10  }
0x38: {  	s10 =	sld [smem:$0x3FB4]  }
0x39: {  	_ = 	snop;
	(pc) =	sbr.ind lr, $3  }
0x3a: {  	_ = 	snop  }
0x3b: {  	_ = 	snop  }
0x3c: {  	p2 =	seq.s32 s10, $0x1;
	s10 =	sld [smem:$0x3FB3]  }
0x3d: {  	_ =	shalt  }
0x3e: {  	_ =	shalt  }
0x3f: {  	_ =	shalt  }
0x40: {  	_ =	shalt  }
0x41: {  	_ =	shalt  }
0x42: {  	_ =	shalt  }
0x43: {  	_ =	shalt  }
0x44: {  	_ =	shalt  }
0x45: {  	_ =	shalt  }
0x46: {  	_ =	shalt  }
0x47: {  	_ =	shalt  }
0x48: {  	_ =	shalt  }
0x49: {  	_ =	shalt  }
0x4a: {  	_ =	shalt  }
0x4b: {  	_ =	shalt  }
0x4c: {  	_ =	shalt  }
0x4d: {  	_ =	shalt  }
0x4e: {  	_ =	shalt  }
0x4f: {  	_ =	shalt  }
0x50: {  	_ =	shalt  }
0x51: {  	_ =	shalt  }
0x52: {  	_ =	shalt  }
0x53: {  	_ =	shalt  }
0x54: {  	_ =	shalt  }
0x55: {  	_ =	shalt  }
0x56: {  	_ =	shalt  }
0x57: {  	_ =	shalt  }
0x58: {  	_ =	shalt  }
0x59: {  	_ =	shalt  }
0x5a: {  	_ =	shalt  }
0x5b: {  	_ =	shalt  }
0x5c: {  	_ =	shalt  }
0x5d: {  	_ =	shalt  }
0x5e: {  	_ =	shalt  }
0x5f: {  	_ =	shalt  }
0x60: {  	_ =	shalt  }
0x61: {  	_ =	shalt  }
0x62: {  	_ =	shalt  }
0x63: {  	_ =	shalt  }
0x64: {  	_ =	shalt  }
0x65: {  	_ =	shalt  }
0x66: {  	_ =	shalt  }
0x67: {  	_ =	shalt  }
0x68: {  	_ =	shalt  }
0x69: {  	_ =	shalt  }
0x6a: {  	_ =	shalt  }
0x6b: {  	_ =	shalt  }
0x6c: {  	_ =	shalt  }
0x6d: {  	_ =	shalt  }
0x6e: {  	_ =	shalt  }
0x6f: {  	_ =	shalt  }
0x70: {  	_ =	shalt  }
0x71: {  	_ =	shalt  }
0x72: {  	_ =	shalt  }
0x73: {  	_ =	shalt  }
0x74: {  	_ =	shalt  }
0x75: {  	_ =	shalt  }
0x76: {  	_ =	shalt  }
0x77: {  	_ =	shalt  }
0x78: {  	_ =	shalt  }
0x79: {  	_ =	shalt  }
0x7a: {  	_ =	shalt  }
0x7b: {  	_ =	shalt  }
0x7c: {  	_ =	shalt  }
0x7d: {  	_ =	shalt  }
0x7e: {  	_ =	shalt  }
0x7f: {  	_ =	shalt  }
0x80: {  	_ =	shalt  }
0x81: {  	_ =	shalt  }
0x82: {  	_ =	shalt  }
0x83: {  	_ =	shalt  }
0x84: {  	_ =	shalt  }
0x85: {  	_ =	shalt  }
0x86: {  	_ =	shalt  }
0x87: {  	_ =	shalt  }
.Lfunc_end0:
.L_simem_size_0:
called_computation.2_lowered:
.L_overlay_start_0:
0x88: {  	s2 =	sld [smem:$0x3FD9]  }
0x89: {  	s3 =	sld [smem:$0x3FFE];
	_ =	sdelay $0x1  }
0x8a: {  	s1 =	srdreg.scid  }
0x8b: {  	s0 =	sand.u32 $0x1, s1  }
0x8c: {  	s17 =	sshll.u32 s0, $0xA;
	s2 =	sadd.s32 s3, s2  }
0x8d: {  	s2 =	sadd.s32 s2, s17  }
0x8e: {  	[smem:$0x3FBF] =	sst s2  }
0x8f: {  	_ = 	snop  }
0x90: {  	(tm) =	ssettm $0x1  }
0x91: {  	s18 =	sld [smem:$0x3FFB];
	_ =	sdelay $0x3  }
0x92: {  	_ =	strace s18  }
0x93: {  	s2 =	sld [smem:$0x3FFC];
	_ =	sdelay $0x3  }
0x94: {  	_ =	strace s2  }
0x95: {  	s2 =	sld [smem:$0x3FFD];
	_ =	sdelay $0x3  }
0x96: {  	_ =	strace s2  }
0x97: {  	_ =	strace $0x8FFFFFFF  }
0x98: {  	s19 =	sld [smem:$0x3FDB];
	_ =	sdelay $0x1  }
0x99: {  	s20 =	simm.s32 $_scs_section_size  }
0x9a: {  	s4 =	simm.s32 $_size__tile_overlayer_lowered;
	s5 =	simm.s32 $_tile_overlayer_lowered  }
0x9b: {  	s6 =	simm.s32 $0x1BFF;
	s21 =	sshll.u32 s5, $0x1;
	s3 =	sadd.s32 s20, s19  }
0x9c: {  	s22 =	simm.s32 $0x0;
	s4 =	sshll.u32 s4, $0x1;
	s5 =	sadd.s32 s21, s3  }
0x9d: {  	[timem:s22], [sflag:s6] =	dma.local [hbm:s5], s4  }
0x9e: {  	_ =	swait.ge [sflag:s6], s4  }
0x9f: {  	s4 =	ssub.s32 $0x0, s4;
	[sflag:s6] =	ssyncset.done $0x0  }
0xa0: {  	[sflag:s6] =	ssyncadd.s32 s4;
	_ =	sdelay $0x1  }
0xa1: {  	s23 =	simm.s32 $0x1B8B  }
0xa2: {  	_ =	swait.ge [sflag:s23], $0x1  }
0xa3: {  	[sflag:s23] =	ssyncset.done $0x0  }
0xa4: {  	[sflag:s23] =	ssyncadd.s32 $0xFFFFFFFF  }
0xa5: {  	s4 =	sld [smem:$0x0]  }
0xa6: {  	s5 =	sand.u32 $0xFFFFFFFE, s1  }
0xa7: {  	p0 =	sne.s32 s1, s5  }
0xa8: {  	s5 =	sshll.u32 @p0 s5, $0xE  }
0xa9: {  	s5 =	sadd.s32 @p0 $0x11B8D, s5;
	s6 =	sshll.u32 @p0 s4, $0x11  }
0xaa: {  	s5 =	sor.u32 @p0 s6, s5  }
0xab: {  	[sflag:s5] =	ssyncadd.remote.s32 @p0 $0x1;
	_ =	sdelay $0x1  }
0xac: {  	s5 =	simm.s32 @p0 $0x1B8D  }
0xad: {  	_ =	swait.eq @p0 [sflag:s5], $0x1  }
0xae: {  	[sflag:s5] =	ssyncadd.s32 @p0 $0xFFFFFFFF  }
0xaf: {  	s6 =	sshll.u32 @!p0 s1, $0xE  }
0xb0: {  	s6 =	sor.u32 @!p0 $0x4000, s6;
	s5 =	simm.s32 @!p0 $0x1B8D  }
0xb1: {  	s4 =	sshll.u32 @!p0 s4, $0x11;
	s6 =	sadd.s32 @!p0 $0x11B8D, s6;
	_ =	swait.eq @!p0 [sflag:s5], $0x1  }
0xb2: {  	s4 =	sor.u32 @!p0 s4, s6;
	[sflag:s5] =	ssyncadd.s32 @!p0 $0xFFFFFFFF  }
0xb3: {  	s25 =	simm.s32 $0x1B8E;
	s24 =	sld [smem:$0x3FFE];
	[sflag:s4] =	ssyncadd.remote.s32 @!p0 $0x1  }
0xb4: {  	s26 =	simm.s32 $execute0_lowered;
	[smem:$0x3FD2] =	sst s25  }
0xb5: {  	s5 =	sshll.u32 s26, $0x1;
	_ =	strace $0x8000004C;
	[dreg:$0x1] =	wrdreg $0xFFFFFFFF  }
0xb6: {  	s28 =	simm.s32 $_size_execute0_lowered;
	s3 =	sadd.s32 s3, s5;
	[dreg:$0x0] =	wrdreg $0x0  }
0xb7: {  	s5 =	sshll.u32 s28, $0x1;
	[dreg:$0x2] =	wrdreg s3  }
0xb8: {  	[dreg:$0x3] =	wrdreg s5  }
0xb9: {  	[dreg:$0x4] =	wrdreg $0xC0  }
0xba: {  	_ =	task [dreg:s22], $0x5FFFF  }
0xbb: {  	[dreg:$0x1] =	wrdreg $0xFFFFFFFF  }
0xbc: {  	[dreg:$0x0] =	wrdreg $0x60  }
0xbd: {  	[dreg:$0x2] =	wrdreg s24  }
0xbe: {  	[dreg:$0x3] =	wrdreg $0xB  }
0xbf: {  	_ =	task.clear_ibuf [dreg:s22], $0x4FFFF;
	_ =	strace $0x9000004C  }
0xc0: {  	s29 =	simm.s32 $0xB;
	_ =	strace $0x8000004E  }
0xc1: {  	_ =	swait.ge [sflag:s29], $0x1  }
0xc2: {  	[sflag:s29] =	ssyncadd.s32 $0xFFFFFFFF  }
0xc3: {  	_ =	strace $0x9000004E  }
0xc4: {  	_ =	sfence  }
0xc5: {  	s30 =	sld [smem:$0x0];
	_ =	sdelay $0x2  }
0xc6: {  	s31 =	sshll.u32 s1, $0xD;
	s1 =	sshrl.u32 s1, $0x2  }
0xc7: {  	s4 =	sand.u32 $0x4000, s31;
	s1 =	sadd.s32 s1, s30  }
0xc8: {  	s0 =	sor.u32 s4, s0;
	s1 =	sshll.u32 s1, $0x11  }
0xc9: {  	s0 =	sor.u32 s1, s0  }
0xca: {  	s0 =	sadd.s32 $0x8F2B, s0  }
0xcb: {  	[sflag:s0] =	ssyncadd.remote.s32 $0x1  }
0xcc: {  	_ =	sfence.sel $0xFFFF  }
0xcd: {  	[dreg:$0x0] =	wrdreg $0xFFFFFFFF;
	(pc) =	sbr.abs _section_cstart, $3  }
0xce: {  	[dreg:$0x1] =	wrdreg $0xFFFFFFFF  }
0xcf: {  	_ =	task.clear_ibuf [dreg:s22], $0x2FFFF;
	_ =	strace $0x9FFFFFFF  }
0xd0: {  	(tm) =	ssettm $0x7FFFFFFF  }
0xd1: {  	_ =	shalt  }
tec
execute0_lowered:
.L_overlay_start_1:
0x0: {  	(tag) =	ssettag $0x1  }
0x1: {  	s0 =	srdreg.scid  }
0x2: {  	s10 =	stileid.u32;
	s1 =	rddreg [dreg:$0x0];
	s2 =	simm.s32 $0x0  }
0x3: {  	s13 =	simm.s32 $0x9;
	s14 =	simm.s32 $0x80;
	s15 =	simm.s32 $0x1C00  }
0x4: {  	s16 =	simm.s32 $0x5C00;
	s18 =	simm.s32 $0x9C00;
	s19 =	simm.s32 $0x1  }
0x5: {  	s21 =	simm.s32 $0xDC00;
	s22 =	simm.s32 $0x2;
	s23 =	simm.s32 $0x5  }
0x6: {  	s24 =	simm.s32 $0x3;
	s28 =	simm.s32 $0x7;
	s29 =	simm.s32 $0x8  }
0x7: {  	s0 =	sand.u32 $0x1, s0;
	s3 =	sshll.u32 s10, $0x1;
	s26 =	smul.u32 $0x32000, s10  }
0x8: {  	s4 =	sor.u32 s0, s3;
	s6 =	ssub.s32 $0x2, s0;
	s0 =	smul.u32 $0x19000, s0  }
0x9: {  	s31 =	simm.s32 $0x1880;
	[smem:$0x7FF] =	sst s2;
	s3 =	smul.u32 $0x380, s4  }
0xa: {  	_ =	strace $0x8000004D;
	s8 =	sshrl.u32 s6, $0x1;
	s9 =	smul.u32 $0xC8000, s4  }
0xb: {  	s7 =	smul.u32 $0x19000, s4;
	s11 =	ssub.s32 s6, s8;
	s5 =	sadd.s32 s3, s1  }
0xc: {  	s3 =	sadd.s32 $0x2200, s1;
	s1 =	sadd.s32 $0x7DDE00, s1;
	s25 =	sshrl.u32 s9, $0x3  }
0xd: {  	s11 =	smax.u32 s11, $0x1;
	s4 =	sadd.s32 $0x4AFE00, s5;
	s5 =	sadd.s32 s1, s7  }
0xe: {  	s30 =	sadd.s32 s1, s25;
	s1 =	sadd.s32 s26, s1;
	s25 =	simm.s32 $0x6  }
0xf: {  	s26 =	simm.s32 $0x4;
	s6 =	sadd.s32 $0x800, s5;
	s7 =	sadd.s32 $0x17000, s30  }
0x10: {  	s8 =	sadd.s32 $0x17800, s30;
	s9 =	sadd.s32 $0x18000, s30;
	s0 =	sadd.s32 s0, s1  }
0x11: {  	s10 =	sadd.s32 $0x18800, s30;
	s1 =	simm.s32 $0x0;
	s12 =	sadd.s32 $0x1800, s0  }
.LBB2_1:
0x12: {  	[tilespmem:s2], [sflag:$0x9] =	stream.linear.gather [hbm4b:s4+s2], $0x1900, $0x38;
	[tilespmem:$0x11C00] =	vst v63  }
0x13: {  	_ =	swait.ge [sflag:s13], $0x1900  }
0x14: {  	[sflag:s13] =	ssyncset.done $0x0  }
0x15: {  	[sflag:s13] =	ssyncadd.s32 $0xFFFFE700  }
0x16: {  	[tilespmem:s15], [sflag:$0x1] =	stream.indirect.gather [hbm4b:s3+s14], $0x80, s2, s14, $0xb8;
	[tilespmem:$0x11C00] =	vst v63  }
0x17: {  	_ = 	snop  }
0x18: {  	[tilespmem:s16], [sflag:$0x2] =	stream.indirect.gather [hbm4b:s3+s14], $0x80, s14, s14, $0xb8;
	[tilespmem:$0x11C00] =	vst v63  }
0x19: {  	s0 =	simm.s32 $0x100  }
0x1a: {  	[tilespmem:s18], [sflag:$0x3] =	stream.indirect.gather [hbm4b:s3+s14], $0x80, s0, s14, $0xb8;
	[tilespmem:$0x11C00] =	vst v63  }
0x1b: {  	_ =	swait.ge [sflag:s19], $0x4000  }
0x1c: {  	[sflag:s19] =	ssyncset.done $0x0  }
0x1d: {  	[sflag:s19] =	ssyncadd.s32 $0xFFFFC000  }
0x1e: {  	[hbm4b:s5+s2] =	stream.linear.scatter [tilespmem:s15], [sflag:$0x5], $0x4000, $0x38;
	[tilespmem:$0x11C00] =	vst v63  }
0x1f: {  	s30 =	simm.s32 $0x180  }
0x20: {  	[tilespmem:s21], [sflag:$0x4] =	stream.indirect.gather [hbm4b:s3+s14], $0x80, s30, s14, $0xb8;
	[tilespmem:$0x11C00] =	vst v63  }
0x21: {  	_ =	swait.ge [sflag:s22], $0x4000  }
0x22: {  	[sflag:s22] =	ssyncset.done $0x0  }
0x23: {  	[sflag:s22] =	ssyncadd.s32 $0xFFFFC000  }
0x24: {  	[hbm4b:s6+s2] =	stream.linear.scatter [tilespmem:s16], [sflag:$0x6], $0x4000, $0x38;
	[tilespmem:$0x11C00] =	vst v63  }
0x25: {  	_ =	swait.ge [sflag:s23], $0x4000  }
0x26: {  	[sflag:s23] =	ssyncset.done $0x0  }
0x27: {  	s17 =	simm.s32 $0x200;
	[sflag:s23] =	ssyncadd.s32 $0xFFFFC000  }
0x28: {  	[tilespmem:s15], [sflag:$0x1] =	stream.indirect.gather [hbm4b:s3+s14], $0x80, s17, s14, $0xb8;
	[tilespmem:$0x11C00] =	vst v63  }
0x29: {  	_ =	swait.ge [sflag:s24], $0x4000  }
0x2a: {  	[sflag:s24] =	ssyncset.done $0x0  }
0x2b: {  	s20 =	sadd.s32 $0xFFFFF800, s12;
	[sflag:s24] =	ssyncadd.s32 $0xFFFFC000  }
0x2c: {  	[hbm4b:s20+s2] =	stream.linear.scatter [tilespmem:s18], [sflag:$0x7], $0x4000, $0x38;
	[tilespmem:$0x11C00] =	vst v63  }
0x2d: {  	_ =	swait.ge [sflag:s25], $0x4000  }
0x2e: {  	[sflag:s25] =	ssyncset.done $0x0  }
0x2f: {  	s30 =	simm.s32 $0x280;
	[sflag:s25] =	ssyncadd.s32 $0xFFFFC000  }
0x30: {  	[tilespmem:s16], [sflag:$0x2] =	stream.indirect.gather [hbm4b:s3+s14], $0x80, s30, s14, $0xb8;
	[tilespmem:$0x11C00] =	vst v63  }
0x31: {  	_ =	swait.ge [sflag:s26], $0x4000  }
0x32: {  	[sflag:s26] =	ssyncset.done $0x0  }
0x33: {  	[sflag:s26] =	ssyncadd.s32 $0xFFFFC000  }
0x34: {  	[hbm4b:s12+s2] =	stream.linear.scatter [tilespmem:s21], [sflag:$0x8], $0x4000, $0x38;
	[tilespmem:$0x11C00] =	vst v63  }
0x35: {  	_ =	swait.ge [sflag:s28], $0x4000  }
0x36: {  	[sflag:s28] =	ssyncset.done $0x0  }
0x37: {  	s17 =	simm.s32 $0x300;
	[sflag:s28] =	ssyncadd.s32 $0xFFFFC000  }
0x38: {  	[tilespmem:s18], [sflag:$0x3] =	stream.indirect.gather [hbm4b:s3+s14], $0x80, s17, s14, $0xb8;
	[tilespmem:$0x11C00] =	vst v63  }
0x39: {  	_ =	swait.ge [sflag:s19], $0x4000  }
0x3a: {  	[sflag:s19] =	ssyncset.done $0x0  }
0x3b: {  	s20 =	sadd.s32 $0x800, s12;
	[sflag:s19] =	ssyncadd.s32 $0xFFFFC000  }
0x3c: {  	[hbm4b:s20+s2] =	stream.linear.scatter [tilespmem:s15], [sflag:$0x5], $0x4000, $0x38;
	[tilespmem:$0x11C00] =	vst v63  }
0x3d: {  	_ =	swait.ge [sflag:s29], $0x4000  }
0x3e: {  	[sflag:s29] =	ssyncset.done $0x0  }
0x3f: {  	s30 =	simm.s32 $0x380;
	[sflag:s29] =	ssyncadd.s32 $0xFFFFC000  }
0x40: {  	[tilespmem:s21], [sflag:$0x4] =	stream.indirect.gather [hbm4b:s3+s14], $0x80, s30, s14, $0xb8;
	[tilespmem:$0x11C00] =	vst v63  }
0x41: {  	_ =	swait.ge [sflag:s22], $0x4000  }
0x42: {  	s0 =	simm.s32 $0x800;
	[sflag:s22] =	ssyncset.done $0x0  }
0x43: {  	s17 =	sadd.s32 $0x2000, s12;
	s20 =	sadd.s32 $0x1000, s12;
	[sflag:s22] =	ssyncadd.s32 $0xFFFFC000  }
.LBB2_2:
0x44: {  	[hbm4b:s20+s2] =	stream.linear.scatter [tilespmem:s16], [sflag:$0x6], $0x4000, $0x38;
	[tilespmem:$0x11C00] =	vst v63  }
0x45: {  	s20 =	smov.u32 s0  }
0x46: {  	p0 =	sne.s32 s0, $0x5000;
	s0 =	sadd.s32 $0x800, s0;
	_ =	swait.ge [sflag:s23], $0x4000  }
0x47: {  	s20 =	sshra.s32 s20, $0x2;
	[sflag:s23] =	ssyncset.done $0x0  }
0x48: {  	s30 =	sadd.s32 $0x200, s20;
	[sflag:s23] =	ssyncadd.s32 $0xFFFFC000  }
0x49: {  	[tilespmem:s15], [sflag:$0x1] =	stream.indirect.gather [hbm4b:s3+s14], $0x80, s30, s14, $0xb8;
	[tilespmem:$0x11C00] =	vst v63  }
0x4a: {  	_ =	swait.ge [sflag:s24], $0x4000  }
0x4b: {  	[sflag:s24] =	ssyncset.done $0x0  }
0x4c: {  	s30 =	sadd.s32 $0xFFFFF800, s17;
	[sflag:s24] =	ssyncadd.s32 $0xFFFFC000  }
0x4d: {  	[hbm4b:s30+s2] =	stream.linear.scatter [tilespmem:s18], [sflag:$0x7], $0x4000, $0x38;
	[tilespmem:$0x11C00] =	vst v63  }
0x4e: {  	_ =	swait.ge [sflag:s25], $0x4000  }
0x4f: {  	[sflag:s25] =	ssyncset.done $0x0  }
0x50: {  	s30 =	sadd.s32 $0x280, s20;
	[sflag:s25] =	ssyncadd.s32 $0xFFFFC000  }
0x51: {  	[tilespmem:s16], [sflag:$0x2] =	stream.indirect.gather [hbm4b:s3+s14], $0x80, s30, s14, $0xb8;
	[tilespmem:$0x11C00] =	vst v63  }
0x52: {  	_ =	swait.ge [sflag:s26], $0x4000  }
0x53: {  	[sflag:s26] =	ssyncset.done $0x0  }
0x54: {  	[sflag:s26] =	ssyncadd.s32 $0xFFFFC000  }
0x55: {  	[hbm4b:s17+s2] =	stream.linear.scatter [tilespmem:s21], [sflag:$0x8], $0x4000, $0x38;
	[tilespmem:$0x11C00] =	vst v63  }
0x56: {  	_ =	swait.ge [sflag:s28], $0x4000  }
0x57: {  	[sflag:s28] =	ssyncset.done $0x0  }
0x58: {  	s30 =	sadd.s32 $0x300, s20;
	[sflag:s28] =	ssyncadd.s32 $0xFFFFC000  }
0x59: {  	[tilespmem:s18], [sflag:$0x3] =	stream.indirect.gather [hbm4b:s3+s14], $0x80, s30, s14, $0xb8;
	[tilespmem:$0x11C00] =	vst v63  }
0x5a: {  	_ =	swait.ge [sflag:s19], $0x4000  }
0x5b: {  	[sflag:s19] =	ssyncset.done $0x0  }
0x5c: {  	s30 =	sadd.s32 $0x800, s17;
	[sflag:s19] =	ssyncadd.s32 $0xFFFFC000  }
0x5d: {  	[hbm4b:s30+s2] =	stream.linear.scatter [tilespmem:s15], [sflag:$0x5], $0x4000, $0x38;
	[tilespmem:$0x11C00] =	vst v63  }
0x5e: {  	_ =	swait.ge [sflag:s29], $0x4000  }
0x5f: {  	[sflag:s29] =	ssyncset.done $0x0  }
.Ltmp0:
0x60: {  	s20 =	sadd.s32 $0x380, s20;
	[sflag:s29] =	ssyncadd.s32 $0xFFFFC000;
	(pc) =	sbr.rel @p0 .LBB2_2-.Ltmp0, $4  }
0x61: {  	[tilespmem:s21], [sflag:$0x4] =	stream.indirect.gather [hbm4b:s3+s14], $0x80, s20, s14, $0xb8;
	[tilespmem:$0x11C00] =	vst v63  }
0x62: {  	_ =	swait.ge [sflag:s22], $0x4000  }
0x63: {  	[sflag:s22] =	ssyncset.done $0x0  }
0x64: {  	s20 =	sadd.s32 $0x1000, s17;
	s17 =	sadd.s32 $0x2000, s17;
	[sflag:s22] =	ssyncadd.s32 $0xFFFFC000  }
0x65: {  	[hbm4b:s20+s2] =	stream.linear.scatter [tilespmem:s16], [sflag:$0x6], $0x4000, $0x38;
	[tilespmem:$0x11C00] =	vst v63  }
0x66: {  	_ =	swait.ge [sflag:s23], $0x4000  }
0x67: {  	[sflag:s23] =	ssyncset.done $0x0  }
0x68: {  	s0 =	simm.s32 $0x1800;
	[sflag:s23] =	ssyncadd.s32 $0xFFFFC000  }
0x69: {  	[tilespmem:s15], [sflag:$0x1] =	stream.indirect.gather [hbm4b:s3+s14], $0x80, s0, s14, $0xb8;
	[tilespmem:$0x11C00] =	vst v63  }
0x6a: {  	_ =	swait.ge [sflag:s24], $0x4000  }
0x6b: {  	[sflag:s24] =	ssyncset.done $0x0  }
0x6c: {  	[sflag:s24] =	ssyncadd.s32 $0xFFFFC000  }
0x6d: {  	[hbm4b:s7+s2] =	stream.linear.scatter [tilespmem:s18], [sflag:$0x7], $0x4000, $0x38;
	[tilespmem:$0x11C00] =	vst v63  }
0x6e: {  	_ =	swait.ge [sflag:s25], $0x4000  }
0x6f: {  	[sflag:s25] =	ssyncset.done $0x0  }
0x70: {  	[sflag:s25] =	ssyncadd.s32 $0xFFFFC000  }
0x71: {  	[tilespmem:s16], [sflag:$0x2] =	stream.indirect.gather [hbm4b:s3+s14], $0x80, s31, s14, $0xb8;
	[tilespmem:$0x11C00] =	vst v63  }
0x72: {  	_ =	swait.ge [sflag:s26], $0x4000  }
0x73: {  	[sflag:s26] =	ssyncset.done $0x0  }
0x74: {  	[sflag:s26] =	ssyncadd.s32 $0xFFFFC000  }
0x75: {  	[hbm4b:s8+s2] =	stream.linear.scatter [tilespmem:s21], [sflag:$0x8], $0x4000, $0x38;
	[tilespmem:$0x11C00] =	vst v63  }
0x76: {  	_ =	swait.ge [sflag:s19], $0x4000  }
0x77: {  	[sflag:s19] =	ssyncset.done $0x0  }
0x78: {  	[sflag:s19] =	ssyncadd.s32 $0xFFFFC000  }
0x79: {  	[hbm4b:s9+s2] =	stream.linear.scatter [tilespmem:s15], [sflag:$0x5], $0x4000, $0x38;
	[tilespmem:$0x11C00] =	vst v63  }
0x7a: {  	_ =	swait.ge [sflag:s22], $0x4000  }
0x7b: {  	[sflag:s22] =	ssyncset.done $0x0  }
0x7c: {  	[sflag:s22] =	ssyncadd.s32 $0xFFFFC000  }
0x7d: {  	[hbm4b:s10+s2] =	stream.linear.scatter [tilespmem:s16], [sflag:$0x6], $0x4000, $0x38;
	[tilespmem:$0x11C00] =	vst v63  }
0x7e: {  	_ =	swait.ge [sflag:s28], $0x4000  }
0x7f: {  	[sflag:s28] =	ssyncset.done $0x0  }
0x80: {  	[sflag:s28] =	ssyncadd.s32 $0xFFFFC000  }
0x81: {  	_ =	swait.ge [sflag:s29], $0x4000  }
0x82: {  	[sflag:s29] =	ssyncset.done $0x0  }
0x83: {  	s1 =	sadd.s32 $0x1, s1;
	[sflag:s29] =	ssyncadd.s32 $0xFFFFC000  }
0x84: {  	p0 =	sne.s32 s1, s11;
	_ =	swait.ge [sflag:s23], $0x4000  }
.Ltmp1:
0x85: {  	[sflag:s23] =	ssyncset.done $0x0;
	(pc) =	sbr.rel @p0 .LBB2_1-.Ltmp1, $4  }
0x86: {  	[sflag:s23] =	ssyncadd.s32 $0xFFFFC000  }
0x87: {  	_ =	swait.ge [sflag:s25], $0x4000  }
0x88: {  	[sflag:s25] =	ssyncset.done $0x0  }
0x89: {  	[sflag:s25] =	ssyncadd.s32 $0xFFFFC000  }
0x8a: {  	_ =	sfence.sel $0x180000  }
0x8b: {  	[bflag:$0x0] =	sbarrier.arrive $0xFFFF  }
0x8c: {  	_ =	strace $0x9000004D  }
0x8d: {  	s0 =	stileid.u32;
	[bflag:$0x2] =	sbarrier.arrive $0xFFFF  }
0x8e: {  	p0 =	sne.s32 s0, $0x0;
	s0 =	rddreg [dreg:$0x1]  }
0x8f: {  	s0 =	sadd.s32 @!p0 $0x100000, s0  }
0x90: {  	[sflag:s0] =	ssyncadd.tile.s32 @!p0 $0x1;
	_ =	shalt  }
.Lfunc_end2:
_tile_overlayer_lowered:
.L_overlay_start_2:
0x91: {  	(tag) =	ssettag $0x2  }
0x92: {  	s0 =	rddreg [dreg:$0x0];
	s2 =	stileid.u32  }
0x93: {  	s1 =	rddreg [dreg:$0x1];
	p0 =	sne.s32 s2, $0x0  }
0x94: {  	s3 =	rddreg [dreg:$0x2];
	[bflag:$0x3] =	sbarrier.arrive $0xFFFF;
	s2 =	simm.s32 @!p0 $0x1C09  }
0x95: {  	[timem:s3], [sflag:s2] =	dma.local @!p0 [hbm:s0], s1  }
0x96: {  	s0 =	simm.s32 @!p0 $0x9  }
0x97: {  	_ =	swait.ge @!p0 [sflag:s0], s1  }
0x98: {  	s1 =	ssub.s32 @!p0 $0x0, s1;
	[sflag:s0] =	ssyncset.done @!p0 $0x0  }
0x99: {  	[sflag:s0] =	ssyncadd.s32 @!p0 s1  }
0x9a: {  	[bflag:$0x3] =	sbarrier.arrive $0xFFFF  }
0x9b: {  	_ =	shalt  }

// kernel: kernel.20.cloned.1.call-start
scs
__scs_entry_jumppad:
0x0: {  	(pc) =	sbr.rel $0x88, $3  }
0x1: {  	(tag) =	ssettag $0x0;
	lr =	simm.s32 $0x1  }
0x2: {  	[smem:$0x3F98] =	sst lr;
	_ =	strace $0xD0000000  }
0x3: {  	_ = 	snop  }
0x4: {  	_ = 	snop  }
0x5: {  	_ = 	snop  }
0x6: {  	_ = 	snop  }
0x7: {  	_ = 	snop  }
__scs_overlays_trampoline_lowered:
0x8: {  	[smem:$0x3FA7] =	sst s0  }
0x9: {  	[smem:$0x3FA8] =	sst s1  }
0xa: {  	[smem:$0x3FA9] =	sst s2  }
0xb: {  	[smem:$0x3FAA] =	sst s3  }
0xc: {  	[smem:$0x3FAB] =	sst s4  }
0xd: {  	[smem:$0x3FAC] =	sst s5  }
0xe: {  	[smem:$0x3FAD] =	sst s6  }
0xf: {  	[smem:$0x3FAE] =	sst s7  }
0x10: {  	[smem:$0x3FAF] =	sst s8  }
0x11: {  	[smem:$0x3FB0] =	sst s9;
	s0 =	simm.s32 @!p0 $0x0  }
0x12: {  	s1 =	sld [smem:$0x3F96];
	s0 =	simm.s32 @p0 $0x1  }
0x13: {  	[smem:$0x3FB1] =	sst s0;
	s0 =	simm.s32 @!p1 $0x0  }
0x14: {  	s2 =	sld [smem:$0x3F95];
	s0 =	simm.s32 @p1 $0x1  }
0x15: {  	[smem:$0x3FB2] =	sst s0;
	s0 =	simm.s32 @!p2 $0x0  }
0x16: {  	s3 =	sld [smem:$0x3FDB];
	s0 =	simm.s32 @p2 $0x1  }
0x17: {  	s4 =	simm.s32 $0x1BF5;
	[smem:$0x3FB4] =	sst s0  }
0x18: {  	s0 =	sld [smem:$0x3F97];
	_ =	swait.ge [sflag:s4], $0x0  }
0x19: {  	s7 =	sld [smem:$0x3F98]  }
0x1a: {  	s8 =	sadd.s32 $0xFFFFE003, lr  }
0x1b: {  	s9 =	sadd.s32 $0xFFFFFEF7, lr;
	s5 =	simm.s32 $0xFFFFFFFF;
	p2 =	slt.u32 s8, $0xFFFFF086  }
0x1c: {  	p1 =	slt.u32 s9, $0xF7A;
	s5 =	simm.s32 @!p2 $0x0  }
0x1d: {  	s5 =	simm.s32 @p1 $0x1;
	p0 =	seq.s32 s7, s2  }
0x1e: {  	s7 =	smul.u32 @!p0 $0xF7A, s2;
	p2 =	seq.s32 @!p0 s5, $0x0  }
0x1f: {  	s9 =	smul.u32 $0xF7A, s1;
	s8 =	simm.s32 @!p0 $0x1BF5;
	p2 =	por !p2, p0  }
0x20: {  	[sflag:s8] =	ssyncset.s32 @!p0 $0xFFFFF086;
	s6 =	sadd.s32 @!p0 s3, s7;
	s7 =	simm.s32 @!p0 $0x108  }
0x21: {  	s3 =	sadd.s32 s3, s9;
	s6 =	sadd.s32 @!p0 $0x88, s6;
	s7 =	simm.s32 @p2 $0x1082  }
0x22: {  	[simem:s7], [sflag:s8] =	dma.local @!p0 [hbm:s6], $0xF7A  }
0x23: {  	s9 =	sor.u32 $0xD0000000, s2;
	s6 =	simm.s32 $0x108;
	_ =	swait.ge @!p0 [sflag:s8], $0x0  }
0x24: {  	s3 =	sadd.s32 $0x88, s3;
	s6 =	simm.s32 @!p1 $0x1082;
	[sflag:s4] =	ssyncset.s32 $0xFFFFF086  }
0x25: {  	[simem:s6], [sflag:s4] =	dma.local [hbm:s3], $0xF7A  }
0x26: {  	[smem:$0x3F98] =	sst s1;
	(tag) =	ssettag s2;
	_ =	strace s9  }
0x27: {  	s1 =	sld [smem:$0x3FA8]  }
0x28: {  	s2 =	sld [smem:$0x3FA9]  }
0x29: {  	s4 =	sld [smem:$0x3FAB]  }
0x2a: {  	p0 =	seq.s32 s5, $0x0;
	s5 =	sld [smem:$0x3FAC]  }
0x2b: {  	s6 =	sld [smem:$0x3FAD]  }
0x2c: {  	s7 =	sld [smem:$0x3FAE]  }
0x2d: {  	s3 =	simm.s32 $0x108;
	s8 =	sld [smem:$0x3FAF]  }
0x2e: {  	s3 =	simm.s32 @!p0 $0x1082;
	s9 =	sld [smem:$0x3FB0]  }
0x2f: {  	lr =	sadd.s32 s0, s3;
	s0 =	sld [smem:$0x3FA7]  }
0x30: {  	s3 =	sld [smem:$0x3FAA]  }
0x31: {  	[smem:$0x3FB3] =	sst s10  }
0x32: {  	s10 =	sld [smem:$0x3FB1];
	_ =	sdelay $0x3  }
0x33: {  	p0 =	seq.s32 s10, $0x1;
	s10 =	sld [smem:$0x3FB3];
	_ =	sdelay $0x3  }
0x34: {  	[smem:$0x3FB3] =	sst s10  }
0x35: {  	s10 =	sld [smem:$0x3FB2];
	_ =	sdelay $0x3  }
0x36: {  	p1 =	seq.s32 s10, $0x1;
	s10 =	sld [smem:$0x3FB3];
	_ =	sdelay $0x3  }
0x37: {  	[smem:$0x3FB3] =	sst s10  }
0x38: {  	s10 =	sld [smem:$0x3FB4]  }
0x39: {  	_ = 	snop;
	(pc) =	sbr.ind lr, $3  }
0x3a: {  	_ = 	snop  }
0x3b: {  	_ = 	snop  }
0x3c: {  	p2 =	seq.s32 s10, $0x1;
	s10 =	sld [smem:$0x3FB3]  }
0x3d: {  	_ =	shalt  }
0x3e: {  	_ =	shalt  }
0x3f: {  	_ =	shalt  }
0x40: {  	_ =	shalt  }
0x41: {  	_ =	shalt  }
0x42: {  	_ =	shalt  }
0x43: {  	_ =	shalt  }
0x44: {  	_ =	shalt  }
0x45: {  	_ =	shalt  }
0x46: {  	_ =	shalt  }
0x47: {  	_ =	shalt  }
0x48: {  	_ =	shalt  }
0x49: {  	_ =	shalt  }
0x4a: {  	_ =	shalt  }
0x4b: {  	_ =	shalt  }
0x4c: {  	_ =	shalt  }
0x4d: {  	_ =	shalt  }
0x4e: {  	_ =	shalt  }
0x4f: {  	_ =	shalt  }
0x50: {  	_ =	shalt  }
0x51: {  	_ =	shalt  }
0x52: {  	_ =	shalt  }
0x53: {  	_ =	shalt  }
0x54: {  	_ =	shalt  }
0x55: {  	_ =	shalt  }
0x56: {  	_ =	shalt  }
0x57: {  	_ =	shalt  }
0x58: {  	_ =	shalt  }
0x59: {  	_ =	shalt  }
0x5a: {  	_ =	shalt  }
0x5b: {  	_ =	shalt  }
0x5c: {  	_ =	shalt  }
0x5d: {  	_ =	shalt  }
0x5e: {  	_ =	shalt  }
0x5f: {  	_ =	shalt  }
0x60: {  	_ =	shalt  }
0x61: {  	_ =	shalt  }
0x62: {  	_ =	shalt  }
0x63: {  	_ =	shalt  }
0x64: {  	_ =	shalt  }
0x65: {  	_ =	shalt  }
0x66: {  	_ =	shalt  }
0x67: {  	_ =	shalt  }
0x68: {  	_ =	shalt  }
0x69: {  	_ =	shalt  }
0x6a: {  	_ =	shalt  }
0x6b: {  	_ =	shalt  }
0x6c: {  	_ =	shalt  }
0x6d: {  	_ =	shalt  }
0x6e: {  	_ =	shalt  }
0x6f: {  	_ =	shalt  }
0x70: {  	_ =	shalt  }
0x71: {  	_ =	shalt  }
0x72: {  	_ =	shalt  }
0x73: {  	_ =	shalt  }
0x74: {  	_ =	shalt  }
0x75: {  	_ =	shalt  }
0x76: {  	_ =	shalt  }
0x77: {  	_ =	shalt  }
0x78: {  	_ =	shalt  }
0x79: {  	_ =	shalt  }
0x7a: {  	_ =	shalt  }
0x7b: {  	_ =	shalt  }
0x7c: {  	_ =	shalt  }
0x7d: {  	_ =	shalt  }
0x7e: {  	_ =	shalt  }
0x7f: {  	_ =	shalt  }
0x80: {  	_ =	shalt  }
0x81: {  	_ =	shalt  }
0x82: {  	_ =	shalt  }
0x83: {  	_ =	shalt  }
0x84: {  	_ =	shalt  }
0x85: {  	_ =	shalt  }
0x86: {  	_ =	shalt  }
0x87: {  	_ =	shalt  }
.Lfunc_end0:
.L_simem_size_0:
called_computation.3_lowered:
.L_overlay_start_0:
0x88: {  	s2 =	sld [smem:$0x3FD9]  }
0x89: {  	s3 =	sld [smem:$0x3FFE];
	_ =	sdelay $0x1  }
0x8a: {  	s1 =	srdreg.scid  }
0x8b: {  	s0 =	sand.u32 $0x1, s1  }
0x8c: {  	s17 =	sshll.u32 s0, $0xA;
	s2 =	sadd.s32 s3, s2  }
0x8d: {  	s2 =	sadd.s32 s2, s17  }
0x8e: {  	[smem:$0x3FBF] =	sst s2  }
0x8f: {  	_ = 	snop  }
0x90: {  	(tm) =	ssettm $0x1  }
0x91: {  	s18 =	sld [smem:$0x3FFB];
	_ =	sdelay $0x3  }
0x92: {  	_ =	strace s18  }
0x93: {  	s2 =	sld [smem:$0x3FFC];
	_ =	sdelay $0x3  }
0x94: {  	_ =	strace s2  }
0x95: {  	s2 =	sld [smem:$0x3FFD];
	_ =	sdelay $0x3  }
0x96: {  	_ =	strace s2  }
0x97: {  	_ =	strace $0x8FFFFFFF  }
0x98: {  	s19 =	sld [smem:$0x3FDB];
	_ =	sdelay $0x1  }
0x99: {  	s20 =	simm.s32 $_scs_section_size  }
0x9a: {  	s4 =	simm.s32 $_size__tile_overlayer_lowered;
	s5 =	simm.s32 $_tile_overlayer_lowered  }
0x9b: {  	s6 =	simm.s32 $0x1BFF;
	s21 =	sshll.u32 s5, $0x1;
	s3 =	sadd.s32 s20, s19  }
0x9c: {  	s22 =	simm.s32 $0x0;
	s4 =	sshll.u32 s4, $0x1;
	s5 =	sadd.s32 s21, s3  }
0x9d: {  	[timem:s22], [sflag:s6] =	dma.local [hbm:s5], s4  }
0x9e: {  	_ =	swait.ge [sflag:s6], s4  }
0x9f: {  	s4 =	ssub.s32 $0x0, s4;
	[sflag:s6] =	ssyncset.done $0x0  }
0xa0: {  	[sflag:s6] =	ssyncadd.s32 s4;
	_ =	sdelay $0x1  }
0xa1: {  	s23 =	simm.s32 $0x1B8B  }
0xa2: {  	_ =	swait.ge [sflag:s23], $0x1  }
0xa3: {  	[sflag:s23] =	ssyncset.done $0x0  }
0xa4: {  	[sflag:s23] =	ssyncadd.s32 $0xFFFFFFFF  }
0xa5: {  	s4 =	sld [smem:$0x0]  }
0xa6: {  	s5 =	sand.u32 $0xFFFFFFFE, s1  }
0xa7: {  	p0 =	sne.s32 s1, s5  }
0xa8: {  	s5 =	sshll.u32 @p0 s5, $0xE  }
0xa9: {  	s5 =	sadd.s32 @p0 $0x11B8D, s5;
	s6 =	sshll.u32 @p0 s4, $0x11  }
0xaa: {  	s5 =	sor.u32 @p0 s6, s5  }
0xab: {  	[sflag:s5] =	ssyncadd.remote.s32 @p0 $0x1;
	_ =	sdelay $0x1  }
0xac: {  	s5 =	simm.s32 @p0 $0x1B8D  }
0xad: {  	_ =	swait.eq @p0 [sflag:s5], $0x1  }
0xae: {  	[sflag:s5] =	ssyncadd.s32 @p0 $0xFFFFFFFF  }
0xaf: {  	s6 =	sshll.u32 @!p0 s1, $0xE  }
0xb0: {  	s6 =	sor.u32 @!p0 $0x4000, s6;
	s5 =	simm.s32 @!p0 $0x1B8D  }
0xb1: {  	s4 =	sshll.u32 @!p0 s4, $0x11;
	s6 =	sadd.s32 @!p0 $0x11B8D, s6;
	_ =	swait.eq @!p0 [sflag:s5], $0x1  }
0xb2: {  	s4 =	sor.u32 @!p0 s4, s6;
	[sflag:s5] =	ssyncadd.s32 @!p0 $0xFFFFFFFF  }
0xb3: {  	s25 =	simm.s32 $0x1B8E;
	s24 =	sld [smem:$0x3FFE];
	[sflag:s4] =	ssyncadd.remote.s32 @!p0 $0x1  }
0xb4: {  	s26 =	simm.s32 $execute0_lowered;
	[smem:$0x3FD2] =	sst s25  }
0xb5: {  	s5 =	sshll.u32 s26, $0x1;
	_ =	strace $0x8000004F;
	[dreg:$0x1] =	wrdreg $0xFFFFFFFF  }
0xb6: {  	s28 =	simm.s32 $_size_execute0_lowered;
	s3 =	sadd.s32 s3, s5;
	[dreg:$0x0] =	wrdreg $0x0  }
0xb7: {  	s5 =	sshll.u32 s28, $0x1;
	[dreg:$0x2] =	wrdreg s3  }
0xb8: {  	[dreg:$0x3] =	wrdreg s5  }
0xb9: {  	[dreg:$0x4] =	wrdreg $0xC0  }
0xba: {  	_ =	task [dreg:s22], $0x5FFFF  }
0xbb: {  	[dreg:$0x1] =	wrdreg $0xFFFFFFFF  }
0xbc: {  	[dreg:$0x0] =	wrdreg $0x60  }
0xbd: {  	[dreg:$0x2] =	wrdreg s24  }
0xbe: {  	[dreg:$0x3] =	wrdreg $0xC  }
0xbf: {  	_ =	task.clear_ibuf [dreg:s22], $0x4FFFF;
	_ =	strace $0x9000004F  }
0xc0: {  	s29 =	simm.s32 $0xC;
	_ =	strace $0x80000051  }
0xc1: {  	_ =	swait.ge [sflag:s29], $0x1  }
0xc2: {  	[sflag:s29] =	ssyncadd.s32 $0xFFFFFFFF  }
0xc3: {  	_ =	strace $0x90000051  }
0xc4: {  	_ =	sfence  }
0xc5: {  	s30 =	sld [smem:$0x0];
	_ =	sdelay $0x2  }
0xc6: {  	s31 =	sshll.u32 s1, $0xD;
	s1 =	sshrl.u32 s1, $0x2  }
0xc7: {  	s4 =	sand.u32 $0x4000, s31;
	s1 =	sadd.s32 s1, s30  }
0xc8: {  	s0 =	sor.u32 s4, s0;
	s1 =	sshll.u32 s1, $0x11  }
0xc9: {  	s0 =	sor.u32 s1, s0  }
0xca: {  	s0 =	sadd.s32 $0x8F2B, s0  }
0xcb: {  	[sflag:s0] =	ssyncadd.remote.s32 $0x1  }
0xcc: {  	_ =	sfence.sel $0xFFFF  }
0xcd: {  	[dreg:$0x0] =	wrdreg $0xFFFFFFFF;
	(pc) =	sbr.abs _section_cstart, $3  }
0xce: {  	[dreg:$0x1] =	wrdreg $0xFFFFFFFF  }
0xcf: {  	_ =	task.clear_ibuf [dreg:s22], $0x2FFFF;
	_ =	strace $0x9FFFFFFF  }
0xd0: {  	(tm) =	ssettm $0x7FFFFFFF  }
0xd1: {  	_ =	shalt  }
tec
execute0_lowered:
.L_overlay_start_1:
0x0: {  	(tag) =	ssettag $0x1  }
0x1: {  	s0 =	srdreg.scid  }
0x2: {  	s10 =	stileid.u32;
	s1 =	rddreg [dreg:$0x0];
	s2 =	simm.s32 $0x0  }
0x3: {  	s13 =	simm.s32 $0x9;
	s14 =	simm.s32 $0x80;
	s15 =	simm.s32 $0x1C00  }
0x4: {  	s16 =	simm.s32 $0x5C00;
	s18 =	simm.s32 $0x9C00;
	s19 =	simm.s32 $0x1  }
0x5: {  	s21 =	simm.s32 $0xDC00;
	s22 =	simm.s32 $0x2;
	s23 =	simm.s32 $0x5  }
0x6: {  	s24 =	simm.s32 $0x3;
	s28 =	simm.s32 $0x7;
	s29 =	simm.s32 $0x8  }
0x7: {  	s0 =	sand.u32 $0x1, s0;
	s3 =	sshll.u32 s10, $0x1;
	s26 =	smul.u32 $0x32000, s10  }
0x8: {  	s4 =	sor.u32 s0, s3;
	s6 =	ssub.s32 $0x2, s0;
	s0 =	smul.u32 $0x19000, s0  }
0x9: {  	s31 =	simm.s32 $0x1880;
	[smem:$0x7FF] =	sst s2;
	s3 =	smul.u32 $0x380, s4  }
0xa: {  	_ =	strace $0x80000050;
	s8 =	sshrl.u32 s6, $0x1;
	s9 =	smul.u32 $0xC8000, s4  }
0xb: {  	s7 =	smul.u32 $0x19000, s4;
	s11 =	ssub.s32 s6, s8;
	s5 =	sadd.s32 s3, s1  }
0xc: {  	s3 =	sadd.s32 $0x2200, s1;
	s1 =	sadd.s32 $0xAFDE00, s1;
	s25 =	sshrl.u32 s9, $0x3  }
0xd: {  	s11 =	smax.u32 s11, $0x1;
	s4 =	sadd.s32 $0x4B6E00, s5;
	s5 =	sadd.s32 s1, s7  }
0xe: {  	s30 =	sadd.s32 s1, s25;
	s1 =	sadd.s32 s26, s1;
	s25 =	simm.s32 $0x6  }
0xf: {  	s26 =	simm.s32 $0x4;
	s6 =	sadd.s32 $0x800, s5;
	s7 =	sadd.s32 $0x17000, s30  }
0x10: {  	s8 =	sadd.s32 $0x17800, s30;
	s9 =	sadd.s32 $0x18000, s30;
	s0 =	sadd.s32 s0, s1  }
0x11: {  	s10 =	sadd.s32 $0x18800, s30;
	s1 =	simm.s32 $0x0;
	s12 =	sadd.s32 $0x1800, s0  }
.LBB2_1:
0x12: {  	[tilespmem:s2], [sflag:$0x9] =	stream.linear.gather [hbm4b:s4+s2], $0x1900, $0x38;
	[tilespmem:$0x11C00] =	vst v63  }
0x13: {  	_ =	swait.ge [sflag:s13], $0x1900  }
0x14: {  	[sflag:s13] =	ssyncset.done $0x0  }
0x15: {  	[sflag:s13] =	ssyncadd.s32 $0xFFFFE700  }
0x16: {  	[tilespmem:s15], [sflag:$0x1] =	stream.indirect.gather [hbm4b:s3+s14], $0x80, s2, s14, $0xb8;
	[tilespmem:$0x11C00] =	vst v63  }
0x17: {  	_ = 	snop  }
0x18: {  	[tilespmem:s16], [sflag:$0x2] =	stream.indirect.gather [hbm4b:s3+s14], $0x80, s14, s14, $0xb8;
	[tilespmem:$0x11C00] =	vst v63  }
0x19: {  	s0 =	simm.s32 $0x100  }
0x1a: {  	[tilespmem:s18], [sflag:$0x3] =	stream.indirect.gather [hbm4b:s3+s14], $0x80, s0, s14, $0xb8;
	[tilespmem:$0x11C00] =	vst v63  }
0x1b: {  	_ =	swait.ge [sflag:s19], $0x4000  }
0x1c: {  	[sflag:s19] =	ssyncset.done $0x0  }
0x1d: {  	[sflag:s19] =	ssyncadd.s32 $0xFFFFC000  }
0x1e: {  	[hbm4b:s5+s2] =	stream.linear.scatter [tilespmem:s15], [sflag:$0x5], $0x4000, $0x38;
	[tilespmem:$0x11C00] =	vst v63  }
0x1f: {  	s30 =	simm.s32 $0x180  }
0x20: {  	[tilespmem:s21], [sflag:$0x4] =	stream.indirect.gather [hbm4b:s3+s14], $0x80, s30, s14, $0xb8;
	[tilespmem:$0x11C00] =	vst v63  }
0x21: {  	_ =	swait.ge [sflag:s22], $0x4000  }
0x22: {  	[sflag:s22] =	ssyncset.done $0x0  }
0x23: {  	[sflag:s22] =	ssyncadd.s32 $0xFFFFC000  }
0x24: {  	[hbm4b:s6+s2] =	stream.linear.scatter [tilespmem:s16], [sflag:$0x6], $0x4000, $0x38;
	[tilespmem:$0x11C00] =	vst v63  }
0x25: {  	_ =	swait.ge [sflag:s23], $0x4000  }
0x26: {  	[sflag:s23] =	ssyncset.done $0x0  }
0x27: {  	s17 =	simm.s32 $0x200;
	[sflag:s23] =	ssyncadd.s32 $0xFFFFC000  }
0x28: {  	[tilespmem:s15], [sflag:$0x1] =	stream.indirect.gather [hbm4b:s3+s14], $0x80, s17, s14, $0xb8;
	[tilespmem:$0x11C00] =	vst v63  }
0x29: {  	_ =	swait.ge [sflag:s24], $0x4000  }
0x2a: {  	[sflag:s24] =	ssyncset.done $0x0  }
0x2b: {  	s20 =	sadd.s32 $0xFFFFF800, s12;
	[sflag:s24] =	ssyncadd.s32 $0xFFFFC000  }
0x2c: {  	[hbm4b:s20+s2] =	stream.linear.scatter [tilespmem:s18], [sflag:$0x7], $0x4000, $0x38;
	[tilespmem:$0x11C00] =	vst v63  }
0x2d: {  	_ =	swait.ge [sflag:s25], $0x4000  }
0x2e: {  	[sflag:s25] =	ssyncset.done $0x0  }
0x2f: {  	s30 =	simm.s32 $0x280;
	[sflag:s25] =	ssyncadd.s32 $0xFFFFC000  }
0x30: {  	[tilespmem:s16], [sflag:$0x2] =	stream.indirect.gather [hbm4b:s3+s14], $0x80, s30, s14, $0xb8;
	[tilespmem:$0x11C00] =	vst v63  }
0x31: {  	_ =	swait.ge [sflag:s26], $0x4000  }
0x32: {  	[sflag:s26] =	ssyncset.done $0x0  }
0x33: {  	[sflag:s26] =	ssyncadd.s32 $0xFFFFC000  }
0x34: {  	[hbm4b:s12+s2] =	stream.linear.scatter [tilespmem:s21], [sflag:$0x8], $0x4000, $0x38;
	[tilespmem:$0x11C00] =	vst v63  }
0x35: {  	_ =	swait.ge [sflag:s28], $0x4000  }
0x36: {  	[sflag:s28] =	ssyncset.done $0x0  }
0x37: {  	s17 =	simm.s32 $0x300;
	[sflag:s28] =	ssyncadd.s32 $0xFFFFC000  }
0x38: {  	[tilespmem:s18], [sflag:$0x3] =	stream.indirect.gather [hbm4b:s3+s14], $0x80, s17, s14, $0xb8;
	[tilespmem:$0x11C00] =	vst v63  }
0x39: {  	_ =	swait.ge [sflag:s19], $0x4000  }
0x3a: {  	[sflag:s19] =	ssyncset.done $0x0  }
0x3b: {  	s20 =	sadd.s32 $0x800, s12;
	[sflag:s19] =	ssyncadd.s32 $0xFFFFC000  }
0x3c: {  	[hbm4b:s20+s2] =	stream.linear.scatter [tilespmem:s15], [sflag:$0x5], $0x4000, $0x38;
	[tilespmem:$0x11C00] =	vst v63  }
0x3d: {  	_ =	swait.ge [sflag:s29], $0x4000  }
0x3e: {  	[sflag:s29] =	ssyncset.done $0x0  }
0x3f: {  	s30 =	simm.s32 $0x380;
	[sflag:s29] =	ssyncadd.s32 $0xFFFFC000  }
0x40: {  	[tilespmem:s21], [sflag:$0x4] =	stream.indirect.gather [hbm4b:s3+s14], $0x80, s30, s14, $0xb8;
	[tilespmem:$0x11C00] =	vst v63  }
0x41: {  	_ =	swait.ge [sflag:s22], $0x4000  }
0x42: {  	s0 =	simm.s32 $0x800;
	[sflag:s22] =	ssyncset.done $0x0  }
0x43: {  	s17 =	sadd.s32 $0x2000, s12;
	s20 =	sadd.s32 $0x1000, s12;
	[sflag:s22] =	ssyncadd.s32 $0xFFFFC000  }
.LBB2_2:
0x44: {  	[hbm4b:s20+s2] =	stream.linear.scatter [tilespmem:s16], [sflag:$0x6], $0x4000, $0x38;
	[tilespmem:$0x11C00] =	vst v63  }
0x45: {  	s20 =	smov.u32 s0  }
0x46: {  	p0 =	sne.s32 s0, $0x5000;
	s0 =	sadd.s32 $0x800, s0;
	_ =	swait.ge [sflag:s23], $0x4000  }
0x47: {  	s20 =	sshra.s32 s20, $0x2;
	[sflag:s23] =	ssyncset.done $0x0  }
0x48: {  	s30 =	sadd.s32 $0x200, s20;
	[sflag:s23] =	ssyncadd.s32 $0xFFFFC000  }
0x49: {  	[tilespmem:s15], [sflag:$0x1] =	stream.indirect.gather [hbm4b:s3+s14], $0x80, s30, s14, $0xb8;
	[tilespmem:$0x11C00] =	vst v63  }
0x4a: {  	_ =	swait.ge [sflag:s24], $0x4000  }
0x4b: {  	[sflag:s24] =	ssyncset.done $0x0  }
0x4c: {  	s30 =	sadd.s32 $0xFFFFF800, s17;
	[sflag:s24] =	ssyncadd.s32 $0xFFFFC000  }
0x4d: {  	[hbm4b:s30+s2] =	stream.linear.scatter [tilespmem:s18], [sflag:$0x7], $0x4000, $0x38;
	[tilespmem:$0x11C00] =	vst v63  }
0x4e: {  	_ =	swait.ge [sflag:s25], $0x4000  }
0x4f: {  	[sflag:s25] =	ssyncset.done $0x0  }
0x50: {  	s30 =	sadd.s32 $0x280, s20;
	[sflag:s25] =	ssyncadd.s32 $0xFFFFC000  }
0x51: {  	[tilespmem:s16], [sflag:$0x2] =	stream.indirect.gather [hbm4b:s3+s14], $0x80, s30, s14, $0xb8;
	[tilespmem:$0x11C00] =	vst v63  }
0x52: {  	_ =	swait.ge [sflag:s26], $0x4000  }
0x53: {  	[sflag:s26] =	ssyncset.done $0x0  }
0x54: {  	[sflag:s26] =	ssyncadd.s32 $0xFFFFC000  }
0x55: {  	[hbm4b:s17+s2] =	stream.linear.scatter [tilespmem:s21], [sflag:$0x8], $0x4000, $0x38;
	[tilespmem:$0x11C00] =	vst v63  }
0x56: {  	_ =	swait.ge [sflag:s28], $0x4000  }
0x57: {  	[sflag:s28] =	ssyncset.done $0x0  }
0x58: {  	s30 =	sadd.s32 $0x300, s20;
	[sflag:s28] =	ssyncadd.s32 $0xFFFFC000  }
0x59: {  	[tilespmem:s18], [sflag:$0x3] =	stream.indirect.gather [hbm4b:s3+s14], $0x80, s30, s14, $0xb8;
	[tilespmem:$0x11C00] =	vst v63  }
0x5a: {  	_ =	swait.ge [sflag:s19], $0x4000  }
0x5b: {  	[sflag:s19] =	ssyncset.done $0x0  }
0x5c: {  	s30 =	sadd.s32 $0x800, s17;
	[sflag:s19] =	ssyncadd.s32 $0xFFFFC000  }
0x5d: {  	[hbm4b:s30+s2] =	stream.linear.scatter [tilespmem:s15], [sflag:$0x5], $0x4000, $0x38;
	[tilespmem:$0x11C00] =	vst v63  }
0x5e: {  	_ =	swait.ge [sflag:s29], $0x4000  }
0x5f: {  	[sflag:s29] =	ssyncset.done $0x0  }
.Ltmp0:
0x60: {  	s20 =	sadd.s32 $0x380, s20;
	[sflag:s29] =	ssyncadd.s32 $0xFFFFC000;
	(pc) =	sbr.rel @p0 .LBB2_2-.Ltmp0, $4  }
0x61: {  	[tilespmem:s21], [sflag:$0x4] =	stream.indirect.gather [hbm4b:s3+s14], $0x80, s20, s14, $0xb8;
	[tilespmem:$0x11C00] =	vst v63  }
0x62: {  	_ =	swait.ge [sflag:s22], $0x4000  }
0x63: {  	[sflag:s22] =	ssyncset.done $0x0  }
0x64: {  	s20 =	sadd.s32 $0x1000, s17;
	s17 =	sadd.s32 $0x2000, s17;
	[sflag:s22] =	ssyncadd.s32 $0xFFFFC000  }
0x65: {  	[hbm4b:s20+s2] =	stream.linear.scatter [tilespmem:s16], [sflag:$0x6], $0x4000, $0x38;
	[tilespmem:$0x11C00] =	vst v63  }
0x66: {  	_ =	swait.ge [sflag:s23], $0x4000  }
0x67: {  	[sflag:s23] =	ssyncset.done $0x0  }
0x68: {  	s0 =	simm.s32 $0x1800;
	[sflag:s23] =	ssyncadd.s32 $0xFFFFC000  }
0x69: {  	[tilespmem:s15], [sflag:$0x1] =	stream.indirect.gather [hbm4b:s3+s14], $0x80, s0, s14, $0xb8;
	[tilespmem:$0x11C00] =	vst v63  }
0x6a: {  	_ =	swait.ge [sflag:s24], $0x4000  }
0x6b: {  	[sflag:s24] =	ssyncset.done $0x0  }
0x6c: {  	[sflag:s24] =	ssyncadd.s32 $0xFFFFC000  }
0x6d: {  	[hbm4b:s7+s2] =	stream.linear.scatter [tilespmem:s18], [sflag:$0x7], $0x4000, $0x38;
	[tilespmem:$0x11C00] =	vst v63  }
0x6e: {  	_ =	swait.ge [sflag:s25], $0x4000  }
0x6f: {  	[sflag:s25] =	ssyncset.done $0x0  }
0x70: {  	[sflag:s25] =	ssyncadd.s32 $0xFFFFC000  }
0x71: {  	[tilespmem:s16], [sflag:$0x2] =	stream.indirect.gather [hbm4b:s3+s14], $0x80, s31, s14, $0xb8;
	[tilespmem:$0x11C00] =	vst v63  }
0x72: {  	_ =	swait.ge [sflag:s26], $0x4000  }
0x73: {  	[sflag:s26] =	ssyncset.done $0x0  }
0x74: {  	[sflag:s26] =	ssyncadd.s32 $0xFFFFC000  }
0x75: {  	[hbm4b:s8+s2] =	stream.linear.scatter [tilespmem:s21], [sflag:$0x8], $0x4000, $0x38;
	[tilespmem:$0x11C00] =	vst v63  }
0x76: {  	_ =	swait.ge [sflag:s19], $0x4000  }
0x77: {  	[sflag:s19] =	ssyncset.done $0x0  }
0x78: {  	[sflag:s19] =	ssyncadd.s32 $0xFFFFC000  }
0x79: {  	[hbm4b:s9+s2] =	stream.linear.scatter [tilespmem:s15], [sflag:$0x5], $0x4000, $0x38;
	[tilespmem:$0x11C00] =	vst v63  }
0x7a: {  	_ =	swait.ge [sflag:s22], $0x4000  }
0x7b: {  	[sflag:s22] =	ssyncset.done $0x0  }
0x7c: {  	[sflag:s22] =	ssyncadd.s32 $0xFFFFC000  }
0x7d: {  	[hbm4b:s10+s2] =	stream.linear.scatter [tilespmem:s16], [sflag:$0x6], $0x4000, $0x38;
	[tilespmem:$0x11C00] =	vst v63  }
0x7e: {  	_ =	swait.ge [sflag:s28], $0x4000  }
0x7f: {  	[sflag:s28] =	ssyncset.done $0x0  }
0x80: {  	[sflag:s28] =	ssyncadd.s32 $0xFFFFC000  }
0x81: {  	_ =	swait.ge [sflag:s29], $0x4000  }
0x82: {  	[sflag:s29] =	ssyncset.done $0x0  }
0x83: {  	s1 =	sadd.s32 $0x1, s1;
	[sflag:s29] =	ssyncadd.s32 $0xFFFFC000  }
0x84: {  	p0 =	sne.s32 s1, s11;
	_ =	swait.ge [sflag:s23], $0x4000  }
.Ltmp1:
0x85: {  	[sflag:s23] =	ssyncset.done $0x0;
	(pc) =	sbr.rel @p0 .LBB2_1-.Ltmp1, $4  }
0x86: {  	[sflag:s23] =	ssyncadd.s32 $0xFFFFC000  }
0x87: {  	_ =	swait.ge [sflag:s25], $0x4000  }
0x88: {  	[sflag:s25] =	ssyncset.done $0x0  }
0x89: {  	[sflag:s25] =	ssyncadd.s32 $0xFFFFC000  }
0x8a: {  	_ =	sfence.sel $0x180000  }
0x8b: {  	[bflag:$0x0] =	sbarrier.arrive $0xFFFF  }
0x8c: {  	_ =	strace $0x90000050  }
0x8d: {  	s0 =	stileid.u32;
	[bflag:$0x2] =	sbarrier.arrive $0xFFFF  }
0x8e: {  	p0 =	sne.s32 s0, $0x0;
	s0 =	rddreg [dreg:$0x1]  }
0x8f: {  	s0 =	sadd.s32 @!p0 $0x100000, s0  }
0x90: {  	[sflag:s0] =	ssyncadd.tile.s32 @!p0 $0x1;
	_ =	shalt  }
.Lfunc_end2:
_tile_overlayer_lowered:
.L_overlay_start_2:
0x91: {  	(tag) =	ssettag $0x2  }
0x92: {  	s0 =	rddreg [dreg:$0x0];
	s2 =	stileid.u32  }
0x93: {  	s1 =	rddreg [dreg:$0x1];
	p0 =	sne.s32 s2, $0x0  }
0x94: {  	s3 =	rddreg [dreg:$0x2];
	[bflag:$0x3] =	sbarrier.arrive $0xFFFF;
	s2 =	simm.s32 @!p0 $0x1C09  }
0x95: {  	[timem:s3], [sflag:s2] =	dma.local @!p0 [hbm:s0], s1  }
0x96: {  	s0 =	simm.s32 @!p0 $0x9  }
0x97: {  	_ =	swait.ge @!p0 [sflag:s0], s1  }
0x98: {  	s1 =	ssub.s32 @!p0 $0x0, s1;
	[sflag:s0] =	ssyncset.done @!p0 $0x0  }
0x99: {  	[sflag:s0] =	ssyncadd.s32 @!p0 s1  }
0x9a: {  	[bflag:$0x3] =	sbarrier.arrive $0xFFFF  }
0x9b: {  	_ =	shalt  }

</sc_bundles>
